<compile_context>
chip_gen: v7x
topology: tpu7x:2x2x1
jax: 0.10.2.dev20260603
libtpu: 0.0.44.dev20260713+nightly
codegen_flags: <defaults>
</compile_context>

<pallas_src>
import functools

import jax
import jax.numpy as jnp
from jax import lax
from jax.experimental import pallas as pl
from jax.experimental.pallas import tpu as pltpu
from jax.experimental.pallas import tpu_sc as plsc

B = 4096
S = 200
D = 64
H = 64
NCLS = 4
NCLS_PAD = 8
VOCAB = 1000000

NC = 2
NS = 16
NW = NC * NS
L = 16
DP = 128

NBUF = 4
B_PER_W = B // NW
C0, C1 = 104, 96
LANE_CHUNKS = D // L
ACC_UNROLL = 8
SP = 256
N_IDX = B_PER_W * SP

VCHUNK = 16384

_mesh = plsc.VectorSubcoreMesh(core_axis_name="c", subcore_axis_name="s")


@functools.partial(
    pl.kernel,
    mesh=_mesh,
    compiler_params=pltpu.CompilerParams(use_tc_tiling_on_sc=False),
    out_type=jax.ShapeDtypeStruct((B, D), jnp.float32),
    scratch_types=[
        pltpu.VMEM((N_IDX,), jnp.int32),
        *[pltpu.VMEM((S, D), jnp.float32) for _ in range(NBUF)],
        pltpu.VMEM((B_PER_W, D), jnp.float32),
        *[pltpu.SemaphoreType.DMA for _ in range(NBUF)],
    ],
)
def _pool_sums(x_hbm, emb_hbm, out_hbm, idx_v, *rest):
    bufs = rest[:NBUF]
    out_v = rest[NBUF]
    sems = rest[NBUF + 1 : NBUF + 1 + NBUF]

    wid = lax.axis_index("s") * NC + lax.axis_index("c")
    base = wid * B_PER_W

    pltpu.sync_copy(x_hbm.at[pl.ds(base * SP, N_IDX)], idx_v)

    def issue(row, buf, sem):
        pltpu.async_copy(emb_hbm.at[idx_v.at[pl.ds(row * SP, C0)]],
                         buf.at[pl.ds(0, C0)], sem)
        pltpu.async_copy(emb_hbm.at[idx_v.at[pl.ds(row * SP + C0, C1)]],
                         buf.at[pl.ds(C0, C1)], sem)

    def wait(row, buf, sem):
        pltpu.make_async_copy(emb_hbm.at[idx_v.at[pl.ds(row * SP, C0)]],
                              buf.at[pl.ds(0, C0)], sem).wait()
        pltpu.make_async_copy(emb_hbm.at[idx_v.at[pl.ds(row * SP + C0, C1)]],
                              buf.at[pl.ds(C0, C1)], sem).wait()

    def reduce_row(row, buf):
        def acc_body(j8, accs):
            new = list(accs)
            for jj in range(ACC_UNROLL):
                j = j8 * ACC_UNROLL + jj
                for k in range(LANE_CHUNKS):
                    new[k] = new[k] + buf[j, pl.ds(k * L, L)]
            return tuple(new)

        accs = tuple(jnp.zeros((L,), jnp.float32) for _ in range(LANE_CHUNKS))
        accs = lax.fori_loop(0, S // ACC_UNROLL, acc_body, accs)
        for k in range(LANE_CHUNKS):
            out_v[row, pl.ds(k * L, L)] = accs[k]

    for p in range(NBUF):
        issue(p, bufs[p], sems[p])

    def body(blk, _):
        for p in range(NBUF):
            row = blk * NBUF + p
            wait(row, bufs[p], sems[p])
            reduce_row(row, bufs[p])
            issue(row + NBUF, bufs[p], sems[p])
        return ()

    lax.fori_loop(0, B_PER_W // NBUF - 1, body, ())

    for p in range(NBUF):
        row = B_PER_W - NBUF + p
        wait(row, bufs[p], sems[p])
        reduce_row(row, bufs[p])

    pltpu.sync_copy(out_v, out_hbm.at[pl.ds(base, B_PER_W)])


def _repack_body(embt_ref, o_ref):
    o_ref[:, :D] = embt_ref[...].T
    o_ref[:, D:] = jnp.zeros((VCHUNK, DP - D), jnp.float32)


_repack = pl.pallas_call(
    _repack_body,
    grid=((VOCAB + VCHUNK - 1) // VCHUNK,),
    in_specs=[
        pl.BlockSpec((D, VCHUNK), lambda i: (0, i)),
    ],
    out_specs=pl.BlockSpec((VCHUNK, DP), lambda i: (i, 0)),
    out_shape=jax.ShapeDtypeStruct((VOCAB, DP), jnp.float32),
)


def _pad_idx_body(x_ref, o_ref):
    o_ref[:, :S] = x_ref[...] * 2
    o_ref[:, S:] = jnp.zeros((B, SP - S), jnp.int32)


_pad_idx = pl.pallas_call(
    _pad_idx_body,
    out_shape=jax.ShapeDtypeStruct((B, SP), jnp.int32),
)


def _mlp_body(sums_ref, w1t_ref, b1_ref, w2t_ref, b2_ref, out_ref):
    pooled = sums_ref[...] * (1.0 / S)
    h = jnp.dot(pooled, w1t_ref[...], preferred_element_type=jnp.float32)
    h = jnp.maximum(h + b1_ref[...], 0.0)
    out_ref[...] = (
        jnp.dot(h, w2t_ref[...], preferred_element_type=jnp.float32)
        + b2_ref[...]
    )


_mlp = pl.pallas_call(
    _mlp_body,
    out_shape=jax.ShapeDtypeStruct((B, NCLS_PAD), jnp.float32),
)


def kernel(x, emb, W1, b1, W2, b2):
    x32 = x.astype(jnp.int32)
    x_flat = _pad_idx(x32).reshape(-1)
    table = _repack(emb.T).reshape(2 * VOCAB, D)
    sums = _pool_sums(x_flat, table)
    w2t_pad = jnp.zeros((H, NCLS_PAD), jnp.float32).at[:, :NCLS].set(W2.T)
    b2_pad = jnp.zeros((1, NCLS_PAD), jnp.float32).at[0, :NCLS].set(b2)
    logits = _mlp(sums, W1.T, b1.reshape(1, H), w2t_pad, b2_pad)
    return logits[:, :NCLS]

# --- scband reference (transcript-rebuilt; emitter-appended) ---
"""Pipeline reference for scband-resume-classifier-61993557950690 (READ-ONLY COPY).

The authoritative reference and input builder live on the scoring server;
editing this copy changes nothing except your own understanding.
"""

import jax, jax.numpy as jnp
import numpy as np

VOCAB = 1000000
EMBED_DIM = 64
HIDDEN_DIM = 64
NUM_CLASSES = 4
BATCH = 4096
SEQ = 200


def setup_inputs(seed: int = 0) -> dict:
    key = jax.random.key(seed)
    k0, k1, k2, k3 = jax.random.split(key, 4)
    x = jax.random.randint(k0, (BATCH, SEQ), 0, VOCAB, dtype=jnp.int64 if jax.config.jax_enable_x64 else jnp.int32)
    emb = jax.random.normal(k1, (VOCAB, EMBED_DIM), dtype=jnp.float32)
    emb = emb.at[0].set(0.0)  # padding_idx=0
    W1 = jax.random.normal(k2, (HIDDEN_DIM, EMBED_DIM), dtype=jnp.float32) * 0.05
    b1 = jnp.zeros((HIDDEN_DIM,), dtype=jnp.float32)
    W2 = jax.random.normal(k3, (NUM_CLASSES, HIDDEN_DIM), dtype=jnp.float32) * 0.05
    b2 = jnp.zeros((NUM_CLASSES,), dtype=jnp.float32)
    return {"x": x, "emb": emb, "W1": W1, "b1": b1, "W2": W2, "b2": b2}


def reference(x, emb, W1, b1, W2, b2):
    # embedding lookup (gather)
    embedded = jnp.take(emb, x, axis=0)          # [B, S, D]
    pooled = jnp.mean(embedded, axis=1)          # [B, D]
    h = jax.nn.relu(pooled @ W1.T + b1)          # fc1 + relu
    # dropout is identity in eval mode
    logits = h @ W2.T + b2                       # fc2
    return logits

if __name__ == "__main__":
    import jax
    _d = setup_inputs()
    print(jax.jit(kernel)(*tuple(_d.values())))

</pallas_src>

<mosaic_0001>
#map = affine_map<(d0, d1) -> (0)>
#map1 = affine_map<(d0, d1) -> (0, 0)>
module attributes {stable_mosaic.version = 14 : i64} {
  func.func @_pool_sums(%arg0: i32, %arg1: i32, %arg2: memref<1048576xi32, #tpu.memory_space<hbm>>, %arg3: memref<2000000x64xf32, #tpu.memory_space<hbm>>, %arg4: memref<4096x64xf32, #tpu.memory_space<hbm>>, %arg5: memref<32768xi32, #tpu.memory_space<vmem>>, %arg6: memref<200x64xf32, #tpu.memory_space<vmem>>, %arg7: memref<200x64xf32, #tpu.memory_space<vmem>>, %arg8: memref<200x64xf32, #tpu.memory_space<vmem>>, %arg9: memref<200x64xf32, #tpu.memory_space<vmem>>, %arg10: memref<128x64xf32, #tpu.memory_space<vmem>>, %arg11: memref<!tpu.dma_semaphore, #tpu.memory_space<semaphore_mem>>, %arg12: memref<!tpu.dma_semaphore, #tpu.memory_space<semaphore_mem>>, %arg13: memref<!tpu.dma_semaphore, #tpu.memory_space<semaphore_mem>>, %arg14: memref<!tpu.dma_semaphore, #tpu.memory_space<semaphore_mem>>) attributes {dimension_semantics = [#tpu.dimension_semantics<core_parallel>, #tpu.dimension_semantics<subcore_parallel>], iteration_bounds = array<i64: 2, 16>, scalar_prefetch = 0 : i64, scratch_operands = 10 : i64, tpu.core_type = #tpu.core_type<sc_vector_subcore>, window_params = [{transform_indices = #map}, {transform_indices = #map1}, {transform_indices = #map1}]} {
    %mul3A = arith.constant 2 : i32
    %mul3A_0 = arith.muli %arg1, %mul3A : i32
    %add3A = arith.addi %mul3A_0, %arg0 : i32
    %mul3A_1 = arith.constant 128 : i32
    %mul3A_2 = arith.muli %add3A, %mul3A_1 : i32
    %mul3A_3 = arith.constant 256 : i32
    %mul3A_4 = arith.muli %mul3A_2, %mul3A_3 : i32
    "tpu.region"() ({
      %run_scoped3A = tpu.sem_alloc : memref<!tpu.dma_semaphore, #tpu.memory_space<semaphore_mem>>
      %dma_start3A_285 = tpu.memref_slice %arg2[%mul3A_4] : memref<1048576xi32, #tpu.memory_space<hbm>> -> memref<32768xi32, #tpu.memory_space<hbm>>
      %dma_start3A_286 = tpu.memref_slice %arg2[%mul3A_4] : memref<1048576xi32, #tpu.memory_space<hbm>> -> memref<32768xi32, #tpu.memory_space<hbm>>
      tpu.enqueue_dma source(%dma_start3A_286 : memref<32768xi32, #tpu.memory_space<hbm>>) target(%arg5 : memref<32768xi32, #tpu.memory_space<vmem>>) target_semaphore(%run_scoped3A : memref<!tpu.dma_semaphore, #tpu.memory_space<semaphore_mem>>)
      %dma_wait3A_287 = tpu.memref_slice %arg2[%mul3A_4] : memref<1048576xi32, #tpu.memory_space<hbm>> -> memref<32768xi32, #tpu.memory_space<hbm>>
      %dma_wait3A_288 = tpu.memref_slice %arg2[%mul3A_4] : memref<1048576xi32, #tpu.memory_space<hbm>> -> memref<32768xi32, #tpu.memory_space<hbm>>
      tpu.wait_dma2 semaphore(%run_scoped3A : memref<!tpu.dma_semaphore, #tpu.memory_space<semaphore_mem>>) src(%dma_wait3A_288 : memref<32768xi32, #tpu.memory_space<hbm>>) dst(%arg5 : memref<32768xi32, #tpu.memory_space<vmem>>)
      tpu.yield
    }) : () -> ()
    %dma_start3A = arith.constant 0 : i32
    %dma_start3A_5 = arith.constant 0 : i32
    %dma_start3A_6 = tpu.memref_slice %arg6[%dma_start3A, %dma_start3A_5] : memref<200x64xf32, #tpu.memory_space<vmem>> -> memref<104x64xf32, #tpu.memory_space<vmem>>
    %dma_start3A_7 = arith.constant 0 : i32
    %dma_start3A_8 = tpu.memref_slice %arg5[%dma_start3A_7] : memref<32768xi32, #tpu.memory_space<vmem>> -> memref<104xi32, #tpu.memory_space<vmem>>
    %dma_start3A_9 = arith.constant 0 : i32
    %dma_start3A_10 = arith.constant 0 : i32
    %dma_start3A_11 = tpu.memref_slice %arg3[%dma_start3A_9, %dma_start3A_10] : memref<2000000x64xf32, #tpu.memory_space<hbm>> -> memref<2000000x64xf32, #tpu.memory_space<hbm>>
    tpu.enqueue_indirect_dma source(%dma_start3A_11 : memref<2000000x64xf32, #tpu.memory_space<hbm>>) target(%dma_start3A_6 : memref<104x64xf32, #tpu.memory_space<vmem>>) offsets(%dma_start3A_8 : memref<104xi32, #tpu.memory_space<vmem>>) semaphore(%arg11 : memref<!tpu.dma_semaphore, #tpu.memory_space<semaphore_mem>>)
    %dma_start3A_12 = arith.constant 104 : i32
    %dma_start3A_13 = arith.constant 0 : i32
    %dma_start3A_14 = tpu.memref_slice %arg6[%dma_start3A_12, %dma_start3A_13] : memref<200x64xf32, #tpu.memory_space<vmem>> -> memref<96x64xf32, #tpu.memory_space<vmem>>
    %dma_start3A_15 = arith.constant 104 : i32
    %dma_start3A_16 = tpu.memref_slice %arg5[%dma_start3A_15] : memref<32768xi32, #tpu.memory_space<vmem>> -> memref<96xi32, #tpu.memory_space<vmem>>
    %dma_start3A_17 = arith.constant 0 : i32
    %dma_start3A_18 = arith.constant 0 : i32
    %dma_start3A_19 = tpu.memref_slice %arg3[%dma_start3A_17, %dma_start3A_18] : memref<2000000x64xf32, #tpu.memory_space<hbm>> -> memref<2000000x64xf32, #tpu.memory_space<hbm>>
    tpu.enqueue_indirect_dma source(%dma_start3A_19 : memref<2000000x64xf32, #tpu.memory_space<hbm>>) target(%dma_start3A_14 : memref<96x64xf32, #tpu.memory_space<vmem>>) offsets(%dma_start3A_16 : memref<96xi32, #tpu.memory_space<vmem>>) semaphore(%arg11 : memref<!tpu.dma_semaphore, #tpu.memory_space<semaphore_mem>>)
    %dma_start3A_20 = arith.constant 0 : i32
    %dma_start3A_21 = arith.constant 0 : i32
    %dma_start3A_22 = tpu.memref_slice %arg7[%dma_start3A_20, %dma_start3A_21] : memref<200x64xf32, #tpu.memory_space<vmem>> -> memref<104x64xf32, #tpu.memory_space<vmem>>
    %dma_start3A_23 = arith.constant 256 : i32
    %dma_start3A_24 = tpu.memref_slice %arg5[%dma_start3A_23] : memref<32768xi32, #tpu.memory_space<vmem>> -> memref<104xi32, #tpu.memory_space<vmem>>
    %dma_start3A_25 = arith.constant 0 : i32
    %dma_start3A_26 = arith.constant 0 : i32
    %dma_start3A_27 = tpu.memref_slice %arg3[%dma_start3A_25, %dma_start3A_26] : memref<2000000x64xf32, #tpu.memory_space<hbm>> -> memref<2000000x64xf32, #tpu.memory_space<hbm>>
    tpu.enqueue_indirect_dma source(%dma_start3A_27 : memref<2000000x64xf32, #tpu.memory_space<hbm>>) target(%dma_start3A_22 : memref<104x64xf32, #tpu.memory_space<vmem>>) offsets(%dma_start3A_24 : memref<104xi32, #tpu.memory_space<vmem>>) semaphore(%arg12 : memref<!tpu.dma_semaphore, #tpu.memory_space<semaphore_mem>>)
    %dma_start3A_28 = arith.constant 104 : i32
    %dma_start3A_29 = arith.constant 0 : i32
    %dma_start3A_30 = tpu.memref_slice %arg7[%dma_start3A_28, %dma_start3A_29] : memref<200x64xf32, #tpu.memory_space<vmem>> -> memref<96x64xf32, #tpu.memory_space<vmem>>
    %dma_start3A_31 = arith.constant 360 : i32
    %dma_start3A_32 = tpu.memref_slice %arg5[%dma_start3A_31] : memref<32768xi32, #tpu.memory_space<vmem>> -> memref<96xi32, #tpu.memory_space<vmem>>
    %dma_start3A_33 = arith.constant 0 : i32
    %dma_start3A_34 = arith.constant 0 : i32
    %dma_start3A_35 = tpu.memref_slice %arg3[%dma_start3A_33, %dma_start3A_34] : memref<2000000x64xf32, #tpu.memory_space<hbm>> -> memref<2000000x64xf32, #tpu.memory_space<hbm>>
    tpu.enqueue_indirect_dma source(%dma_start3A_35 : memref<2000000x64xf32, #tpu.memory_space<hbm>>) target(%dma_start3A_30 : memref<96x64xf32, #tpu.memory_space<vmem>>) offsets(%dma_start3A_32 : memref<96xi32, #tpu.memory_space<vmem>>) semaphore(%arg12 : memref<!tpu.dma_semaphore, #tpu.memory_space<semaphore_mem>>)
    %dma_start3A_36 = arith.constant 0 : i32
    %dma_start3A_37 = arith.constant 0 : i32
    %dma_start3A_38 = tpu.memref_slice %arg8[%dma_start3A_36, %dma_start3A_37] : memref<200x64xf32, #tpu.memory_space<vmem>> -> memref<104x64xf32, #tpu.memory_space<vmem>>
    %dma_start3A_39 = arith.constant 512 : i32
    %dma_start3A_40 = tpu.memref_slice %arg5[%dma_start3A_39] : memref<32768xi32, #tpu.memory_space<vmem>> -> memref<104xi32, #tpu.memory_space<vmem>>
    %dma_start3A_41 = arith.constant 0 : i32
    %dma_start3A_42 = arith.constant 0 : i32
    %dma_start3A_43 = tpu.memref_slice %arg3[%dma_start3A_41, %dma_start3A_42] : memref<2000000x64xf32, #tpu.memory_space<hbm>> -> memref<2000000x64xf32, #tpu.memory_space<hbm>>
    tpu.enqueue_indirect_dma source(%dma_start3A_43 : memref<2000000x64xf32, #tpu.memory_space<hbm>>) target(%dma_start3A_38 : memref<104x64xf32, #tpu.memory_space<vmem>>) offsets(%dma_start3A_40 : memref<104xi32, #tpu.memory_space<vmem>>) semaphore(%arg13 : memref<!tpu.dma_semaphore, #tpu.memory_space<semaphore_mem>>)
    %dma_start3A_44 = arith.constant 104 : i32
    %dma_start3A_45 = arith.constant 0 : i32
    %dma_start3A_46 = tpu.memref_slice %arg8[%dma_start3A_44, %dma_start3A_45] : memref<200x64xf32, #tpu.memory_space<vmem>> -> memref<96x64xf32, #tpu.memory_space<vmem>>
    %dma_start3A_47 = arith.constant 616 : i32
    %dma_start3A_48 = tpu.memref_slice %arg5[%dma_start3A_47] : memref<32768xi32, #tpu.memory_space<vmem>> -> memref<96xi32, #tpu.memory_space<vmem>>
    %dma_start3A_49 = arith.constant 0 : i32
    %dma_start3A_50 = arith.constant 0 : i32
    %dma_start3A_51 = tpu.memref_slice %arg3[%dma_start3A_49, %dma_start3A_50] : memref<2000000x64xf32, #tpu.memory_space<hbm>> -> memref<2000000x64xf32, #tpu.memory_space<hbm>>
    tpu.enqueue_indirect_dma source(%dma_start3A_51 : memref<2000000x64xf32, #tpu.memory_space<hbm>>) target(%dma_start3A_46 : memref<96x64xf32, #tpu.memory_space<vmem>>) offsets(%dma_start3A_48 : memref<96xi32, #tpu.memory_space<vmem>>) semaphore(%arg13 : memref<!tpu.dma_semaphore, #tpu.memory_space<semaphore_mem>>)
    %dma_start3A_52 = arith.constant 0 : i32
    %dma_start3A_53 = arith.constant 0 : i32
    %dma_start3A_54 = tpu.memref_slice %arg9[%dma_start3A_52, %dma_start3A_53] : memref<200x64xf32, #tpu.memory_space<vmem>> -> memref<104x64xf32, #tpu.memory_space<vmem>>
    %dma_start3A_55 = arith.constant 768 : i32
    %dma_start3A_56 = tpu.memref_slice %arg5[%dma_start3A_55] : memref<32768xi32, #tpu.memory_space<vmem>> -> memref<104xi32, #tpu.memory_space<vmem>>
    %dma_start3A_57 = arith.constant 0 : i32
    %dma_start3A_58 = arith.constant 0 : i32
    %dma_start3A_59 = tpu.memref_slice %arg3[%dma_start3A_57, %dma_start3A_58] : memref<2000000x64xf32, #tpu.memory_space<hbm>> -> memref<2000000x64xf32, #tpu.memory_space<hbm>>
    tpu.enqueue_indirect_dma source(%dma_start3A_59 : memref<2000000x64xf32, #tpu.memory_space<hbm>>) target(%dma_start3A_54 : memref<104x64xf32, #tpu.memory_space<vmem>>) offsets(%dma_start3A_56 : memref<104xi32, #tpu.memory_space<vmem>>) semaphore(%arg14 : memref<!tpu.dma_semaphore, #tpu.memory_space<semaphore_mem>>)
    %dma_start3A_60 = arith.constant 104 : i32
    %dma_start3A_61 = arith.constant 0 : i32
    %dma_start3A_62 = tpu.memref_slice %arg9[%dma_start3A_60, %dma_start3A_61] : memref<200x64xf32, #tpu.memory_space<vmem>> -> memref<96x64xf32, #tpu.memory_space<vmem>>
    %dma_start3A_63 = arith.constant 872 : i32
    %dma_start3A_64 = tpu.memref_slice %arg5[%dma_start3A_63] : memref<32768xi32, #tpu.memory_space<vmem>> -> memref<96xi32, #tpu.memory_space<vmem>>
    %dma_start3A_65 = arith.constant 0 : i32
    %dma_start3A_66 = arith.constant 0 : i32
    %dma_start3A_67 = tpu.memref_slice %arg3[%dma_start3A_65, %dma_start3A_66] : memref<2000000x64xf32, #tpu.memory_space<hbm>> -> memref<2000000x64xf32, #tpu.memory_space<hbm>>
    tpu.enqueue_indirect_dma source(%dma_start3A_67 : memref<2000000x64xf32, #tpu.memory_space<hbm>>) target(%dma_start3A_62 : memref<96x64xf32, #tpu.memory_space<vmem>>) offsets(%dma_start3A_64 : memref<96xi32, #tpu.memory_space<vmem>>) semaphore(%arg14 : memref<!tpu.dma_semaphore, #tpu.memory_space<semaphore_mem>>)
    %scan3A = arith.constant 0 : i32
    %scan3A_68 = arith.constant 31 : i32
    %scan3A_69 = arith.addi %scan3A, %scan3A_68 : i32
    %scan3A_70 = arith.constant 1 : i32
    scf.for %scan3A_285 = %scan3A to %scan3A_69 step %scan3A_70  : i32 {
      %mul3A_286 = arith.constant 4 : i32
      %mul3A_287 = arith.muli %scan3A_285, %mul3A_286 : i32
      %add3A_288 = arith.constant 0 : i32
      %add3A_289 = arith.addi %mul3A_287, %add3A_288 : i32
      %mul3A_290 = arith.constant 256 : i32
      %mul3A_291 = arith.muli %add3A_289, %mul3A_290 : i32
      %dma_wait3A_292 = arith.constant 0 : i32
      %dma_wait3A_293 = arith.constant 0 : i32
      %dma_wait3A_294 = tpu.memref_slice %arg6[%dma_wait3A_292, %dma_wait3A_293] : memref<200x64xf32, #tpu.memory_space<vmem>> -> memref<104x64xf32, #tpu.memory_space<vmem>>
      %dma_wait3A_295 = tpu.memref_slice %arg5[%mul3A_291] : memref<32768xi32, #tpu.memory_space<vmem>> -> memref<104xi32, #tpu.memory_space<vmem>>
      %dma_wait3A_296 = arith.constant 0 : i32
      %dma_wait3A_297 = arith.constant 0 : i32
      %dma_wait3A_298 = tpu.memref_slice %arg3[%dma_wait3A_296, %dma_wait3A_297] : memref<2000000x64xf32, #tpu.memory_space<hbm>> -> memref<2000000x64xf32, #tpu.memory_space<hbm>>
      tpu.wait_indirect_dma semaphore(%arg11 : memref<!tpu.dma_semaphore, #tpu.memory_space<semaphore_mem>>) src(%dma_wait3A_298 : memref<2000000x64xf32, #tpu.memory_space<hbm>>) dst(%dma_wait3A_294 : memref<104x64xf32, #tpu.memory_space<vmem>>)
      %mul3A_299 = arith.constant 256 : i32
      %mul3A_300 = arith.muli %add3A_289, %mul3A_299 : i32
      %add3A_301 = arith.constant 104 : i32
      %add3A_302 = arith.addi %mul3A_300, %add3A_301 : i32
      %dma_wait3A_303 = arith.constant 104 : i32
      %dma_wait3A_304 = arith.constant 0 : i32
      %dma_wait3A_305 = tpu.memref_slice %arg6[%dma_wait3A_303, %dma_wait3A_304] : memref<200x64xf32, #tpu.memory_space<vmem>> -> memref<96x64xf32, #tpu.memory_space<vmem>>
      %dma_wait3A_306 = tpu.memref_slice %arg5[%add3A_302] : memref<32768xi32, #tpu.memory_space<vmem>> -> memref<96xi32, #tpu.memory_space<vmem>>
      %dma_wait3A_307 = arith.constant 0 : i32
      %dma_wait3A_308 = arith.constant 0 : i32
      %dma_wait3A_309 = tpu.memref_slice %arg3[%dma_wait3A_307, %dma_wait3A_308] : memref<2000000x64xf32, #tpu.memory_space<hbm>> -> memref<2000000x64xf32, #tpu.memory_space<hbm>>
      tpu.wait_indirect_dma semaphore(%arg11 : memref<!tpu.dma_semaphore, #tpu.memory_space<semaphore_mem>>) src(%dma_wait3A_309 : memref<2000000x64xf32, #tpu.memory_space<hbm>>) dst(%dma_wait3A_305 : memref<96x64xf32, #tpu.memory_space<vmem>>)
      %broadcast_in_dim3A_310 = arith.constant 0.000000e+00 : f32
      %broadcast_in_dim3A_311 = vector.broadcast %broadcast_in_dim3A_310 : f32 to vector<16xf32>
      %broadcast_in_dim3A_312 = arith.constant 0.000000e+00 : f32
      %broadcast_in_dim3A_313 = vector.broadcast %broadcast_in_dim3A_312 : f32 to vector<16xf32>
      %broadcast_in_dim3A_314 = arith.constant 0.000000e+00 : f32
      %broadcast_in_dim3A_315 = vector.broadcast %broadcast_in_dim3A_314 : f32 to vector<16xf32>
      %broadcast_in_dim3A_316 = arith.constant 0.000000e+00 : f32
      %broadcast_in_dim3A_317 = vector.broadcast %broadcast_in_dim3A_316 : f32 to vector<16xf32>
      %scan3A_318 = arith.constant 0 : i32
      %scan3A_319 = arith.constant 25 : i32
      %scan3A_320 = arith.addi %scan3A_318, %scan3A_319 : i32
      %scan3A_321 = arith.constant 1 : i32
      %scan3A_322:4 = scf.for %scan3A_606 = %scan3A_318 to %scan3A_320 step %scan3A_321 iter_args(%scan3A_607 = %broadcast_in_dim3A_311, %scan3A_608 = %broadcast_in_dim3A_313, %scan3A_609 = %broadcast_in_dim3A_315, %scan3A_610 = %broadcast_in_dim3A_317) -> (vector<16xf32>, vector<16xf32>, vector<16xf32>, vector<16xf32>)  : i32 {
        %mul3A_611 = arith.constant 8 : i32
        %mul3A_612 = arith.muli %scan3A_606, %mul3A_611 : i32
        %add3A_613 = arith.constant 0 : i32
        %add3A_614 = arith.addi %mul3A_612, %add3A_613 : i32
        %get3A = arith.index_cast %add3A_614 : i32 to index
        %get3A_615 = arith.constant 0 : index
        %get3A_616 = tpu.vector_load %arg6[%get3A, %get3A_615] {strides = array<i32>} : memref<200x64xf32, #tpu.memory_space<vmem>>, vector<1x16xf32>,
        %get3A_617 = vector.shape_cast %get3A_616 : vector<1x16xf32> to vector<16xf32>
        %add3A_618 = arith.addf %scan3A_607, %get3A_617 : vector<16xf32>
        %get3A_619 = arith.index_cast %add3A_614 : i32 to index
        %get3A_620 = arith.constant 16 : index
        %get3A_621 = tpu.vector_load %arg6[%get3A_619, %get3A_620] {strides = array<i32>} : memref<200x64xf32, #tpu.memory_space<vmem>>, vector<1x16xf32>,
        %get3A_622 = vector.shape_cast %get3A_621 : vector<1x16xf32> to vector<16xf32>
        %add3A_623 = arith.addf %scan3A_608, %get3A_622 : vector<16xf32>
        %get3A_624 = arith.index_cast %add3A_614 : i32 to index
        %get3A_625 = arith.constant 32 : index
        %get3A_626 = tpu.vector_load %arg6[%get3A_624, %get3A_625] {strides = array<i32>} : memref<200x64xf32, #tpu.memory_space<vmem>>, vector<1x16xf32>,
        %get3A_627 = vector.shape_cast %get3A_626 : vector<1x16xf32> to vector<16xf32>
        %add3A_628 = arith.addf %scan3A_609, %get3A_627 : vector<16xf32>
        %get3A_629 = arith.index_cast %add3A_614 : i32 to index
        %get3A_630 = arith.constant 48 : index
        %get3A_631 = tpu.vector_load %arg6[%get3A_629, %get3A_630] {strides = array<i32>} : memref<200x64xf32, #tpu.memory_space<vmem>>, vector<1x16xf32>,
        %get3A_632 = vector.shape_cast %get3A_631 : vector<1x16xf32> to vector<16xf32>
        %add3A_633 = arith.addf %scan3A_610, %get3A_632 : vector<16xf32>
        %mul3A_634 = arith.constant 8 : i32
        %mul3A_635 = arith.muli %scan3A_606, %mul3A_634 : i32
        %add3A_636 = arith.constant 1 : i32
        %add3A_637 = arith.addi %mul3A_635, %add3A_636 : i32
        %get3A_638 = arith.index_cast %add3A_637 : i32 to index
        %get3A_639 = arith.constant 0 : index
        %get3A_640 = tpu.vector_load %arg6[%get3A_638, %get3A_639] {strides = array<i32>} : memref<200x64xf32, #tpu.memory_space<vmem>>, vector<1x16xf32>,
        %get3A_641 = vector.shape_cast %get3A_640 : vector<1x16xf32> to vector<16xf32>
        %add3A_642 = arith.addf %add3A_618, %get3A_641 : vector<16xf32>
        %get3A_643 = arith.index_cast %add3A_637 : i32 to index
        %get3A_644 = arith.constant 16 : index
        %get3A_645 = tpu.vector_load %arg6[%get3A_643, %get3A_644] {strides = array<i32>} : memref<200x64xf32, #tpu.memory_space<vmem>>, vector<1x16xf32>,
        %get3A_646 = vector.shape_cast %get3A_645 : vector<1x16xf32> to vector<16xf32>
        %add3A_647 = arith.addf %add3A_623, %get3A_646 : vector<16xf32>
        %get3A_648 = arith.index_cast %add3A_637 : i32 to index
        %get3A_649 = arith.constant 32 : index
        %get3A_650 = tpu.vector_load %arg6[%get3A_648, %get3A_649] {strides = array<i32>} : memref<200x64xf32, #tpu.memory_space<vmem>>, vector<1x16xf32>,
        %get3A_651 = vector.shape_cast %get3A_650 : vector<1x16xf32> to vector<16xf32>
        %add3A_652 = arith.addf %add3A_628, %get3A_651 : vector<16xf32>
        %get3A_653 = arith.index_cast %add3A_637 : i32 to index
        %get3A_654 = arith.constant 48 : index
        %get3A_655 = tpu.vector_load %arg6[%get3A_653, %get3A_654] {strides = array<i32>} : memref<200x64xf32, #tpu.memory_space<vmem>>, vector<1x16xf32>,
        %get3A_656 = vector.shape_cast %get3A_655 : vector<1x16xf32> to vector<16xf32>
        %add3A_657 = arith.addf %add3A_633, %get3A_656 : vector<16xf32>
        %mul3A_658 = arith.constant 8 : i32
        %mul3A_659 = arith.muli %scan3A_606, %mul3A_658 : i32
        %add3A_660 = arith.constant 2 : i32
        %add3A_661 = arith.addi %mul3A_659, %add3A_660 : i32
        %get3A_662 = arith.index_cast %add3A_661 : i32 to index
        %get3A_663 = arith.constant 0 : index
        %get3A_664 = tpu.vector_load %arg6[%get3A_662, %get3A_663] {strides = array<i32>} : memref<200x64xf32, #tpu.memory_space<vmem>>, vector<1x16xf32>,
        %get3A_665 = vector.shape_cast %get3A_664 : vector<1x16xf32> to vector<16xf32>
        %add3A_666 = arith.addf %add3A_642, %get3A_665 : vector<16xf32>
        %get3A_667 = arith.index_cast %add3A_661 : i32 to index
        %get3A_668 = arith.constant 16 : index
        %get3A_669 = tpu.vector_load %arg6[%get3A_667, %get3A_668] {strides = array<i32>} : memref<200x64xf32, #tpu.memory_space<vmem>>, vector<1x16xf32>,
        %get3A_670 = vector.shape_cast %get3A_669 : vector<1x16xf32> to vector<16xf32>
        %add3A_671 = arith.addf %add3A_647, %get3A_670 : vector<16xf32>
        %get3A_672 = arith.index_cast %add3A_661 : i32 to index
        %get3A_673 = arith.constant 32 : index
        %get3A_674 = tpu.vector_load %arg6[%get3A_672, %get3A_673] {strides = array<i32>} : memref<200x64xf32, #tpu.memory_space<vmem>>, vector<1x16xf32>,
        %get3A_675 = vector.shape_cast %get3A_674 : vector<1x16xf32> to vector<16xf32>
        %add3A_676 = arith.addf %add3A_652, %get3A_675 : vector<16xf32>
        %get3A_677 = arith.index_cast %add3A_661 : i32 to index
        %get3A_678 = arith.constant 48 : index
        %get3A_679 = tpu.vector_load %arg6[%get3A_677, %get3A_678] {strides = array<i32>} : memref<200x64xf32, #tpu.memory_space<vmem>>, vector<1x16xf32>,
        %get3A_680 = vector.shape_cast %get3A_679 : vector<1x16xf32> to vector<16xf32>
        %add3A_681 = arith.addf %add3A_657, %get3A_680 : vector<16xf32>
        %mul3A_682 = arith.constant 8 : i32
        %mul3A_683 = arith.muli %scan3A_606, %mul3A_682 : i32
        %add3A_684 = arith.constant 3 : i32
        %add3A_685 = arith.addi %mul3A_683, %add3A_684 : i32
        %get3A_686 = arith.index_cast %add3A_685 : i32 to index
        %get3A_687 = arith.constant 0 : index
        %get3A_688 = tpu.vector_load %arg6[%get3A_686, %get3A_687] {strides = array<i32>} : memref<200x64xf32, #tpu.memory_space<vmem>>, vector<1x16xf32>,
        %get3A_689 = vector.shape_cast %get3A_688 : vector<1x16xf32> to vector<16xf32>
        %add3A_690 = arith.addf %add3A_666, %get3A_689 : vector<16xf32>
        %get3A_691 = arith.index_cast %add3A_685 : i32 to index
        %get3A_692 = arith.constant 16 : index
        %get3A_693 = tpu.vector_load %arg6[%get3A_691, %get3A_692] {strides = array<i32>} : memref<200x64xf32, #tpu.memory_space<vmem>>, vector<1x16xf32>,
        %get3A_694 = vector.shape_cast %get3A_693 : vector<1x16xf32> to vector<16xf32>
        %add3A_695 = arith.addf %add3A_671, %get3A_694 : vector<16xf32>
        %get3A_696 = arith.index_cast %add3A_685 : i32 to index
        %get3A_697 = arith.constant 32 : index
        %get3A_698 = tpu.vector_load %arg6[%get3A_696, %get3A_697] {strides = array<i32>} : memref<200x64xf32, #tpu.memory_space<vmem>>, vector<1x16xf32>,
        %get3A_699 = vector.shape_cast %get3A_698 : vector<1x16xf32> to vector<16xf32>
        %add3A_700 = arith.addf %add3A_676, %get3A_699 : vector<16xf32>
        %get3A_701 = arith.index_cast %add3A_685 : i32 to index
        %get3A_702 = arith.constant 48 : index
        %get3A_703 = tpu.vector_load %arg6[%get3A_701, %get3A_702] {strides = array<i32>} : memref<200x64xf32, #tpu.memory_space<vmem>>, vector<1x16xf32>,
        %get3A_704 = vector.shape_cast %get3A_703 : vector<1x16xf32> to vector<16xf32>
        %add3A_705 = arith.addf %add3A_681, %get3A_704 : vector<16xf32>
        %mul3A_706 = arith.constant 8 : i32
        %mul3A_707 = arith.muli %scan3A_606, %mul3A_706 : i32
        %add3A_708 = arith.constant 4 : i32
        %add3A_709 = arith.addi %mul3A_707, %add3A_708 : i32
        %get3A_710 = arith.index_cast %add3A_709 : i32 to index
        %get3A_711 = arith.constant 0 : index
        %get3A_712 = tpu.vector_load %arg6[%get3A_710, %get3A_711] {strides = array<i32>} : memref<200x64xf32, #tpu.memory_space<vmem>>, vector<1x16xf32>,
        %get3A_713 = vector.shape_cast %get3A_712 : vector<1x16xf32> to vector<16xf32>
        %add3A_714 = arith.addf %add3A_690, %get3A_713 : vector<16xf32>
        %get3A_715 = arith.index_cast %add3A_709 : i32 to index
        %get3A_716 = arith.constant 16 : index
        %get3A_717 = tpu.vector_load %arg6[%get3A_715, %get3A_716] {strides = array<i32>} : memref<200x64xf32, #tpu.memory_space<vmem>>, vector<1x16xf32>,
        %get3A_718 = vector.shape_cast %get3A_717 : vector<1x16xf32> to vector<16xf32>
        %add3A_719 = arith.addf %add3A_695, %get3A_718 : vector<16xf32>
        %get3A_720 = arith.index_cast %add3A_709 : i32 to index
        %get3A_721 = arith.constant 32 : index
        %get3A_722 = tpu.vector_load %arg6[%get3A_720, %get3A_721] {strides = array<i32>} : memref<200x64xf32, #tpu.memory_space<vmem>>, vector<1x16xf32>,
        %get3A_723 = vector.shape_cast %get3A_722 : vector<1x16xf32> to vector<16xf32>
        %add3A_724 = arith.addf %add3A_700, %get3A_723 : vector<16xf32>
        %get3A_725 = arith.index_cast %add3A_709 : i32 to index
        %get3A_726 = arith.constant 48 : index
        %get3A_727 = tpu.vector_load %arg6[%get3A_725, %get3A_726] {strides = array<i32>} : memref<200x64xf32, #tpu.memory_space<vmem>>, vector<1x16xf32>,
        %get3A_728 = vector.shape_cast %get3A_727 : vector<1x16xf32> to vector<16xf32>
        %add3A_729 = arith.addf %add3A_705, %get3A_728 : vector<16xf32>
        %mul3A_730 = arith.constant 8 : i32
        %mul3A_731 = arith.muli %scan3A_606, %mul3A_730 : i32
        %add3A_732 = arith.constant 5 : i32
        %add3A_733 = arith.addi %mul3A_731, %add3A_732 : i32
        %get3A_734 = arith.index_cast %add3A_733 : i32 to index
        %get3A_735 = arith.constant 0 : index
        %get3A_736 = tpu.vector_load %arg6[%get3A_734, %get3A_735] {strides = array<i32>} : memref<200x64xf32, #tpu.memory_space<vmem>>, vector<1x16xf32>,
        %get3A_737 = vector.shape_cast %get3A_736 : vector<1x16xf32> to vector<16xf32>
        %add3A_738 = arith.addf %add3A_714, %get3A_737 : vector<16xf32>
        %get3A_739 = arith.index_cast %add3A_733 : i32 to index
        %get3A_740 = arith.constant 16 : index
        %get3A_741 = tpu.vector_load %arg6[%get3A_739, %get3A_740] {strides = array<i32>} : memref<200x64xf32, #tpu.memory_space<vmem>>, vector<1x16xf32>,
        %get3A_742 = vector.shape_cast %get3A_741 : vector<1x16xf32> to vector<16xf32>
        %add3A_743 = arith.addf %add3A_719, %get3A_742 : vector<16xf32>
        %get3A_744 = arith.index_cast %add3A_733 : i32 to index
        %get3A_745 = arith.constant 32 : index
        %get3A_746 = tpu.vector_load %arg6[%get3A_744, %get3A_745] {strides = array<i32>} : memref<200x64xf32, #tpu.memory_space<vmem>>, vector<1x16xf32>,
        %get3A_747 = vector.shape_cast %get3A_746 : vector<1x16xf32> to vector<16xf32>
        %add3A_748 = arith.addf %add3A_724, %get3A_747 : vector<16xf32>
        %get3A_749 = arith.index_cast %add3A_733 : i32 to index
        %get3A_750 = arith.constant 48 : index
        %get3A_751 = tpu.vector_load %arg6[%get3A_749, %get3A_750] {strides = array<i32>} : memref<200x64xf32, #tpu.memory_space<vmem>>, vector<1x16xf32>,
        %get3A_752 = vector.shape_cast %get3A_751 : vector<1x16xf32> to vector<16xf32>
        %add3A_753 = arith.addf %add3A_729, %get3A_752 : vector<16xf32>
        %mul3A_754 = arith.constant 8 : i32
        %mul3A_755 = arith.muli %scan3A_606, %mul3A_754 : i32
        %add3A_756 = arith.constant 6 : i32
        %add3A_757 = arith.addi %mul3A_755, %add3A_756 : i32
        %get3A_758 = arith.index_cast %add3A_757 : i32 to index
        %get3A_759 = arith.constant 0 : index
        %get3A_760 = tpu.vector_load %arg6[%get3A_758, %get3A_759] {strides = array<i32>} : memref<200x64xf32, #tpu.memory_space<vmem>>, vector<1x16xf32>,
        %get3A_761 = vector.shape_cast %get3A_760 : vector<1x16xf32> to vector<16xf32>
        %add3A_762 = arith.addf %add3A_738, %get3A_761 : vector<16xf32>
        %get3A_763 = arith.index_cast %add3A_757 : i32 to index
        %get3A_764 = arith.constant 16 : index
        %get3A_765 = tpu.vector_load %arg6[%get3A_763, %get3A_764] {strides = array<i32>} : memref<200x64xf32, #tpu.memory_space<vmem>>, vector<1x16xf32>,
        %get3A_766 = vector.shape_cast %get3A_765 : vector<1x16xf32> to vector<16xf32>
        %add3A_767 = arith.addf %add3A_743, %get3A_766 : vector<16xf32>
        %get3A_768 = arith.index_cast %add3A_757 : i32 to index
        %get3A_769 = arith.constant 32 : index
        %get3A_770 = tpu.vector_load %arg6[%get3A_768, %get3A_769] {strides = array<i32>} : memref<200x64xf32, #tpu.memory_space<vmem>>, vector<1x16xf32>,
        %get3A_771 = vector.shape_cast %get3A_770 : vector<1x16xf32> to vector<16xf32>
        %add3A_772 = arith.addf %add3A_748, %get3A_771 : vector<16xf32>
        %get3A_773 = arith.index_cast %add3A_757 : i32 to index
        %get3A_774 = arith.constant 48 : index
        %get3A_775 = tpu.vector_load %arg6[%get3A_773, %get3A_774] {strides = array<i32>} : memref<200x64xf32, #tpu.memory_space<vmem>>, vector<1x16xf32>,
        %get3A_776 = vector.shape_cast %get3A_775 : vector<1x16xf32> to vector<16xf32>
        %add3A_777 = arith.addf %add3A_753, %get3A_776 : vector<16xf32>
        %mul3A_778 = arith.constant 8 : i32
        %mul3A_779 = arith.muli %scan3A_606, %mul3A_778 : i32
        %add3A_780 = arith.constant 7 : i32
        %add3A_781 = arith.addi %mul3A_779, %add3A_780 : i32
        %get3A_782 = arith.index_cast %add3A_781 : i32 to index
        %get3A_783 = arith.constant 0 : index
        %get3A_784 = tpu.vector_load %arg6[%get3A_782, %get3A_783] {strides = array<i32>} : memref<200x64xf32, #tpu.memory_space<vmem>>, vector<1x16xf32>,
        %get3A_785 = vector.shape_cast %get3A_784 : vector<1x16xf32> to vector<16xf32>
        %add3A_786 = arith.addf %add3A_762, %get3A_785 : vector<16xf32>
        %get3A_787 = arith.index_cast %add3A_781 : i32 to index
        %get3A_788 = arith.constant 16 : index
        %get3A_789 = tpu.vector_load %arg6[%get3A_787, %get3A_788] {strides = array<i32>} : memref<200x64xf32, #tpu.memory_space<vmem>>, vector<1x16xf32>,
        %get3A_790 = vector.shape_cast %get3A_789 : vector<1x16xf32> to vector<16xf32>
        %add3A_791 = arith.addf %add3A_767, %get3A_790 : vector<16xf32>
        %get3A_792 = arith.index_cast %add3A_781 : i32 to index
        %get3A_793 = arith.constant 32 : index
        %get3A_794 = tpu.vector_load %arg6[%get3A_792, %get3A_793] {strides = array<i32>} : memref<200x64xf32, #tpu.memory_space<vmem>>, vector<1x16xf32>,
        %get3A_795 = vector.shape_cast %get3A_794 : vector<1x16xf32> to vector<16xf32>
        %add3A_796 = arith.addf %add3A_772, %get3A_795 : vector<16xf32>
        %get3A_797 = arith.index_cast %add3A_781 : i32 to index
        %get3A_798 = arith.constant 48 : index
        %get3A_799 = tpu.vector_load %arg6[%get3A_797, %get3A_798] {strides = array<i32>} : memref<200x64xf32, #tpu.memory_space<vmem>>, vector<1x16xf32>,
        %get3A_800 = vector.shape_cast %get3A_799 : vector<1x16xf32> to vector<16xf32>
        %add3A_801 = arith.addf %add3A_777, %get3A_800 : vector<16xf32>
        scf.yield %add3A_786, %add3A_791, %add3A_796, %add3A_801 : vector<16xf32>, vector<16xf32>, vector<16xf32>, vector<16xf32>
      }
      %scan3A_323 = arith.constant 25 : i32
      %swap3A_324 = arith.index_cast %add3A_289 : i32 to index
      %swap3A_325 = arith.constant 0 : index
      %swap3A_326 = tpu.vector_load %arg10[%swap3A_324, %swap3A_325] {strides = array<i32>} : memref<128x64xf32, #tpu.memory_space<vmem>>, vector<1x16xf32>,
      %swap3A_327 = vector.shape_cast %swap3A_326 : vector<1x16xf32> to vector<16xf32>
      %swap3A_328 = vector.shape_cast %scan3A_322#0 : vector<16xf32> to vector<1x16xf32>
      tpu.vector_store %arg10[%swap3A_324, %swap3A_325], %swap3A_328 {strides = array<i32>} : memref<128x64xf32, #tpu.memory_space<vmem>>, vector<1x16xf32>,
      %swap3A_329 = arith.index_cast %add3A_289 : i32 to index
      %swap3A_330 = arith.constant 16 : index
      %swap3A_331 = tpu.vector_load %arg10[%swap3A_329, %swap3A_330] {strides = array<i32>} : memref<128x64xf32, #tpu.memory_space<vmem>>, vector<1x16xf32>,
      %swap3A_332 = vector.shape_cast %swap3A_331 : vector<1x16xf32> to vector<16xf32>
      %swap3A_333 = vector.shape_cast %scan3A_322#1 : vector<16xf32> to vector<1x16xf32>
      tpu.vector_store %arg10[%swap3A_329, %swap3A_330], %swap3A_333 {strides = array<i32>} : memref<128x64xf32, #tpu.memory_space<vmem>>, vector<1x16xf32>,
      %swap3A_334 = arith.index_cast %add3A_289 : i32 to index
      %swap3A_335 = arith.constant 32 : index
      %swap3A_336 = tpu.vector_load %arg10[%swap3A_334, %swap3A_335] {strides = array<i32>} : memref<128x64xf32, #tpu.memory_space<vmem>>, vector<1x16xf32>,
      %swap3A_337 = vector.shape_cast %swap3A_336 : vector<1x16xf32> to vector<16xf32>
      %swap3A_338 = vector.shape_cast %scan3A_322#2 : vector<16xf32> to vector<1x16xf32>
      tpu.vector_store %arg10[%swap3A_334, %swap3A_335], %swap3A_338 {strides = array<i32>} : memref<128x64xf32, #tpu.memory_space<vmem>>, vector<1x16xf32>,
      %swap3A_339 = arith.index_cast %add3A_289 : i32 to index
      %swap3A_340 = arith.constant 48 : index
      %swap3A_341 = tpu.vector_load %arg10[%swap3A_339, %swap3A_340] {strides = array<i32>} : memref<128x64xf32, #tpu.memory_space<vmem>>, vector<1x16xf32>,
      %swap3A_342 = vector.shape_cast %swap3A_341 : vector<1x16xf32> to vector<16xf32>
      %swap3A_343 = vector.shape_cast %scan3A_322#3 : vector<16xf32> to vector<1x16xf32>
      tpu.vector_store %arg10[%swap3A_339, %swap3A_340], %swap3A_343 {strides = array<i32>} : memref<128x64xf32, #tpu.memory_space<vmem>>, vector<1x16xf32>,
      %add3A_344 = arith.constant 4 : i32
      %add3A_345 = arith.addi %add3A_289, %add3A_344 : i32
      %mul3A_346 = arith.constant 256 : i32
      %mul3A_347 = arith.muli %add3A_345, %mul3A_346 : i32
      %dma_start3A_348 = arith.constant 0 : i32
      %dma_start3A_349 = arith.constant 0 : i32
      %dma_start3A_350 = tpu.memref_slice %arg6[%dma_start3A_348, %dma_start3A_349] : memref<200x64xf32, #tpu.memory_space<vmem>> -> memref<104x64xf32, #tpu.memory_space<vmem>>
      %dma_start3A_351 = tpu.memref_slice %arg5[%mul3A_347] : memref<32768xi32, #tpu.memory_space<vmem>> -> memref<104xi32, #tpu.memory_space<vmem>>
      %dma_start3A_352 = arith.constant 0 : i32
      %dma_start3A_353 = arith.constant 0 : i32
      %dma_start3A_354 = tpu.memref_slice %arg3[%dma_start3A_352, %dma_start3A_353] : memref<2000000x64xf32, #tpu.memory_space<hbm>> -> memref<2000000x64xf32, #tpu.memory_space<hbm>>
      tpu.enqueue_indirect_dma source(%dma_start3A_354 : memref<2000000x64xf32, #tpu.memory_space<hbm>>) target(%dma_start3A_350 : memref<104x64xf32, #tpu.memory_space<vmem>>) offsets(%dma_start3A_351 : memref<104xi32, #tpu.memory_space<vmem>>) semaphore(%arg11 : memref<!tpu.dma_semaphore, #tpu.memory_space<semaphore_mem>>)
      %mul3A_355 = arith.constant 256 : i32
      %mul3A_356 = arith.muli %add3A_345, %mul3A_355 : i32
      %add3A_357 = arith.constant 104 : i32
      %add3A_358 = arith.addi %mul3A_356, %add3A_357 : i32
      %dma_start3A_359 = arith.constant 104 : i32
      %dma_start3A_360 = arith.constant 0 : i32
      %dma_start3A_361 = tpu.memref_slice %arg6[%dma_start3A_359, %dma_start3A_360] : memref<200x64xf32, #tpu.memory_space<vmem>> -> memref<96x64xf32, #tpu.memory_space<vmem>>
      %dma_start3A_362 = tpu.memref_slice %arg5[%add3A_358] : memref<32768xi32, #tpu.memory_space<vmem>> -> memref<96xi32, #tpu.memory_space<vmem>>
      %dma_start3A_363 = arith.constant 0 : i32
      %dma_start3A_364 = arith.constant 0 : i32
      %dma_start3A_365 = tpu.memref_slice %arg3[%dma_start3A_363, %dma_start3A_364] : memref<2000000x64xf32, #tpu.memory_space<hbm>> -> memref<2000000x64xf32, #tpu.memory_space<hbm>>
      tpu.enqueue_indirect_dma source(%dma_start3A_365 : memref<2000000x64xf32, #tpu.memory_space<hbm>>) target(%dma_start3A_361 : memref<96x64xf32, #tpu.memory_space<vmem>>) offsets(%dma_start3A_362 : memref<96xi32, #tpu.memory_space<vmem>>) semaphore(%arg11 : memref<!tpu.dma_semaphore, #tpu.memory_space<semaphore_mem>>)
      %mul3A_366 = arith.constant 4 : i32
      %mul3A_367 = arith.muli %scan3A_285, %mul3A_366 : i32
      %add3A_368 = arith.constant 1 : i32
      %add3A_369 = arith.addi %mul3A_367, %add3A_368 : i32
      %mul3A_370 = arith.constant 256 : i32
      %mul3A_371 = arith.muli %add3A_369, %mul3A_370 : i32
      %dma_wait3A_372 = arith.constant 0 : i32
      %dma_wait3A_373 = arith.constant 0 : i32
      %dma_wait3A_374 = tpu.memref_slice %arg7[%dma_wait3A_372, %dma_wait3A_373] : memref<200x64xf32, #tpu.memory_space<vmem>> -> memref<104x64xf32, #tpu.memory_space<vmem>>
      %dma_wait3A_375 = tpu.memref_slice %arg5[%mul3A_371] : memref<32768xi32, #tpu.memory_space<vmem>> -> memref<104xi32, #tpu.memory_space<vmem>>
      %dma_wait3A_376 = arith.constant 0 : i32
      %dma_wait3A_377 = arith.constant 0 : i32
      %dma_wait3A_378 = tpu.memref_slice %arg3[%dma_wait3A_376, %dma_wait3A_377] : memref<2000000x64xf32, #tpu.memory_space<hbm>> -> memref<2000000x64xf32, #tpu.memory_space<hbm>>
      tpu.wait_indirect_dma semaphore(%arg12 : memref<!tpu.dma_semaphore, #tpu.memory_space<semaphore_mem>>) src(%dma_wait3A_378 : memref<2000000x64xf32, #tpu.memory_space<hbm>>) dst(%dma_wait3A_374 : memref<104x64xf32, #tpu.memory_space<vmem>>)
      %mul3A_379 = arith.constant 256 : i32
      %mul3A_380 = arith.muli %add3A_369, %mul3A_379 : i32
      %add3A_381 = arith.constant 104 : i32
      %add3A_382 = arith.addi %mul3A_380, %add3A_381 : i32
      %dma_wait3A_383 = arith.constant 104 : i32
      %dma_wait3A_384 = arith.constant 0 : i32
      %dma_wait3A_385 = tpu.memref_slice %arg7[%dma_wait3A_383, %dma_wait3A_384] : memref<200x64xf32, #tpu.memory_space<vmem>> -> memref<96x64xf32, #tpu.memory_space<vmem>>
      %dma_wait3A_386 = tpu.memref_slice %arg5[%add3A_382] : memref<32768xi32, #tpu.memory_space<vmem>> -> memref<96xi32, #tpu.memory_space<vmem>>
      %dma_wait3A_387 = arith.constant 0 : i32
      %dma_wait3A_388 = arith.constant 0 : i32
      %dma_wait3A_389 = tpu.memref_slice %arg3[%dma_wait3A_387, %dma_wait3A_388] : memref<2000000x64xf32, #tpu.memory_space<hbm>> -> memref<2000000x64xf32, #tpu.memory_space<hbm>>
      tpu.wait_indirect_dma semaphore(%arg12 : memref<!tpu.dma_semaphore, #tpu.memory_space<semaphore_mem>>) src(%dma_wait3A_389 : memref<2000000x64xf32, #tpu.memory_space<hbm>>) dst(%dma_wait3A_385 : memref<96x64xf32, #tpu.memory_space<vmem>>)
      %broadcast_in_dim3A_390 = arith.constant 0.000000e+00 : f32
      %broadcast_in_dim3A_391 = vector.broadcast %broadcast_in_dim3A_390 : f32 to vector<16xf32>
      %broadcast_in_dim3A_392 = arith.constant 0.000000e+00 : f32
      %broadcast_in_dim3A_393 = vector.broadcast %broadcast_in_dim3A_392 : f32 to vector<16xf32>
      %broadcast_in_dim3A_394 = arith.constant 0.000000e+00 : f32
      %broadcast_in_dim3A_395 = vector.broadcast %broadcast_in_dim3A_394 : f32 to vector<16xf32>
      %broadcast_in_dim3A_396 = arith.constant 0.000000e+00 : f32
      %broadcast_in_dim3A_397 = vector.broadcast %broadcast_in_dim3A_396 : f32 to vector<16xf32>
      %scan3A_398 = arith.constant 0 : i32
      %scan3A_399 = arith.constant 25 : i32
      %scan3A_400 = arith.addi %scan3A_398, %scan3A_399 : i32
      %scan3A_401 = arith.constant 1 : i32
      %scan3A_402:4 = scf.for %scan3A_606 = %scan3A_398 to %scan3A_400 step %scan3A_401 iter_args(%scan3A_607 = %broadcast_in_dim3A_391, %scan3A_608 = %broadcast_in_dim3A_393, %scan3A_609 = %broadcast_in_dim3A_395, %scan3A_610 = %broadcast_in_dim3A_397) -> (vector<16xf32>, vector<16xf32>, vector<16xf32>, vector<16xf32>)  : i32 {
        %mul3A_611 = arith.constant 8 : i32
        %mul3A_612 = arith.muli %scan3A_606, %mul3A_611 : i32
        %add3A_613 = arith.constant 0 : i32
        %add3A_614 = arith.addi %mul3A_612, %add3A_613 : i32
        %get3A = arith.index_cast %add3A_614 : i32 to index
        %get3A_615 = arith.constant 0 : index
        %get3A_616 = tpu.vector_load %arg7[%get3A, %get3A_615] {strides = array<i32>} : memref<200x64xf32, #tpu.memory_space<vmem>>, vector<1x16xf32>,
        %get3A_617 = vector.shape_cast %get3A_616 : vector<1x16xf32> to vector<16xf32>
        %add3A_618 = arith.addf %scan3A_607, %get3A_617 : vector<16xf32>
        %get3A_619 = arith.index_cast %add3A_614 : i32 to index
        %get3A_620 = arith.constant 16 : index
        %get3A_621 = tpu.vector_load %arg7[%get3A_619, %get3A_620] {strides = array<i32>} : memref<200x64xf32, #tpu.memory_space<vmem>>, vector<1x16xf32>,
        %get3A_622 = vector.shape_cast %get3A_621 : vector<1x16xf32> to vector<16xf32>
        %add3A_623 = arith.addf %scan3A_608, %get3A_622 : vector<16xf32>
        %get3A_624 = arith.index_cast %add3A_614 : i32 to index
        %get3A_625 = arith.constant 32 : index
        %get3A_626 = tpu.vector_load %arg7[%get3A_624, %get3A_625] {strides = array<i32>} : memref<200x64xf32, #tpu.memory_space<vmem>>, vector<1x16xf32>,
        %get3A_627 = vector.shape_cast %get3A_626 : vector<1x16xf32> to vector<16xf32>
        %add3A_628 = arith.addf %scan3A_609, %get3A_627 : vector<16xf32>
        %get3A_629 = arith.index_cast %add3A_614 : i32 to index
        %get3A_630 = arith.constant 48 : index
        %get3A_631 = tpu.vector_load %arg7[%get3A_629, %get3A_630] {strides = array<i32>} : memref<200x64xf32, #tpu.memory_space<vmem>>, vector<1x16xf32>,
        %get3A_632 = vector.shape_cast %get3A_631 : vector<1x16xf32> to vector<16xf32>
        %add3A_633 = arith.addf %scan3A_610, %get3A_632 : vector<16xf32>
        %mul3A_634 = arith.constant 8 : i32
        %mul3A_635 = arith.muli %scan3A_606, %mul3A_634 : i32
        %add3A_636 = arith.constant 1 : i32
        %add3A_637 = arith.addi %mul3A_635, %add3A_636 : i32
        %get3A_638 = arith.index_cast %add3A_637 : i32 to index
        %get3A_639 = arith.constant 0 : index
        %get3A_640 = tpu.vector_load %arg7[%get3A_638, %get3A_639] {strides = array<i32>} : memref<200x64xf32, #tpu.memory_space<vmem>>, vector<1x16xf32>,
        %get3A_641 = vector.shape_cast %get3A_640 : vector<1x16xf32> to vector<16xf32>
        %add3A_642 = arith.addf %add3A_618, %get3A_641 : vector<16xf32>
        %get3A_643 = arith.index_cast %add3A_637 : i32 to index
        %get3A_644 = arith.constant 16 : index
        %get3A_645 = tpu.vector_load %arg7[%get3A_643, %get3A_644] {strides = array<i32>} : memref<200x64xf32, #tpu.memory_space<vmem>>, vector<1x16xf32>,
        %get3A_646 = vector.shape_cast %get3A_645 : vector<1x16xf32> to vector<16xf32>
        %add3A_647 = arith.addf %add3A_623, %get3A_646 : vector<16xf32>
        %get3A_648 = arith.index_cast %add3A_637 : i32 to index
        %get3A_649 = arith.constant 32 : index
        %get3A_650 = tpu.vector_load %arg7[%get3A_648, %get3A_649] {strides = array<i32>} : memref<200x64xf32, #tpu.memory_space<vmem>>, vector<1x16xf32>,
        %get3A_651 = vector.shape_cast %get3A_650 : vector<1x16xf32> to vector<16xf32>
        %add3A_652 = arith.addf %add3A_628, %get3A_651 : vector<16xf32>
        %get3A_653 = arith.index_cast %add3A_637 : i32 to index
        %get3A_654 = arith.constant 48 : index
        %get3A_655 = tpu.vector_load %arg7[%get3A_653, %get3A_654] {strides = array<i32>} : memref<200x64xf32, #tpu.memory_space<vmem>>, vector<1x16xf32>,
        %get3A_656 = vector.shape_cast %get3A_655 : vector<1x16xf32> to vector<16xf32>
        %add3A_657 = arith.addf %add3A_633, %get3A_656 : vector<16xf32>
        %mul3A_658 = arith.constant 8 : i32
        %mul3A_659 = arith.muli %scan3A_606, %mul3A_658 : i32
        %add3A_660 = arith.constant 2 : i32
        %add3A_661 = arith.addi %mul3A_659, %add3A_660 : i32
        %get3A_662 = arith.index_cast %add3A_661 : i32 to index
        %get3A_663 = arith.constant 0 : index
        %get3A_664 = tpu.vector_load %arg7[%get3A_662, %get3A_663] {strides = array<i32>} : memref<200x64xf32, #tpu.memory_space<vmem>>, vector<1x16xf32>,
        %get3A_665 = vector.shape_cast %get3A_664 : vector<1x16xf32> to vector<16xf32>
        %add3A_666 = arith.addf %add3A_642, %get3A_665 : vector<16xf32>
        %get3A_667 = arith.index_cast %add3A_661 : i32 to index
        %get3A_668 = arith.constant 16 : index
        %get3A_669 = tpu.vector_load %arg7[%get3A_667, %get3A_668] {strides = array<i32>} : memref<200x64xf32, #tpu.memory_space<vmem>>, vector<1x16xf32>,
        %get3A_670 = vector.shape_cast %get3A_669 : vector<1x16xf32> to vector<16xf32>
        %add3A_671 = arith.addf %add3A_647, %get3A_670 : vector<16xf32>
        %get3A_672 = arith.index_cast %add3A_661 : i32 to index
        %get3A_673 = arith.constant 32 : index
        %get3A_674 = tpu.vector_load %arg7[%get3A_672, %get3A_673] {strides = array<i32>} : memref<200x64xf32, #tpu.memory_space<vmem>>, vector<1x16xf32>,
        %get3A_675 = vector.shape_cast %get3A_674 : vector<1x16xf32> to vector<16xf32>
        %add3A_676 = arith.addf %add3A_652, %get3A_675 : vector<16xf32>
        %get3A_677 = arith.index_cast %add3A_661 : i32 to index
        %get3A_678 = arith.constant 48 : index
        %get3A_679 = tpu.vector_load %arg7[%get3A_677, %get3A_678] {strides = array<i32>} : memref<200x64xf32, #tpu.memory_space<vmem>>, vector<1x16xf32>,
        %get3A_680 = vector.shape_cast %get3A_679 : vector<1x16xf32> to vector<16xf32>
        %add3A_681 = arith.addf %add3A_657, %get3A_680 : vector<16xf32>
        %mul3A_682 = arith.constant 8 : i32
        %mul3A_683 = arith.muli %scan3A_606, %mul3A_682 : i32
        %add3A_684 = arith.constant 3 : i32
        %add3A_685 = arith.addi %mul3A_683, %add3A_684 : i32
        %get3A_686 = arith.index_cast %add3A_685 : i32 to index
        %get3A_687 = arith.constant 0 : index
        %get3A_688 = tpu.vector_load %arg7[%get3A_686, %get3A_687] {strides = array<i32>} : memref<200x64xf32, #tpu.memory_space<vmem>>, vector<1x16xf32>,
        %get3A_689 = vector.shape_cast %get3A_688 : vector<1x16xf32> to vector<16xf32>
        %add3A_690 = arith.addf %add3A_666, %get3A_689 : vector<16xf32>
        %get3A_691 = arith.index_cast %add3A_685 : i32 to index
        %get3A_692 = arith.constant 16 : index
        %get3A_693 = tpu.vector_load %arg7[%get3A_691, %get3A_692] {strides = array<i32>} : memref<200x64xf32, #tpu.memory_space<vmem>>, vector<1x16xf32>,
        %get3A_694 = vector.shape_cast %get3A_693 : vector<1x16xf32> to vector<16xf32>
        %add3A_695 = arith.addf %add3A_671, %get3A_694 : vector<16xf32>
        %get3A_696 = arith.index_cast %add3A_685 : i32 to index
        %get3A_697 = arith.constant 32 : index
        %get3A_698 = tpu.vector_load %arg7[%get3A_696, %get3A_697] {strides = array<i32>} : memref<200x64xf32, #tpu.memory_space<vmem>>, vector<1x16xf32>,
        %get3A_699 = vector.shape_cast %get3A_698 : vector<1x16xf32> to vector<16xf32>
        %add3A_700 = arith.addf %add3A_676, %get3A_699 : vector<16xf32>
        %get3A_701 = arith.index_cast %add3A_685 : i32 to index
        %get3A_702 = arith.constant 48 : index
        %get3A_703 = tpu.vector_load %arg7[%get3A_701, %get3A_702] {strides = array<i32>} : memref<200x64xf32, #tpu.memory_space<vmem>>, vector<1x16xf32>,
        %get3A_704 = vector.shape_cast %get3A_703 : vector<1x16xf32> to vector<16xf32>
        %add3A_705 = arith.addf %add3A_681, %get3A_704 : vector<16xf32>
        %mul3A_706 = arith.constant 8 : i32
        %mul3A_707 = arith.muli %scan3A_606, %mul3A_706 : i32
        %add3A_708 = arith.constant 4 : i32
        %add3A_709 = arith.addi %mul3A_707, %add3A_708 : i32
        %get3A_710 = arith.index_cast %add3A_709 : i32 to index
        %get3A_711 = arith.constant 0 : index
        %get3A_712 = tpu.vector_load %arg7[%get3A_710, %get3A_711] {strides = array<i32>} : memref<200x64xf32, #tpu.memory_space<vmem>>, vector<1x16xf32>,
        %get3A_713 = vector.shape_cast %get3A_712 : vector<1x16xf32> to vector<16xf32>
        %add3A_714 = arith.addf %add3A_690, %get3A_713 : vector<16xf32>
        %get3A_715 = arith.index_cast %add3A_709 : i32 to index
        %get3A_716 = arith.constant 16 : index
        %get3A_717 = tpu.vector_load %arg7[%get3A_715, %get3A_716] {strides = array<i32>} : memref<200x64xf32, #tpu.memory_space<vmem>>, vector<1x16xf32>,
        %get3A_718 = vector.shape_cast %get3A_717 : vector<1x16xf32> to vector<16xf32>
        %add3A_719 = arith.addf %add3A_695, %get3A_718 : vector<16xf32>
        %get3A_720 = arith.index_cast %add3A_709 : i32 to index
        %get3A_721 = arith.constant 32 : index
        %get3A_722 = tpu.vector_load %arg7[%get3A_720, %get3A_721] {strides = array<i32>} : memref<200x64xf32, #tpu.memory_space<vmem>>, vector<1x16xf32>,
        %get3A_723 = vector.shape_cast %get3A_722 : vector<1x16xf32> to vector<16xf32>
        %add3A_724 = arith.addf %add3A_700, %get3A_723 : vector<16xf32>
        %get3A_725 = arith.index_cast %add3A_709 : i32 to index
        %get3A_726 = arith.constant 48 : index
        %get3A_727 = tpu.vector_load %arg7[%get3A_725, %get3A_726] {strides = array<i32>} : memref<200x64xf32, #tpu.memory_space<vmem>>, vector<1x16xf32>,
        %get3A_728 = vector.shape_cast %get3A_727 : vector<1x16xf32> to vector<16xf32>
        %add3A_729 = arith.addf %add3A_705, %get3A_728 : vector<16xf32>
        %mul3A_730 = arith.constant 8 : i32
        %mul3A_731 = arith.muli %scan3A_606, %mul3A_730 : i32
        %add3A_732 = arith.constant 5 : i32
        %add3A_733 = arith.addi %mul3A_731, %add3A_732 : i32
        %get3A_734 = arith.index_cast %add3A_733 : i32 to index
        %get3A_735 = arith.constant 0 : index
        %get3A_736 = tpu.vector_load %arg7[%get3A_734, %get3A_735] {strides = array<i32>} : memref<200x64xf32, #tpu.memory_space<vmem>>, vector<1x16xf32>,
        %get3A_737 = vector.shape_cast %get3A_736 : vector<1x16xf32> to vector<16xf32>
        %add3A_738 = arith.addf %add3A_714, %get3A_737 : vector<16xf32>
        %get3A_739 = arith.index_cast %add3A_733 : i32 to index
        %get3A_740 = arith.constant 16 : index
        %get3A_741 = tpu.vector_load %arg7[%get3A_739, %get3A_740] {strides = array<i32>} : memref<200x64xf32, #tpu.memory_space<vmem>>, vector<1x16xf32>,
        %get3A_742 = vector.shape_cast %get3A_741 : vector<1x16xf32> to vector<16xf32>
        %add3A_743 = arith.addf %add3A_719, %get3A_742 : vector<16xf32>
        %get3A_744 = arith.index_cast %add3A_733 : i32 to index
        %get3A_745 = arith.constant 32 : index
        %get3A_746 = tpu.vector_load %arg7[%get3A_744, %get3A_745] {strides = array<i32>} : memref<200x64xf32, #tpu.memory_space<vmem>>, vector<1x16xf32>,
        %get3A_747 = vector.shape_cast %get3A_746 : vector<1x16xf32> to vector<16xf32>
        %add3A_748 = arith.addf %add3A_724, %get3A_747 : vector<16xf32>
        %get3A_749 = arith.index_cast %add3A_733 : i32 to index
        %get3A_750 = arith.constant 48 : index
        %get3A_751 = tpu.vector_load %arg7[%get3A_749, %get3A_750] {strides = array<i32>} : memref<200x64xf32, #tpu.memory_space<vmem>>, vector<1x16xf32>,
        %get3A_752 = vector.shape_cast %get3A_751 : vector<1x16xf32> to vector<16xf32>
        %add3A_753 = arith.addf %add3A_729, %get3A_752 : vector<16xf32>
        %mul3A_754 = arith.constant 8 : i32
        %mul3A_755 = arith.muli %scan3A_606, %mul3A_754 : i32
        %add3A_756 = arith.constant 6 : i32
        %add3A_757 = arith.addi %mul3A_755, %add3A_756 : i32
        %get3A_758 = arith.index_cast %add3A_757 : i32 to index
        %get3A_759 = arith.constant 0 : index
        %get3A_760 = tpu.vector_load %arg7[%get3A_758, %get3A_759] {strides = array<i32>} : memref<200x64xf32, #tpu.memory_space<vmem>>, vector<1x16xf32>,
        %get3A_761 = vector.shape_cast %get3A_760 : vector<1x16xf32> to vector<16xf32>
        %add3A_762 = arith.addf %add3A_738, %get3A_761 : vector<16xf32>
        %get3A_763 = arith.index_cast %add3A_757 : i32 to index
        %get3A_764 = arith.constant 16 : index
        %get3A_765 = tpu.vector_load %arg7[%get3A_763, %get3A_764] {strides = array<i32>} : memref<200x64xf32, #tpu.memory_space<vmem>>, vector<1x16xf32>,
        %get3A_766 = vector.shape_cast %get3A_765 : vector<1x16xf32> to vector<16xf32>
        %add3A_767 = arith.addf %add3A_743, %get3A_766 : vector<16xf32>
        %get3A_768 = arith.index_cast %add3A_757 : i32 to index
        %get3A_769 = arith.constant 32 : index
        %get3A_770 = tpu.vector_load %arg7[%get3A_768, %get3A_769] {strides = array<i32>} : memref<200x64xf32, #tpu.memory_space<vmem>>, vector<1x16xf32>,
        %get3A_771 = vector.shape_cast %get3A_770 : vector<1x16xf32> to vector<16xf32>
        %add3A_772 = arith.addf %add3A_748, %get3A_771 : vector<16xf32>
        %get3A_773 = arith.index_cast %add3A_757 : i32 to index
        %get3A_774 = arith.constant 48 : index
        %get3A_775 = tpu.vector_load %arg7[%get3A_773, %get3A_774] {strides = array<i32>} : memref<200x64xf32, #tpu.memory_space<vmem>>, vector<1x16xf32>,
        %get3A_776 = vector.shape_cast %get3A_775 : vector<1x16xf32> to vector<16xf32>
        %add3A_777 = arith.addf %add3A_753, %get3A_776 : vector<16xf32>
        %mul3A_778 = arith.constant 8 : i32
        %mul3A_779 = arith.muli %scan3A_606, %mul3A_778 : i32
        %add3A_780 = arith.constant 7 : i32
        %add3A_781 = arith.addi %mul3A_779, %add3A_780 : i32
        %get3A_782 = arith.index_cast %add3A_781 : i32 to index
        %get3A_783 = arith.constant 0 : index
        %get3A_784 = tpu.vector_load %arg7[%get3A_782, %get3A_783] {strides = array<i32>} : memref<200x64xf32, #tpu.memory_space<vmem>>, vector<1x16xf32>,
        %get3A_785 = vector.shape_cast %get3A_784 : vector<1x16xf32> to vector<16xf32>
        %add3A_786 = arith.addf %add3A_762, %get3A_785 : vector<16xf32>
        %get3A_787 = arith.index_cast %add3A_781 : i32 to index
        %get3A_788 = arith.constant 16 : index
        %get3A_789 = tpu.vector_load %arg7[%get3A_787, %get3A_788] {strides = array<i32>} : memref<200x64xf32, #tpu.memory_space<vmem>>, vector<1x16xf32>,
        %get3A_790 = vector.shape_cast %get3A_789 : vector<1x16xf32> to vector<16xf32>
        %add3A_791 = arith.addf %add3A_767, %get3A_790 : vector<16xf32>
        %get3A_792 = arith.index_cast %add3A_781 : i32 to index
        %get3A_793 = arith.constant 32 : index
        %get3A_794 = tpu.vector_load %arg7[%get3A_792, %get3A_793] {strides = array<i32>} : memref<200x64xf32, #tpu.memory_space<vmem>>, vector<1x16xf32>,
        %get3A_795 = vector.shape_cast %get3A_794 : vector<1x16xf32> to vector<16xf32>
        %add3A_796 = arith.addf %add3A_772, %get3A_795 : vector<16xf32>
        %get3A_797 = arith.index_cast %add3A_781 : i32 to index
        %get3A_798 = arith.constant 48 : index
        %get3A_799 = tpu.vector_load %arg7[%get3A_797, %get3A_798] {strides = array<i32>} : memref<200x64xf32, #tpu.memory_space<vmem>>, vector<1x16xf32>,
        %get3A_800 = vector.shape_cast %get3A_799 : vector<1x16xf32> to vector<16xf32>
        %add3A_801 = arith.addf %add3A_777, %get3A_800 : vector<16xf32>
        scf.yield %add3A_786, %add3A_791, %add3A_796, %add3A_801 : vector<16xf32>, vector<16xf32>, vector<16xf32>, vector<16xf32>
      }
      %scan3A_403 = arith.constant 25 : i32
      %swap3A_404 = arith.index_cast %add3A_369 : i32 to index
      %swap3A_405 = arith.constant 0 : index
      %swap3A_406 = tpu.vector_load %arg10[%swap3A_404, %swap3A_405] {strides = array<i32>} : memref<128x64xf32, #tpu.memory_space<vmem>>, vector<1x16xf32>,
      %swap3A_407 = vector.shape_cast %swap3A_406 : vector<1x16xf32> to vector<16xf32>
      %swap3A_408 = vector.shape_cast %scan3A_402#0 : vector<16xf32> to vector<1x16xf32>
      tpu.vector_store %arg10[%swap3A_404, %swap3A_405], %swap3A_408 {strides = array<i32>} : memref<128x64xf32, #tpu.memory_space<vmem>>, vector<1x16xf32>,
      %swap3A_409 = arith.index_cast %add3A_369 : i32 to index
      %swap3A_410 = arith.constant 16 : index
      %swap3A_411 = tpu.vector_load %arg10[%swap3A_409, %swap3A_410] {strides = array<i32>} : memref<128x64xf32, #tpu.memory_space<vmem>>, vector<1x16xf32>,
      %swap3A_412 = vector.shape_cast %swap3A_411 : vector<1x16xf32> to vector<16xf32>
      %swap3A_413 = vector.shape_cast %scan3A_402#1 : vector<16xf32> to vector<1x16xf32>
      tpu.vector_store %arg10[%swap3A_409, %swap3A_410], %swap3A_413 {strides = array<i32>} : memref<128x64xf32, #tpu.memory_space<vmem>>, vector<1x16xf32>,
      %swap3A_414 = arith.index_cast %add3A_369 : i32 to index
      %swap3A_415 = arith.constant 32 : index
      %swap3A_416 = tpu.vector_load %arg10[%swap3A_414, %swap3A_415] {strides = array<i32>} : memref<128x64xf32, #tpu.memory_space<vmem>>, vector<1x16xf32>,
      %swap3A_417 = vector.shape_cast %swap3A_416 : vector<1x16xf32> to vector<16xf32>
      %swap3A_418 = vector.shape_cast %scan3A_402#2 : vector<16xf32> to vector<1x16xf32>
      tpu.vector_store %arg10[%swap3A_414, %swap3A_415], %swap3A_418 {strides = array<i32>} : memref<128x64xf32, #tpu.memory_space<vmem>>, vector<1x16xf32>,
      %swap3A_419 = arith.index_cast %add3A_369 : i32 to index
      %swap3A_420 = arith.constant 48 : index
      %swap3A_421 = tpu.vector_load %arg10[%swap3A_419, %swap3A_420] {strides = array<i32>} : memref<128x64xf32, #tpu.memory_space<vmem>>, vector<1x16xf32>,
      %swap3A_422 = vector.shape_cast %swap3A_421 : vector<1x16xf32> to vector<16xf32>
      %swap3A_423 = vector.shape_cast %scan3A_402#3 : vector<16xf32> to vector<1x16xf32>
      tpu.vector_store %arg10[%swap3A_419, %swap3A_420], %swap3A_423 {strides = array<i32>} : memref<128x64xf32, #tpu.memory_space<vmem>>, vector<1x16xf32>,
      %add3A_424 = arith.constant 4 : i32
      %add3A_425 = arith.addi %add3A_369, %add3A_424 : i32
      %mul3A_426 = arith.constant 256 : i32
      %mul3A_427 = arith.muli %add3A_425, %mul3A_426 : i32
      %dma_start3A_428 = arith.constant 0 : i32
      %dma_start3A_429 = arith.constant 0 : i32
      %dma_start3A_430 = tpu.memref_slice %arg7[%dma_start3A_428, %dma_start3A_429] : memref<200x64xf32, #tpu.memory_space<vmem>> -> memref<104x64xf32, #tpu.memory_space<vmem>>
      %dma_start3A_431 = tpu.memref_slice %arg5[%mul3A_427] : memref<32768xi32, #tpu.memory_space<vmem>> -> memref<104xi32, #tpu.memory_space<vmem>>
      %dma_start3A_432 = arith.constant 0 : i32
      %dma_start3A_433 = arith.constant 0 : i32
      %dma_start3A_434 = tpu.memref_slice %arg3[%dma_start3A_432, %dma_start3A_433] : memref<2000000x64xf32, #tpu.memory_space<hbm>> -> memref<2000000x64xf32, #tpu.memory_space<hbm>>
      tpu.enqueue_indirect_dma source(%dma_start3A_434 : memref<2000000x64xf32, #tpu.memory_space<hbm>>) target(%dma_start3A_430 : memref<104x64xf32, #tpu.memory_space<vmem>>) offsets(%dma_start3A_431 : memref<104xi32, #tpu.memory_space<vmem>>) semaphore(%arg12 : memref<!tpu.dma_semaphore, #tpu.memory_space<semaphore_mem>>)
      %mul3A_435 = arith.constant 256 : i32
      %mul3A_436 = arith.muli %add3A_425, %mul3A_435 : i32
      %add3A_437 = arith.constant 104 : i32
      %add3A_438 = arith.addi %mul3A_436, %add3A_437 : i32
      %dma_start3A_439 = arith.constant 104 : i32
      %dma_start3A_440 = arith.constant 0 : i32
      %dma_start3A_441 = tpu.memref_slice %arg7[%dma_start3A_439, %dma_start3A_440] : memref<200x64xf32, #tpu.memory_space<vmem>> -> memref<96x64xf32, #tpu.memory_space<vmem>>
      %dma_start3A_442 = tpu.memref_slice %arg5[%add3A_438] : memref<32768xi32, #tpu.memory_space<vmem>> -> memref<96xi32, #tpu.memory_space<vmem>>
      %dma_start3A_443 = arith.constant 0 : i32
      %dma_start3A_444 = arith.constant 0 : i32
      %dma_start3A_445 = tpu.memref_slice %arg3[%dma_start3A_443, %dma_start3A_444] : memref<2000000x64xf32, #tpu.memory_space<hbm>> -> memref<2000000x64xf32, #tpu.memory_space<hbm>>
      tpu.enqueue_indirect_dma source(%dma_start3A_445 : memref<2000000x64xf32, #tpu.memory_space<hbm>>) target(%dma_start3A_441 : memref<96x64xf32, #tpu.memory_space<vmem>>) offsets(%dma_start3A_442 : memref<96xi32, #tpu.memory_space<vmem>>) semaphore(%arg12 : memref<!tpu.dma_semaphore, #tpu.memory_space<semaphore_mem>>)
      %mul3A_446 = arith.constant 4 : i32
      %mul3A_447 = arith.muli %scan3A_285, %mul3A_446 : i32
      %add3A_448 = arith.constant 2 : i32
      %add3A_449 = arith.addi %mul3A_447, %add3A_448 : i32
      %mul3A_450 = arith.constant 256 : i32
      %mul3A_451 = arith.muli %add3A_449, %mul3A_450 : i32
      %dma_wait3A_452 = arith.constant 0 : i32
      %dma_wait3A_453 = arith.constant 0 : i32
      %dma_wait3A_454 = tpu.memref_slice %arg8[%dma_wait3A_452, %dma_wait3A_453] : memref<200x64xf32, #tpu.memory_space<vmem>> -> memref<104x64xf32, #tpu.memory_space<vmem>>
      %dma_wait3A_455 = tpu.memref_slice %arg5[%mul3A_451] : memref<32768xi32, #tpu.memory_space<vmem>> -> memref<104xi32, #tpu.memory_space<vmem>>
      %dma_wait3A_456 = arith.constant 0 : i32
      %dma_wait3A_457 = arith.constant 0 : i32
      %dma_wait3A_458 = tpu.memref_slice %arg3[%dma_wait3A_456, %dma_wait3A_457] : memref<2000000x64xf32, #tpu.memory_space<hbm>> -> memref<2000000x64xf32, #tpu.memory_space<hbm>>
      tpu.wait_indirect_dma semaphore(%arg13 : memref<!tpu.dma_semaphore, #tpu.memory_space<semaphore_mem>>) src(%dma_wait3A_458 : memref<2000000x64xf32, #tpu.memory_space<hbm>>) dst(%dma_wait3A_454 : memref<104x64xf32, #tpu.memory_space<vmem>>)
      %mul3A_459 = arith.constant 256 : i32
      %mul3A_460 = arith.muli %add3A_449, %mul3A_459 : i32
      %add3A_461 = arith.constant 104 : i32
      %add3A_462 = arith.addi %mul3A_460, %add3A_461 : i32
      %dma_wait3A_463 = arith.constant 104 : i32
      %dma_wait3A_464 = arith.constant 0 : i32
      %dma_wait3A_465 = tpu.memref_slice %arg8[%dma_wait3A_463, %dma_wait3A_464] : memref<200x64xf32, #tpu.memory_space<vmem>> -> memref<96x64xf32, #tpu.memory_space<vmem>>
      %dma_wait3A_466 = tpu.memref_slice %arg5[%add3A_462] : memref<32768xi32, #tpu.memory_space<vmem>> -> memref<96xi32, #tpu.memory_space<vmem>>
      %dma_wait3A_467 = arith.constant 0 : i32
      %dma_wait3A_468 = arith.constant 0 : i32
      %dma_wait3A_469 = tpu.memref_slice %arg3[%dma_wait3A_467, %dma_wait3A_468] : memref<2000000x64xf32, #tpu.memory_space<hbm>> -> memref<2000000x64xf32, #tpu.memory_space<hbm>>
      tpu.wait_indirect_dma semaphore(%arg13 : memref<!tpu.dma_semaphore, #tpu.memory_space<semaphore_mem>>) src(%dma_wait3A_469 : memref<2000000x64xf32, #tpu.memory_space<hbm>>) dst(%dma_wait3A_465 : memref<96x64xf32, #tpu.memory_space<vmem>>)
      %broadcast_in_dim3A_470 = arith.constant 0.000000e+00 : f32
      %broadcast_in_dim3A_471 = vector.broadcast %broadcast_in_dim3A_470 : f32 to vector<16xf32>
      %broadcast_in_dim3A_472 = arith.constant 0.000000e+00 : f32
      %broadcast_in_dim3A_473 = vector.broadcast %broadcast_in_dim3A_472 : f32 to vector<16xf32>
      %broadcast_in_dim3A_474 = arith.constant 0.000000e+00 : f32
      %broadcast_in_dim3A_475 = vector.broadcast %broadcast_in_dim3A_474 : f32 to vector<16xf32>
      %broadcast_in_dim3A_476 = arith.constant 0.000000e+00 : f32
      %broadcast_in_dim3A_477 = vector.broadcast %broadcast_in_dim3A_476 : f32 to vector<16xf32>
      %scan3A_478 = arith.constant 0 : i32
      %scan3A_479 = arith.constant 25 : i32
      %scan3A_480 = arith.addi %scan3A_478, %scan3A_479 : i32
      %scan3A_481 = arith.constant 1 : i32
      %scan3A_482:4 = scf.for %scan3A_606 = %scan3A_478 to %scan3A_480 step %scan3A_481 iter_args(%scan3A_607 = %broadcast_in_dim3A_471, %scan3A_608 = %broadcast_in_dim3A_473, %scan3A_609 = %broadcast_in_dim3A_475, %scan3A_610 = %broadcast_in_dim3A_477) -> (vector<16xf32>, vector<16xf32>, vector<16xf32>, vector<16xf32>)  : i32 {
        %mul3A_611 = arith.constant 8 : i32
        %mul3A_612 = arith.muli %scan3A_606, %mul3A_611 : i32
        %add3A_613 = arith.constant 0 : i32
        %add3A_614 = arith.addi %mul3A_612, %add3A_613 : i32
        %get3A = arith.index_cast %add3A_614 : i32 to index
        %get3A_615 = arith.constant 0 : index
        %get3A_616 = tpu.vector_load %arg8[%get3A, %get3A_615] {strides = array<i32>} : memref<200x64xf32, #tpu.memory_space<vmem>>, vector<1x16xf32>,
        %get3A_617 = vector.shape_cast %get3A_616 : vector<1x16xf32> to vector<16xf32>
        %add3A_618 = arith.addf %scan3A_607, %get3A_617 : vector<16xf32>
        %get3A_619 = arith.index_cast %add3A_614 : i32 to index
        %get3A_620 = arith.constant 16 : index
        %get3A_621 = tpu.vector_load %arg8[%get3A_619, %get3A_620] {strides = array<i32>} : memref<200x64xf32, #tpu.memory_space<vmem>>, vector<1x16xf32>,
        %get3A_622 = vector.shape_cast %get3A_621 : vector<1x16xf32> to vector<16xf32>
        %add3A_623 = arith.addf %scan3A_608, %get3A_622 : vector<16xf32>
        %get3A_624 = arith.index_cast %add3A_614 : i32 to index
        %get3A_625 = arith.constant 32 : index
        %get3A_626 = tpu.vector_load %arg8[%get3A_624, %get3A_625] {strides = array<i32>} : memref<200x64xf32, #tpu.memory_space<vmem>>, vector<1x16xf32>,
        %get3A_627 = vector.shape_cast %get3A_626 : vector<1x16xf32> to vector<16xf32>
        %add3A_628 = arith.addf %scan3A_609, %get3A_627 : vector<16xf32>
        %get3A_629 = arith.index_cast %add3A_614 : i32 to index
        %get3A_630 = arith.constant 48 : index
        %get3A_631 = tpu.vector_load %arg8[%get3A_629, %get3A_630] {strides = array<i32>} : memref<200x64xf32, #tpu.memory_space<vmem>>, vector<1x16xf32>,
        %get3A_632 = vector.shape_cast %get3A_631 : vector<1x16xf32> to vector<16xf32>
        %add3A_633 = arith.addf %scan3A_610, %get3A_632 : vector<16xf32>
        %mul3A_634 = arith.constant 8 : i32
        %mul3A_635 = arith.muli %scan3A_606, %mul3A_634 : i32
        %add3A_636 = arith.constant 1 : i32
        %add3A_637 = arith.addi %mul3A_635, %add3A_636 : i32
        %get3A_638 = arith.index_cast %add3A_637 : i32 to index
        %get3A_639 = arith.constant 0 : index
        %get3A_640 = tpu.vector_load %arg8[%get3A_638, %get3A_639] {strides = array<i32>} : memref<200x64xf32, #tpu.memory_space<vmem>>, vector<1x16xf32>,
        %get3A_641 = vector.shape_cast %get3A_640 : vector<1x16xf32> to vector<16xf32>
        %add3A_642 = arith.addf %add3A_618, %get3A_641 : vector<16xf32>
        %get3A_643 = arith.index_cast %add3A_637 : i32 to index
        %get3A_644 = arith.constant 16 : index
        %get3A_645 = tpu.vector_load %arg8[%get3A_643, %get3A_644] {strides = array<i32>} : memref<200x64xf32, #tpu.memory_space<vmem>>, vector<1x16xf32>,
        %get3A_646 = vector.shape_cast %get3A_645 : vector<1x16xf32> to vector<16xf32>
        %add3A_647 = arith.addf %add3A_623, %get3A_646 : vector<16xf32>
        %get3A_648 = arith.index_cast %add3A_637 : i32 to index
        %get3A_649 = arith.constant 32 : index
        %get3A_650 = tpu.vector_load %arg8[%get3A_648, %get3A_649] {strides = array<i32>} : memref<200x64xf32, #tpu.memory_space<vmem>>, vector<1x16xf32>,
        %get3A_651 = vector.shape_cast %get3A_650 : vector<1x16xf32> to vector<16xf32>
        %add3A_652 = arith.addf %add3A_628, %get3A_651 : vector<16xf32>
        %get3A_653 = arith.index_cast %add3A_637 : i32 to index
        %get3A_654 = arith.constant 48 : index
        %get3A_655 = tpu.vector_load %arg8[%get3A_653, %get3A_654] {strides = array<i32>} : memref<200x64xf32, #tpu.memory_space<vmem>>, vector<1x16xf32>,
        %get3A_656 = vector.shape_cast %get3A_655 : vector<1x16xf32> to vector<16xf32>
        %add3A_657 = arith.addf %add3A_633, %get3A_656 : vector<16xf32>
        %mul3A_658 = arith.constant 8 : i32
        %mul3A_659 = arith.muli %scan3A_606, %mul3A_658 : i32
        %add3A_660 = arith.constant 2 : i32
        %add3A_661 = arith.addi %mul3A_659, %add3A_660 : i32
        %get3A_662 = arith.index_cast %add3A_661 : i32 to index
        %get3A_663 = arith.constant 0 : index
        %get3A_664 = tpu.vector_load %arg8[%get3A_662, %get3A_663] {strides = array<i32>} : memref<200x64xf32, #tpu.memory_space<vmem>>, vector<1x16xf32>,
        %get3A_665 = vector.shape_cast %get3A_664 : vector<1x16xf32> to vector<16xf32>
        %add3A_666 = arith.addf %add3A_642, %get3A_665 : vector<16xf32>
        %get3A_667 = arith.index_cast %add3A_661 : i32 to index
        %get3A_668 = arith.constant 16 : index
        %get3A_669 = tpu.vector_load %arg8[%get3A_667, %get3A_668] {strides = array<i32>} : memref<200x64xf32, #tpu.memory_space<vmem>>, vector<1x16xf32>,
        %get3A_670 = vector.shape_cast %get3A_669 : vector<1x16xf32> to vector<16xf32>
        %add3A_671 = arith.addf %add3A_647, %get3A_670 : vector<16xf32>
        %get3A_672 = arith.index_cast %add3A_661 : i32 to index
        %get3A_673 = arith.constant 32 : index
        %get3A_674 = tpu.vector_load %arg8[%get3A_672, %get3A_673] {strides = array<i32>} : memref<200x64xf32, #tpu.memory_space<vmem>>, vector<1x16xf32>,
        %get3A_675 = vector.shape_cast %get3A_674 : vector<1x16xf32> to vector<16xf32>
        %add3A_676 = arith.addf %add3A_652, %get3A_675 : vector<16xf32>
        %get3A_677 = arith.index_cast %add3A_661 : i32 to index
        %get3A_678 = arith.constant 48 : index
        %get3A_679 = tpu.vector_load %arg8[%get3A_677, %get3A_678] {strides = array<i32>} : memref<200x64xf32, #tpu.memory_space<vmem>>, vector<1x16xf32>,
        %get3A_680 = vector.shape_cast %get3A_679 : vector<1x16xf32> to vector<16xf32>
        %add3A_681 = arith.addf %add3A_657, %get3A_680 : vector<16xf32>
        %mul3A_682 = arith.constant 8 : i32
        %mul3A_683 = arith.muli %scan3A_606, %mul3A_682 : i32
        %add3A_684 = arith.constant 3 : i32
        %add3A_685 = arith.addi %mul3A_683, %add3A_684 : i32
        %get3A_686 = arith.index_cast %add3A_685 : i32 to index
        %get3A_687 = arith.constant 0 : index
        %get3A_688 = tpu.vector_load %arg8[%get3A_686, %get3A_687] {strides = array<i32>} : memref<200x64xf32, #tpu.memory_space<vmem>>, vector<1x16xf32>,
        %get3A_689 = vector.shape_cast %get3A_688 : vector<1x16xf32> to vector<16xf32>
        %add3A_690 = arith.addf %add3A_666, %get3A_689 : vector<16xf32>
        %get3A_691 = arith.index_cast %add3A_685 : i32 to index
        %get3A_692 = arith.constant 16 : index
        %get3A_693 = tpu.vector_load %arg8[%get3A_691, %get3A_692] {strides = array<i32>} : memref<200x64xf32, #tpu.memory_space<vmem>>, vector<1x16xf32>,
        %get3A_694 = vector.shape_cast %get3A_693 : vector<1x16xf32> to vector<16xf32>
        %add3A_695 = arith.addf %add3A_671, %get3A_694 : vector<16xf32>
        %get3A_696 = arith.index_cast %add3A_685 : i32 to index
        %get3A_697 = arith.constant 32 : index
        %get3A_698 = tpu.vector_load %arg8[%get3A_696, %get3A_697] {strides = array<i32>} : memref<200x64xf32, #tpu.memory_space<vmem>>, vector<1x16xf32>,
        %get3A_699 = vector.shape_cast %get3A_698 : vector<1x16xf32> to vector<16xf32>
        %add3A_700 = arith.addf %add3A_676, %get3A_699 : vector<16xf32>
        %get3A_701 = arith.index_cast %add3A_685 : i32 to index
        %get3A_702 = arith.constant 48 : index
        %get3A_703 = tpu.vector_load %arg8[%get3A_701, %get3A_702] {strides = array<i32>} : memref<200x64xf32, #tpu.memory_space<vmem>>, vector<1x16xf32>,
        %get3A_704 = vector.shape_cast %get3A_703 : vector<1x16xf32> to vector<16xf32>
        %add3A_705 = arith.addf %add3A_681, %get3A_704 : vector<16xf32>
        %mul3A_706 = arith.constant 8 : i32
        %mul3A_707 = arith.muli %scan3A_606, %mul3A_706 : i32
        %add3A_708 = arith.constant 4 : i32
        %add3A_709 = arith.addi %mul3A_707, %add3A_708 : i32
        %get3A_710 = arith.index_cast %add3A_709 : i32 to index
        %get3A_711 = arith.constant 0 : index
        %get3A_712 = tpu.vector_load %arg8[%get3A_710, %get3A_711] {strides = array<i32>} : memref<200x64xf32, #tpu.memory_space<vmem>>, vector<1x16xf32>,
        %get3A_713 = vector.shape_cast %get3A_712 : vector<1x16xf32> to vector<16xf32>
        %add3A_714 = arith.addf %add3A_690, %get3A_713 : vector<16xf32>
        %get3A_715 = arith.index_cast %add3A_709 : i32 to index
        %get3A_716 = arith.constant 16 : index
        %get3A_717 = tpu.vector_load %arg8[%get3A_715, %get3A_716] {strides = array<i32>} : memref<200x64xf32, #tpu.memory_space<vmem>>, vector<1x16xf32>,
        %get3A_718 = vector.shape_cast %get3A_717 : vector<1x16xf32> to vector<16xf32>
        %add3A_719 = arith.addf %add3A_695, %get3A_718 : vector<16xf32>
        %get3A_720 = arith.index_cast %add3A_709 : i32 to index
        %get3A_721 = arith.constant 32 : index
        %get3A_722 = tpu.vector_load %arg8[%get3A_720, %get3A_721] {strides = array<i32>} : memref<200x64xf32, #tpu.memory_space<vmem>>, vector<1x16xf32>,
        %get3A_723 = vector.shape_cast %get3A_722 : vector<1x16xf32> to vector<16xf32>
        %add3A_724 = arith.addf %add3A_700, %get3A_723 : vector<16xf32>
        %get3A_725 = arith.index_cast %add3A_709 : i32 to index
        %get3A_726 = arith.constant 48 : index
        %get3A_727 = tpu.vector_load %arg8[%get3A_725, %get3A_726] {strides = array<i32>} : memref<200x64xf32, #tpu.memory_space<vmem>>, vector<1x16xf32>,
        %get3A_728 = vector.shape_cast %get3A_727 : vector<1x16xf32> to vector<16xf32>
        %add3A_729 = arith.addf %add3A_705, %get3A_728 : vector<16xf32>
        %mul3A_730 = arith.constant 8 : i32
        %mul3A_731 = arith.muli %scan3A_606, %mul3A_730 : i32
        %add3A_732 = arith.constant 5 : i32
        %add3A_733 = arith.addi %mul3A_731, %add3A_732 : i32
        %get3A_734 = arith.index_cast %add3A_733 : i32 to index
        %get3A_735 = arith.constant 0 : index
        %get3A_736 = tpu.vector_load %arg8[%get3A_734, %get3A_735] {strides = array<i32>} : memref<200x64xf32, #tpu.memory_space<vmem>>, vector<1x16xf32>,
        %get3A_737 = vector.shape_cast %get3A_736 : vector<1x16xf32> to vector<16xf32>
        %add3A_738 = arith.addf %add3A_714, %get3A_737 : vector<16xf32>
        %get3A_739 = arith.index_cast %add3A_733 : i32 to index
        %get3A_740 = arith.constant 16 : index
        %get3A_741 = tpu.vector_load %arg8[%get3A_739, %get3A_740] {strides = array<i32>} : memref<200x64xf32, #tpu.memory_space<vmem>>, vector<1x16xf32>,
        %get3A_742 = vector.shape_cast %get3A_741 : vector<1x16xf32> to vector<16xf32>
        %add3A_743 = arith.addf %add3A_719, %get3A_742 : vector<16xf32>
        %get3A_744 = arith.index_cast %add3A_733 : i32 to index
        %get3A_745 = arith.constant 32 : index
        %get3A_746 = tpu.vector_load %arg8[%get3A_744, %get3A_745] {strides = array<i32>} : memref<200x64xf32, #tpu.memory_space<vmem>>, vector<1x16xf32>,
        %get3A_747 = vector.shape_cast %get3A_746 : vector<1x16xf32> to vector<16xf32>
        %add3A_748 = arith.addf %add3A_724, %get3A_747 : vector<16xf32>
        %get3A_749 = arith.index_cast %add3A_733 : i32 to index
        %get3A_750 = arith.constant 48 : index
        %get3A_751 = tpu.vector_load %arg8[%get3A_749, %get3A_750] {strides = array<i32>} : memref<200x64xf32, #tpu.memory_space<vmem>>, vector<1x16xf32>,
        %get3A_752 = vector.shape_cast %get3A_751 : vector<1x16xf32> to vector<16xf32>
        %add3A_753 = arith.addf %add3A_729, %get3A_752 : vector<16xf32>
        %mul3A_754 = arith.constant 8 : i32
        %mul3A_755 = arith.muli %scan3A_606, %mul3A_754 : i32
        %add3A_756 = arith.constant 6 : i32
        %add3A_757 = arith.addi %mul3A_755, %add3A_756 : i32
        %get3A_758 = arith.index_cast %add3A_757 : i32 to index
        %get3A_759 = arith.constant 0 : index
        %get3A_760 = tpu.vector_load %arg8[%get3A_758, %get3A_759] {strides = array<i32>} : memref<200x64xf32, #tpu.memory_space<vmem>>, vector<1x16xf32>,
        %get3A_761 = vector.shape_cast %get3A_760 : vector<1x16xf32> to vector<16xf32>
        %add3A_762 = arith.addf %add3A_738, %get3A_761 : vector<16xf32>
        %get3A_763 = arith.index_cast %add3A_757 : i32 to index
        %get3A_764 = arith.constant 16 : index
        %get3A_765 = tpu.vector_load %arg8[%get3A_763, %get3A_764] {strides = array<i32>} : memref<200x64xf32, #tpu.memory_space<vmem>>, vector<1x16xf32>,
        %get3A_766 = vector.shape_cast %get3A_765 : vector<1x16xf32> to vector<16xf32>
        %add3A_767 = arith.addf %add3A_743, %get3A_766 : vector<16xf32>
        %get3A_768 = arith.index_cast %add3A_757 : i32 to index
        %get3A_769 = arith.constant 32 : index
        %get3A_770 = tpu.vector_load %arg8[%get3A_768, %get3A_769] {strides = array<i32>} : memref<200x64xf32, #tpu.memory_space<vmem>>, vector<1x16xf32>,
        %get3A_771 = vector.shape_cast %get3A_770 : vector<1x16xf32> to vector<16xf32>
        %add3A_772 = arith.addf %add3A_748, %get3A_771 : vector<16xf32>
        %get3A_773 = arith.index_cast %add3A_757 : i32 to index
        %get3A_774 = arith.constant 48 : index
        %get3A_775 = tpu.vector_load %arg8[%get3A_773, %get3A_774] {strides = array<i32>} : memref<200x64xf32, #tpu.memory_space<vmem>>, vector<1x16xf32>,
        %get3A_776 = vector.shape_cast %get3A_775 : vector<1x16xf32> to vector<16xf32>
        %add3A_777 = arith.addf %add3A_753, %get3A_776 : vector<16xf32>
        %mul3A_778 = arith.constant 8 : i32
        %mul3A_779 = arith.muli %scan3A_606, %mul3A_778 : i32
        %add3A_780 = arith.constant 7 : i32
        %add3A_781 = arith.addi %mul3A_779, %add3A_780 : i32
        %get3A_782 = arith.index_cast %add3A_781 : i32 to index
        %get3A_783 = arith.constant 0 : index
        %get3A_784 = tpu.vector_load %arg8[%get3A_782, %get3A_783] {strides = array<i32>} : memref<200x64xf32, #tpu.memory_space<vmem>>, vector<1x16xf32>,
        %get3A_785 = vector.shape_cast %get3A_784 : vector<1x16xf32> to vector<16xf32>
        %add3A_786 = arith.addf %add3A_762, %get3A_785 : vector<16xf32>
        %get3A_787 = arith.index_cast %add3A_781 : i32 to index
        %get3A_788 = arith.constant 16 : index
        %get3A_789 = tpu.vector_load %arg8[%get3A_787, %get3A_788] {strides = array<i32>} : memref<200x64xf32, #tpu.memory_space<vmem>>, vector<1x16xf32>,
        %get3A_790 = vector.shape_cast %get3A_789 : vector<1x16xf32> to vector<16xf32>
        %add3A_791 = arith.addf %add3A_767, %get3A_790 : vector<16xf32>
        %get3A_792 = arith.index_cast %add3A_781 : i32 to index
        %get3A_793 = arith.constant 32 : index
        %get3A_794 = tpu.vector_load %arg8[%get3A_792, %get3A_793] {strides = array<i32>} : memref<200x64xf32, #tpu.memory_space<vmem>>, vector<1x16xf32>,
        %get3A_795 = vector.shape_cast %get3A_794 : vector<1x16xf32> to vector<16xf32>
        %add3A_796 = arith.addf %add3A_772, %get3A_795 : vector<16xf32>
        %get3A_797 = arith.index_cast %add3A_781 : i32 to index
        %get3A_798 = arith.constant 48 : index
        %get3A_799 = tpu.vector_load %arg8[%get3A_797, %get3A_798] {strides = array<i32>} : memref<200x64xf32, #tpu.memory_space<vmem>>, vector<1x16xf32>,
        %get3A_800 = vector.shape_cast %get3A_799 : vector<1x16xf32> to vector<16xf32>
        %add3A_801 = arith.addf %add3A_777, %get3A_800 : vector<16xf32>
        scf.yield %add3A_786, %add3A_791, %add3A_796, %add3A_801 : vector<16xf32>, vector<16xf32>, vector<16xf32>, vector<16xf32>
      }
      %scan3A_483 = arith.constant 25 : i32
      %swap3A_484 = arith.index_cast %add3A_449 : i32 to index
      %swap3A_485 = arith.constant 0 : index
      %swap3A_486 = tpu.vector_load %arg10[%swap3A_484, %swap3A_485] {strides = array<i32>} : memref<128x64xf32, #tpu.memory_space<vmem>>, vector<1x16xf32>,
      %swap3A_487 = vector.shape_cast %swap3A_486 : vector<1x16xf32> to vector<16xf32>
      %swap3A_488 = vector.shape_cast %scan3A_482#0 : vector<16xf32> to vector<1x16xf32>
      tpu.vector_store %arg10[%swap3A_484, %swap3A_485], %swap3A_488 {strides = array<i32>} : memref<128x64xf32, #tpu.memory_space<vmem>>, vector<1x16xf32>,
      %swap3A_489 = arith.index_cast %add3A_449 : i32 to index
      %swap3A_490 = arith.constant 16 : index
      %swap3A_491 = tpu.vector_load %arg10[%swap3A_489, %swap3A_490] {strides = array<i32>} : memref<128x64xf32, #tpu.memory_space<vmem>>, vector<1x16xf32>,
      %swap3A_492 = vector.shape_cast %swap3A_491 : vector<1x16xf32> to vector<16xf32>
      %swap3A_493 = vector.shape_cast %scan3A_482#1 : vector<16xf32> to vector<1x16xf32>
      tpu.vector_store %arg10[%swap3A_489, %swap3A_490], %swap3A_493 {strides = array<i32>} : memref<128x64xf32, #tpu.memory_space<vmem>>, vector<1x16xf32>,
      %swap3A_494 = arith.index_cast %add3A_449 : i32 to index
      %swap3A_495 = arith.constant 32 : index
      %swap3A_496 = tpu.vector_load %arg10[%swap3A_494, %swap3A_495] {strides = array<i32>} : memref<128x64xf32, #tpu.memory_space<vmem>>, vector<1x16xf32>,
      %swap3A_497 = vector.shape_cast %swap3A_496 : vector<1x16xf32> to vector<16xf32>
      %swap3A_498 = vector.shape_cast %scan3A_482#2 : vector<16xf32> to vector<1x16xf32>
      tpu.vector_store %arg10[%swap3A_494, %swap3A_495], %swap3A_498 {strides = array<i32>} : memref<128x64xf32, #tpu.memory_space<vmem>>, vector<1x16xf32>,
      %swap3A_499 = arith.index_cast %add3A_449 : i32 to index
      %swap3A_500 = arith.constant 48 : index
      %swap3A_501 = tpu.vector_load %arg10[%swap3A_499, %swap3A_500] {strides = array<i32>} : memref<128x64xf32, #tpu.memory_space<vmem>>, vector<1x16xf32>,
      %swap3A_502 = vector.shape_cast %swap3A_501 : vector<1x16xf32> to vector<16xf32>
      %swap3A_503 = vector.shape_cast %scan3A_482#3 : vector<16xf32> to vector<1x16xf32>
      tpu.vector_store %arg10[%swap3A_499, %swap3A_500], %swap3A_503 {strides = array<i32>} : memref<128x64xf32, #tpu.memory_space<vmem>>, vector<1x16xf32>,
      %add3A_504 = arith.constant 4 : i32
      %add3A_505 = arith.addi %add3A_449, %add3A_504 : i32
      %mul3A_506 = arith.constant 256 : i32
      %mul3A_507 = arith.muli %add3A_505, %mul3A_506 : i32
      %dma_start3A_508 = arith.constant 0 : i32
      %dma_start3A_509 = arith.constant 0 : i32
      %dma_start3A_510 = tpu.memref_slice %arg8[%dma_start3A_508, %dma_start3A_509] : memref<200x64xf32, #tpu.memory_space<vmem>> -> memref<104x64xf32, #tpu.memory_space<vmem>>
      %dma_start3A_511 = tpu.memref_slice %arg5[%mul3A_507] : memref<32768xi32, #tpu.memory_space<vmem>> -> memref<104xi32, #tpu.memory_space<vmem>>
      %dma_start3A_512 = arith.constant 0 : i32
      %dma_start3A_513 = arith.constant 0 : i32
      %dma_start3A_514 = tpu.memref_slice %arg3[%dma_start3A_512, %dma_start3A_513] : memref<2000000x64xf32, #tpu.memory_space<hbm>> -> memref<2000000x64xf32, #tpu.memory_space<hbm>>
      tpu.enqueue_indirect_dma source(%dma_start3A_514 : memref<2000000x64xf32, #tpu.memory_space<hbm>>) target(%dma_start3A_510 : memref<104x64xf32, #tpu.memory_space<vmem>>) offsets(%dma_start3A_511 : memref<104xi32, #tpu.memory_space<vmem>>) semaphore(%arg13 : memref<!tpu.dma_semaphore, #tpu.memory_space<semaphore_mem>>)
      %mul3A_515 = arith.constant 256 : i32
      %mul3A_516 = arith.muli %add3A_505, %mul3A_515 : i32
      %add3A_517 = arith.constant 104 : i32
      %add3A_518 = arith.addi %mul3A_516, %add3A_517 : i32
      %dma_start3A_519 = arith.constant 104 : i32
      %dma_start3A_520 = arith.constant 0 : i32
      %dma_start3A_521 = tpu.memref_slice %arg8[%dma_start3A_519, %dma_start3A_520] : memref<200x64xf32, #tpu.memory_space<vmem>> -> memref<96x64xf32, #tpu.memory_space<vmem>>
      %dma_start3A_522 = tpu.memref_slice %arg5[%add3A_518] : memref<32768xi32, #tpu.memory_space<vmem>> -> memref<96xi32, #tpu.memory_space<vmem>>
      %dma_start3A_523 = arith.constant 0 : i32
      %dma_start3A_524 = arith.constant 0 : i32
      %dma_start3A_525 = tpu.memref_slice %arg3[%dma_start3A_523, %dma_start3A_524] : memref<2000000x64xf32, #tpu.memory_space<hbm>> -> memref<2000000x64xf32, #tpu.memory_space<hbm>>
      tpu.enqueue_indirect_dma source(%dma_start3A_525 : memref<2000000x64xf32, #tpu.memory_space<hbm>>) target(%dma_start3A_521 : memref<96x64xf32, #tpu.memory_space<vmem>>) offsets(%dma_start3A_522 : memref<96xi32, #tpu.memory_space<vmem>>) semaphore(%arg13 : memref<!tpu.dma_semaphore, #tpu.memory_space<semaphore_mem>>)
      %mul3A_526 = arith.constant 4 : i32
      %mul3A_527 = arith.muli %scan3A_285, %mul3A_526 : i32
      %add3A_528 = arith.constant 3 : i32
      %add3A_529 = arith.addi %mul3A_527, %add3A_528 : i32
      %mul3A_530 = arith.constant 256 : i32
      %mul3A_531 = arith.muli %add3A_529, %mul3A_530 : i32
      %dma_wait3A_532 = arith.constant 0 : i32
      %dma_wait3A_533 = arith.constant 0 : i32
      %dma_wait3A_534 = tpu.memref_slice %arg9[%dma_wait3A_532, %dma_wait3A_533] : memref<200x64xf32, #tpu.memory_space<vmem>> -> memref<104x64xf32, #tpu.memory_space<vmem>>
      %dma_wait3A_535 = tpu.memref_slice %arg5[%mul3A_531] : memref<32768xi32, #tpu.memory_space<vmem>> -> memref<104xi32, #tpu.memory_space<vmem>>
      %dma_wait3A_536 = arith.constant 0 : i32
      %dma_wait3A_537 = arith.constant 0 : i32
      %dma_wait3A_538 = tpu.memref_slice %arg3[%dma_wait3A_536, %dma_wait3A_537] : memref<2000000x64xf32, #tpu.memory_space<hbm>> -> memref<2000000x64xf32, #tpu.memory_space<hbm>>
      tpu.wait_indirect_dma semaphore(%arg14 : memref<!tpu.dma_semaphore, #tpu.memory_space<semaphore_mem>>) src(%dma_wait3A_538 : memref<2000000x64xf32, #tpu.memory_space<hbm>>) dst(%dma_wait3A_534 : memref<104x64xf32, #tpu.memory_space<vmem>>)
      %mul3A_539 = arith.constant 256 : i32
      %mul3A_540 = arith.muli %add3A_529, %mul3A_539 : i32
      %add3A_541 = arith.constant 104 : i32
      %add3A_542 = arith.addi %mul3A_540, %add3A_541 : i32
      %dma_wait3A_543 = arith.constant 104 : i32
      %dma_wait3A_544 = arith.constant 0 : i32
      %dma_wait3A_545 = tpu.memref_slice %arg9[%dma_wait3A_543, %dma_wait3A_544] : memref<200x64xf32, #tpu.memory_space<vmem>> -> memref<96x64xf32, #tpu.memory_space<vmem>>
      %dma_wait3A_546 = tpu.memref_slice %arg5[%add3A_542] : memref<32768xi32, #tpu.memory_space<vmem>> -> memref<96xi32, #tpu.memory_space<vmem>>
      %dma_wait3A_547 = arith.constant 0 : i32
      %dma_wait3A_548 = arith.constant 0 : i32
      %dma_wait3A_549 = tpu.memref_slice %arg3[%dma_wait3A_547, %dma_wait3A_548] : memref<2000000x64xf32, #tpu.memory_space<hbm>> -> memref<2000000x64xf32, #tpu.memory_space<hbm>>
      tpu.wait_indirect_dma semaphore(%arg14 : memref<!tpu.dma_semaphore, #tpu.memory_space<semaphore_mem>>) src(%dma_wait3A_549 : memref<2000000x64xf32, #tpu.memory_space<hbm>>) dst(%dma_wait3A_545 : memref<96x64xf32, #tpu.memory_space<vmem>>)
      %broadcast_in_dim3A_550 = arith.constant 0.000000e+00 : f32
      %broadcast_in_dim3A_551 = vector.broadcast %broadcast_in_dim3A_550 : f32 to vector<16xf32>
      %broadcast_in_dim3A_552 = arith.constant 0.000000e+00 : f32
      %broadcast_in_dim3A_553 = vector.broadcast %broadcast_in_dim3A_552 : f32 to vector<16xf32>
      %broadcast_in_dim3A_554 = arith.constant 0.000000e+00 : f32
      %broadcast_in_dim3A_555 = vector.broadcast %broadcast_in_dim3A_554 : f32 to vector<16xf32>
      %broadcast_in_dim3A_556 = arith.constant 0.000000e+00 : f32
      %broadcast_in_dim3A_557 = vector.broadcast %broadcast_in_dim3A_556 : f32 to vector<16xf32>
      %scan3A_558 = arith.constant 0 : i32
      %scan3A_559 = arith.constant 25 : i32
      %scan3A_560 = arith.addi %scan3A_558, %scan3A_559 : i32
      %scan3A_561 = arith.constant 1 : i32
      %scan3A_562:4 = scf.for %scan3A_606 = %scan3A_558 to %scan3A_560 step %scan3A_561 iter_args(%scan3A_607 = %broadcast_in_dim3A_551, %scan3A_608 = %broadcast_in_dim3A_553, %scan3A_609 = %broadcast_in_dim3A_555, %scan3A_610 = %broadcast_in_dim3A_557) -> (vector<16xf32>, vector<16xf32>, vector<16xf32>, vector<16xf32>)  : i32 {
        %mul3A_611 = arith.constant 8 : i32
        %mul3A_612 = arith.muli %scan3A_606, %mul3A_611 : i32
        %add3A_613 = arith.constant 0 : i32
        %add3A_614 = arith.addi %mul3A_612, %add3A_613 : i32
        %get3A = arith.index_cast %add3A_614 : i32 to index
        %get3A_615 = arith.constant 0 : index
        %get3A_616 = tpu.vector_load %arg9[%get3A, %get3A_615] {strides = array<i32>} : memref<200x64xf32, #tpu.memory_space<vmem>>, vector<1x16xf32>,
        %get3A_617 = vector.shape_cast %get3A_616 : vector<1x16xf32> to vector<16xf32>
        %add3A_618 = arith.addf %scan3A_607, %get3A_617 : vector<16xf32>
        %get3A_619 = arith.index_cast %add3A_614 : i32 to index
        %get3A_620 = arith.constant 16 : index
        %get3A_621 = tpu.vector_load %arg9[%get3A_619, %get3A_620] {strides = array<i32>} : memref<200x64xf32, #tpu.memory_space<vmem>>, vector<1x16xf32>,
        %get3A_622 = vector.shape_cast %get3A_621 : vector<1x16xf32> to vector<16xf32>
        %add3A_623 = arith.addf %scan3A_608, %get3A_622 : vector<16xf32>
        %get3A_624 = arith.index_cast %add3A_614 : i32 to index
        %get3A_625 = arith.constant 32 : index
        %get3A_626 = tpu.vector_load %arg9[%get3A_624, %get3A_625] {strides = array<i32>} : memref<200x64xf32, #tpu.memory_space<vmem>>, vector<1x16xf32>,
        %get3A_627 = vector.shape_cast %get3A_626 : vector<1x16xf32> to vector<16xf32>
        %add3A_628 = arith.addf %scan3A_609, %get3A_627 : vector<16xf32>
        %get3A_629 = arith.index_cast %add3A_614 : i32 to index
        %get3A_630 = arith.constant 48 : index
        %get3A_631 = tpu.vector_load %arg9[%get3A_629, %get3A_630] {strides = array<i32>} : memref<200x64xf32, #tpu.memory_space<vmem>>, vector<1x16xf32>,
        %get3A_632 = vector.shape_cast %get3A_631 : vector<1x16xf32> to vector<16xf32>
        %add3A_633 = arith.addf %scan3A_610, %get3A_632 : vector<16xf32>
        %mul3A_634 = arith.constant 8 : i32
        %mul3A_635 = arith.muli %scan3A_606, %mul3A_634 : i32
        %add3A_636 = arith.constant 1 : i32
        %add3A_637 = arith.addi %mul3A_635, %add3A_636 : i32
        %get3A_638 = arith.index_cast %add3A_637 : i32 to index
        %get3A_639 = arith.constant 0 : index
        %get3A_640 = tpu.vector_load %arg9[%get3A_638, %get3A_639] {strides = array<i32>} : memref<200x64xf32, #tpu.memory_space<vmem>>, vector<1x16xf32>,
        %get3A_641 = vector.shape_cast %get3A_640 : vector<1x16xf32> to vector<16xf32>
        %add3A_642 = arith.addf %add3A_618, %get3A_641 : vector<16xf32>
        %get3A_643 = arith.index_cast %add3A_637 : i32 to index
        %get3A_644 = arith.constant 16 : index
        %get3A_645 = tpu.vector_load %arg9[%get3A_643, %get3A_644] {strides = array<i32>} : memref<200x64xf32, #tpu.memory_space<vmem>>, vector<1x16xf32>,
        %get3A_646 = vector.shape_cast %get3A_645 : vector<1x16xf32> to vector<16xf32>
        %add3A_647 = arith.addf %add3A_623, %get3A_646 : vector<16xf32>
        %get3A_648 = arith.index_cast %add3A_637 : i32 to index
        %get3A_649 = arith.constant 32 : index
        %get3A_650 = tpu.vector_load %arg9[%get3A_648, %get3A_649] {strides = array<i32>} : memref<200x64xf32, #tpu.memory_space<vmem>>, vector<1x16xf32>,
        %get3A_651 = vector.shape_cast %get3A_650 : vector<1x16xf32> to vector<16xf32>
        %add3A_652 = arith.addf %add3A_628, %get3A_651 : vector<16xf32>
        %get3A_653 = arith.index_cast %add3A_637 : i32 to index
        %get3A_654 = arith.constant 48 : index
        %get3A_655 = tpu.vector_load %arg9[%get3A_653, %get3A_654] {strides = array<i32>} : memref<200x64xf32, #tpu.memory_space<vmem>>, vector<1x16xf32>,
        %get3A_656 = vector.shape_cast %get3A_655 : vector<1x16xf32> to vector<16xf32>
        %add3A_657 = arith.addf %add3A_633, %get3A_656 : vector<16xf32>
        %mul3A_658 = arith.constant 8 : i32
        %mul3A_659 = arith.muli %scan3A_606, %mul3A_658 : i32
        %add3A_660 = arith.constant 2 : i32
        %add3A_661 = arith.addi %mul3A_659, %add3A_660 : i32
        %get3A_662 = arith.index_cast %add3A_661 : i32 to index
        %get3A_663 = arith.constant 0 : index
        %get3A_664 = tpu.vector_load %arg9[%get3A_662, %get3A_663] {strides = array<i32>} : memref<200x64xf32, #tpu.memory_space<vmem>>, vector<1x16xf32>,
        %get3A_665 = vector.shape_cast %get3A_664 : vector<1x16xf32> to vector<16xf32>
        %add3A_666 = arith.addf %add3A_642, %get3A_665 : vector<16xf32>
        %get3A_667 = arith.index_cast %add3A_661 : i32 to index
        %get3A_668 = arith.constant 16 : index
        %get3A_669 = tpu.vector_load %arg9[%get3A_667, %get3A_668] {strides = array<i32>} : memref<200x64xf32, #tpu.memory_space<vmem>>, vector<1x16xf32>,
        %get3A_670 = vector.shape_cast %get3A_669 : vector<1x16xf32> to vector<16xf32>
        %add3A_671 = arith.addf %add3A_647, %get3A_670 : vector<16xf32>
        %get3A_672 = arith.index_cast %add3A_661 : i32 to index
        %get3A_673 = arith.constant 32 : index
        %get3A_674 = tpu.vector_load %arg9[%get3A_672, %get3A_673] {strides = array<i32>} : memref<200x64xf32, #tpu.memory_space<vmem>>, vector<1x16xf32>,
        %get3A_675 = vector.shape_cast %get3A_674 : vector<1x16xf32> to vector<16xf32>
        %add3A_676 = arith.addf %add3A_652, %get3A_675 : vector<16xf32>
        %get3A_677 = arith.index_cast %add3A_661 : i32 to index
        %get3A_678 = arith.constant 48 : index
        %get3A_679 = tpu.vector_load %arg9[%get3A_677, %get3A_678] {strides = array<i32>} : memref<200x64xf32, #tpu.memory_space<vmem>>, vector<1x16xf32>,
        %get3A_680 = vector.shape_cast %get3A_679 : vector<1x16xf32> to vector<16xf32>
        %add3A_681 = arith.addf %add3A_657, %get3A_680 : vector<16xf32>
        %mul3A_682 = arith.constant 8 : i32
        %mul3A_683 = arith.muli %scan3A_606, %mul3A_682 : i32
        %add3A_684 = arith.constant 3 : i32
        %add3A_685 = arith.addi %mul3A_683, %add3A_684 : i32
        %get3A_686 = arith.index_cast %add3A_685 : i32 to index
        %get3A_687 = arith.constant 0 : index
        %get3A_688 = tpu.vector_load %arg9[%get3A_686, %get3A_687] {strides = array<i32>} : memref<200x64xf32, #tpu.memory_space<vmem>>, vector<1x16xf32>,
        %get3A_689 = vector.shape_cast %get3A_688 : vector<1x16xf32> to vector<16xf32>
        %add3A_690 = arith.addf %add3A_666, %get3A_689 : vector<16xf32>
        %get3A_691 = arith.index_cast %add3A_685 : i32 to index
        %get3A_692 = arith.constant 16 : index
        %get3A_693 = tpu.vector_load %arg9[%get3A_691, %get3A_692] {strides = array<i32>} : memref<200x64xf32, #tpu.memory_space<vmem>>, vector<1x16xf32>,
        %get3A_694 = vector.shape_cast %get3A_693 : vector<1x16xf32> to vector<16xf32>
        %add3A_695 = arith.addf %add3A_671, %get3A_694 : vector<16xf32>
        %get3A_696 = arith.index_cast %add3A_685 : i32 to index
        %get3A_697 = arith.constant 32 : index
        %get3A_698 = tpu.vector_load %arg9[%get3A_696, %get3A_697] {strides = array<i32>} : memref<200x64xf32, #tpu.memory_space<vmem>>, vector<1x16xf32>,
        %get3A_699 = vector.shape_cast %get3A_698 : vector<1x16xf32> to vector<16xf32>
        %add3A_700 = arith.addf %add3A_676, %get3A_699 : vector<16xf32>
        %get3A_701 = arith.index_cast %add3A_685 : i32 to index
        %get3A_702 = arith.constant 48 : index
        %get3A_703 = tpu.vector_load %arg9[%get3A_701, %get3A_702] {strides = array<i32>} : memref<200x64xf32, #tpu.memory_space<vmem>>, vector<1x16xf32>,
        %get3A_704 = vector.shape_cast %get3A_703 : vector<1x16xf32> to vector<16xf32>
        %add3A_705 = arith.addf %add3A_681, %get3A_704 : vector<16xf32>
        %mul3A_706 = arith.constant 8 : i32
        %mul3A_707 = arith.muli %scan3A_606, %mul3A_706 : i32
        %add3A_708 = arith.constant 4 : i32
        %add3A_709 = arith.addi %mul3A_707, %add3A_708 : i32
        %get3A_710 = arith.index_cast %add3A_709 : i32 to index
        %get3A_711 = arith.constant 0 : index
        %get3A_712 = tpu.vector_load %arg9[%get3A_710, %get3A_711] {strides = array<i32>} : memref<200x64xf32, #tpu.memory_space<vmem>>, vector<1x16xf32>,
        %get3A_713 = vector.shape_cast %get3A_712 : vector<1x16xf32> to vector<16xf32>
        %add3A_714 = arith.addf %add3A_690, %get3A_713 : vector<16xf32>
        %get3A_715 = arith.index_cast %add3A_709 : i32 to index
        %get3A_716 = arith.constant 16 : index
        %get3A_717 = tpu.vector_load %arg9[%get3A_715, %get3A_716] {strides = array<i32>} : memref<200x64xf32, #tpu.memory_space<vmem>>, vector<1x16xf32>,
        %get3A_718 = vector.shape_cast %get3A_717 : vector<1x16xf32> to vector<16xf32>
        %add3A_719 = arith.addf %add3A_695, %get3A_718 : vector<16xf32>
        %get3A_720 = arith.index_cast %add3A_709 : i32 to index
        %get3A_721 = arith.constant 32 : index
        %get3A_722 = tpu.vector_load %arg9[%get3A_720, %get3A_721] {strides = array<i32>} : memref<200x64xf32, #tpu.memory_space<vmem>>, vector<1x16xf32>,
        %get3A_723 = vector.shape_cast %get3A_722 : vector<1x16xf32> to vector<16xf32>
        %add3A_724 = arith.addf %add3A_700, %get3A_723 : vector<16xf32>
        %get3A_725 = arith.index_cast %add3A_709 : i32 to index
        %get3A_726 = arith.constant 48 : index
        %get3A_727 = tpu.vector_load %arg9[%get3A_725, %get3A_726] {strides = array<i32>} : memref<200x64xf32, #tpu.memory_space<vmem>>, vector<1x16xf32>,
        %get3A_728 = vector.shape_cast %get3A_727 : vector<1x16xf32> to vector<16xf32>
        %add3A_729 = arith.addf %add3A_705, %get3A_728 : vector<16xf32>
        %mul3A_730 = arith.constant 8 : i32
        %mul3A_731 = arith.muli %scan3A_606, %mul3A_730 : i32
        %add3A_732 = arith.constant 5 : i32
        %add3A_733 = arith.addi %mul3A_731, %add3A_732 : i32
        %get3A_734 = arith.index_cast %add3A_733 : i32 to index
        %get3A_735 = arith.constant 0 : index
        %get3A_736 = tpu.vector_load %arg9[%get3A_734, %get3A_735] {strides = array<i32>} : memref<200x64xf32, #tpu.memory_space<vmem>>, vector<1x16xf32>,
        %get3A_737 = vector.shape_cast %get3A_736 : vector<1x16xf32> to vector<16xf32>
        %add3A_738 = arith.addf %add3A_714, %get3A_737 : vector<16xf32>
        %get3A_739 = arith.index_cast %add3A_733 : i32 to index
        %get3A_740 = arith.constant 16 : index
        %get3A_741 = tpu.vector_load %arg9[%get3A_739, %get3A_740] {strides = array<i32>} : memref<200x64xf32, #tpu.memory_space<vmem>>, vector<1x16xf32>,
        %get3A_742 = vector.shape_cast %get3A_741 : vector<1x16xf32> to vector<16xf32>
        %add3A_743 = arith.addf %add3A_719, %get3A_742 : vector<16xf32>
        %get3A_744 = arith.index_cast %add3A_733 : i32 to index
        %get3A_745 = arith.constant 32 : index
        %get3A_746 = tpu.vector_load %arg9[%get3A_744, %get3A_745] {strides = array<i32>} : memref<200x64xf32, #tpu.memory_space<vmem>>, vector<1x16xf32>,
        %get3A_747 = vector.shape_cast %get3A_746 : vector<1x16xf32> to vector<16xf32>
        %add3A_748 = arith.addf %add3A_724, %get3A_747 : vector<16xf32>
        %get3A_749 = arith.index_cast %add3A_733 : i32 to index
        %get3A_750 = arith.constant 48 : index
        %get3A_751 = tpu.vector_load %arg9[%get3A_749, %get3A_750] {strides = array<i32>} : memref<200x64xf32, #tpu.memory_space<vmem>>, vector<1x16xf32>,
        %get3A_752 = vector.shape_cast %get3A_751 : vector<1x16xf32> to vector<16xf32>
        %add3A_753 = arith.addf %add3A_729, %get3A_752 : vector<16xf32>
        %mul3A_754 = arith.constant 8 : i32
        %mul3A_755 = arith.muli %scan3A_606, %mul3A_754 : i32
        %add3A_756 = arith.constant 6 : i32
        %add3A_757 = arith.addi %mul3A_755, %add3A_756 : i32
        %get3A_758 = arith.index_cast %add3A_757 : i32 to index
        %get3A_759 = arith.constant 0 : index
        %get3A_760 = tpu.vector_load %arg9[%get3A_758, %get3A_759] {strides = array<i32>} : memref<200x64xf32, #tpu.memory_space<vmem>>, vector<1x16xf32>,
        %get3A_761 = vector.shape_cast %get3A_760 : vector<1x16xf32> to vector<16xf32>
        %add3A_762 = arith.addf %add3A_738, %get3A_761 : vector<16xf32>
        %get3A_763 = arith.index_cast %add3A_757 : i32 to index
        %get3A_764 = arith.constant 16 : index
        %get3A_765 = tpu.vector_load %arg9[%get3A_763, %get3A_764] {strides = array<i32>} : memref<200x64xf32, #tpu.memory_space<vmem>>, vector<1x16xf32>,
        %get3A_766 = vector.shape_cast %get3A_765 : vector<1x16xf32> to vector<16xf32>
        %add3A_767 = arith.addf %add3A_743, %get3A_766 : vector<16xf32>
        %get3A_768 = arith.index_cast %add3A_757 : i32 to index
        %get3A_769 = arith.constant 32 : index
        %get3A_770 = tpu.vector_load %arg9[%get3A_768, %get3A_769] {strides = array<i32>} : memref<200x64xf32, #tpu.memory_space<vmem>>, vector<1x16xf32>,
        %get3A_771 = vector.shape_cast %get3A_770 : vector<1x16xf32> to vector<16xf32>
        %add3A_772 = arith.addf %add3A_748, %get3A_771 : vector<16xf32>
        %get3A_773 = arith.index_cast %add3A_757 : i32 to index
        %get3A_774 = arith.constant 48 : index
        %get3A_775 = tpu.vector_load %arg9[%get3A_773, %get3A_774] {strides = array<i32>} : memref<200x64xf32, #tpu.memory_space<vmem>>, vector<1x16xf32>,
        %get3A_776 = vector.shape_cast %get3A_775 : vector<1x16xf32> to vector<16xf32>
        %add3A_777 = arith.addf %add3A_753, %get3A_776 : vector<16xf32>
        %mul3A_778 = arith.constant 8 : i32
        %mul3A_779 = arith.muli %scan3A_606, %mul3A_778 : i32
        %add3A_780 = arith.constant 7 : i32
        %add3A_781 = arith.addi %mul3A_779, %add3A_780 : i32
        %get3A_782 = arith.index_cast %add3A_781 : i32 to index
        %get3A_783 = arith.constant 0 : index
        %get3A_784 = tpu.vector_load %arg9[%get3A_782, %get3A_783] {strides = array<i32>} : memref<200x64xf32, #tpu.memory_space<vmem>>, vector<1x16xf32>,
        %get3A_785 = vector.shape_cast %get3A_784 : vector<1x16xf32> to vector<16xf32>
        %add3A_786 = arith.addf %add3A_762, %get3A_785 : vector<16xf32>
        %get3A_787 = arith.index_cast %add3A_781 : i32 to index
        %get3A_788 = arith.constant 16 : index
        %get3A_789 = tpu.vector_load %arg9[%get3A_787, %get3A_788] {strides = array<i32>} : memref<200x64xf32, #tpu.memory_space<vmem>>, vector<1x16xf32>,
        %get3A_790 = vector.shape_cast %get3A_789 : vector<1x16xf32> to vector<16xf32>
        %add3A_791 = arith.addf %add3A_767, %get3A_790 : vector<16xf32>
        %get3A_792 = arith.index_cast %add3A_781 : i32 to index
        %get3A_793 = arith.constant 32 : index
        %get3A_794 = tpu.vector_load %arg9[%get3A_792, %get3A_793] {strides = array<i32>} : memref<200x64xf32, #tpu.memory_space<vmem>>, vector<1x16xf32>,
        %get3A_795 = vector.shape_cast %get3A_794 : vector<1x16xf32> to vector<16xf32>
        %add3A_796 = arith.addf %add3A_772, %get3A_795 : vector<16xf32>
        %get3A_797 = arith.index_cast %add3A_781 : i32 to index
        %get3A_798 = arith.constant 48 : index
        %get3A_799 = tpu.vector_load %arg9[%get3A_797, %get3A_798] {strides = array<i32>} : memref<200x64xf32, #tpu.memory_space<vmem>>, vector<1x16xf32>,
        %get3A_800 = vector.shape_cast %get3A_799 : vector<1x16xf32> to vector<16xf32>
        %add3A_801 = arith.addf %add3A_777, %get3A_800 : vector<16xf32>
        scf.yield %add3A_786, %add3A_791, %add3A_796, %add3A_801 : vector<16xf32>, vector<16xf32>, vector<16xf32>, vector<16xf32>
      }
      %scan3A_563 = arith.constant 25 : i32
      %swap3A_564 = arith.index_cast %add3A_529 : i32 to index
      %swap3A_565 = arith.constant 0 : index
      %swap3A_566 = tpu.vector_load %arg10[%swap3A_564, %swap3A_565] {strides = array<i32>} : memref<128x64xf32, #tpu.memory_space<vmem>>, vector<1x16xf32>,
      %swap3A_567 = vector.shape_cast %swap3A_566 : vector<1x16xf32> to vector<16xf32>
      %swap3A_568 = vector.shape_cast %scan3A_562#0 : vector<16xf32> to vector<1x16xf32>
      tpu.vector_store %arg10[%swap3A_564, %swap3A_565], %swap3A_568 {strides = array<i32>} : memref<128x64xf32, #tpu.memory_space<vmem>>, vector<1x16xf32>,
      %swap3A_569 = arith.index_cast %add3A_529 : i32 to index
      %swap3A_570 = arith.constant 16 : index
      %swap3A_571 = tpu.vector_load %arg10[%swap3A_569, %swap3A_570] {strides = array<i32>} : memref<128x64xf32, #tpu.memory_space<vmem>>, vector<1x16xf32>,
      %swap3A_572 = vector.shape_cast %swap3A_571 : vector<1x16xf32> to vector<16xf32>
      %swap3A_573 = vector.shape_cast %scan3A_562#1 : vector<16xf32> to vector<1x16xf32>
      tpu.vector_store %arg10[%swap3A_569, %swap3A_570], %swap3A_573 {strides = array<i32>} : memref<128x64xf32, #tpu.memory_space<vmem>>, vector<1x16xf32>,
      %swap3A_574 = arith.index_cast %add3A_529 : i32 to index
      %swap3A_575 = arith.constant 32 : index
      %swap3A_576 = tpu.vector_load %arg10[%swap3A_574, %swap3A_575] {strides = array<i32>} : memref<128x64xf32, #tpu.memory_space<vmem>>, vector<1x16xf32>,
      %swap3A_577 = vector.shape_cast %swap3A_576 : vector<1x16xf32> to vector<16xf32>
      %swap3A_578 = vector.shape_cast %scan3A_562#2 : vector<16xf32> to vector<1x16xf32>
      tpu.vector_store %arg10[%swap3A_574, %swap3A_575], %swap3A_578 {strides = array<i32>} : memref<128x64xf32, #tpu.memory_space<vmem>>, vector<1x16xf32>,
      %swap3A_579 = arith.index_cast %add3A_529 : i32 to index
      %swap3A_580 = arith.constant 48 : index
      %swap3A_581 = tpu.vector_load %arg10[%swap3A_579, %swap3A_580] {strides = array<i32>} : memref<128x64xf32, #tpu.memory_space<vmem>>, vector<1x16xf32>,
      %swap3A_582 = vector.shape_cast %swap3A_581 : vector<1x16xf32> to vector<16xf32>
      %swap3A_583 = vector.shape_cast %scan3A_562#3 : vector<16xf32> to vector<1x16xf32>
      tpu.vector_store %arg10[%swap3A_579, %swap3A_580], %swap3A_583 {strides = array<i32>} : memref<128x64xf32, #tpu.memory_space<vmem>>, vector<1x16xf32>,
      %add3A_584 = arith.constant 4 : i32
      %add3A_585 = arith.addi %add3A_529, %add3A_584 : i32
      %mul3A_586 = arith.constant 256 : i32
      %mul3A_587 = arith.muli %add3A_585, %mul3A_586 : i32
      %dma_start3A_588 = arith.constant 0 : i32
      %dma_start3A_589 = arith.constant 0 : i32
      %dma_start3A_590 = tpu.memref_slice %arg9[%dma_start3A_588, %dma_start3A_589] : memref<200x64xf32, #tpu.memory_space<vmem>> -> memref<104x64xf32, #tpu.memory_space<vmem>>
      %dma_start3A_591 = tpu.memref_slice %arg5[%mul3A_587] : memref<32768xi32, #tpu.memory_space<vmem>> -> memref<104xi32, #tpu.memory_space<vmem>>
      %dma_start3A_592 = arith.constant 0 : i32
      %dma_start3A_593 = arith.constant 0 : i32
      %dma_start3A_594 = tpu.memref_slice %arg3[%dma_start3A_592, %dma_start3A_593] : memref<2000000x64xf32, #tpu.memory_space<hbm>> -> memref<2000000x64xf32, #tpu.memory_space<hbm>>
      tpu.enqueue_indirect_dma source(%dma_start3A_594 : memref<2000000x64xf32, #tpu.memory_space<hbm>>) target(%dma_start3A_590 : memref<104x64xf32, #tpu.memory_space<vmem>>) offsets(%dma_start3A_591 : memref<104xi32, #tpu.memory_space<vmem>>) semaphore(%arg14 : memref<!tpu.dma_semaphore, #tpu.memory_space<semaphore_mem>>)
      %mul3A_595 = arith.constant 256 : i32
      %mul3A_596 = arith.muli %add3A_585, %mul3A_595 : i32
      %add3A_597 = arith.constant 104 : i32
      %add3A_598 = arith.addi %mul3A_596, %add3A_597 : i32
      %dma_start3A_599 = arith.constant 104 : i32
      %dma_start3A_600 = arith.constant 0 : i32
      %dma_start3A_601 = tpu.memref_slice %arg9[%dma_start3A_599, %dma_start3A_600] : memref<200x64xf32, #tpu.memory_space<vmem>> -> memref<96x64xf32, #tpu.memory_space<vmem>>
      %dma_start3A_602 = tpu.memref_slice %arg5[%add3A_598] : memref<32768xi32, #tpu.memory_space<vmem>> -> memref<96xi32, #tpu.memory_space<vmem>>
      %dma_start3A_603 = arith.constant 0 : i32
      %dma_start3A_604 = arith.constant 0 : i32
      %dma_start3A_605 = tpu.memref_slice %arg3[%dma_start3A_603, %dma_start3A_604] : memref<2000000x64xf32, #tpu.memory_space<hbm>> -> memref<2000000x64xf32, #tpu.memory_space<hbm>>
      tpu.enqueue_indirect_dma source(%dma_start3A_605 : memref<2000000x64xf32, #tpu.memory_space<hbm>>) target(%dma_start3A_601 : memref<96x64xf32, #tpu.memory_space<vmem>>) offsets(%dma_start3A_602 : memref<96xi32, #tpu.memory_space<vmem>>) semaphore(%arg14 : memref<!tpu.dma_semaphore, #tpu.memory_space<semaphore_mem>>)
    }
    %scan3A_71 = arith.constant 31 : i32
    %dma_wait3A = arith.constant 0 : i32
    %dma_wait3A_72 = arith.constant 0 : i32
    %dma_wait3A_73 = tpu.memref_slice %arg6[%dma_wait3A, %dma_wait3A_72] : memref<200x64xf32, #tpu.memory_space<vmem>> -> memref<104x64xf32, #tpu.memory_space<vmem>>
    %dma_wait3A_74 = arith.constant 31744 : i32
    %dma_wait3A_75 = tpu.memref_slice %arg5[%dma_wait3A_74] : memref<32768xi32, #tpu.memory_space<vmem>> -> memref<104xi32, #tpu.memory_space<vmem>>
    %dma_wait3A_76 = arith.constant 0 : i32
    %dma_wait3A_77 = arith.constant 0 : i32
    %dma_wait3A_78 = tpu.memref_slice %arg3[%dma_wait3A_76, %dma_wait3A_77] : memref<2000000x64xf32, #tpu.memory_space<hbm>> -> memref<2000000x64xf32, #tpu.memory_space<hbm>>
    tpu.wait_indirect_dma semaphore(%arg11 : memref<!tpu.dma_semaphore, #tpu.memory_space<semaphore_mem>>) src(%dma_wait3A_78 : memref<2000000x64xf32, #tpu.memory_space<hbm>>) dst(%dma_wait3A_73 : memref<104x64xf32, #tpu.memory_space<vmem>>)
    %dma_wait3A_79 = arith.constant 104 : i32
    %dma_wait3A_80 = arith.constant 0 : i32
    %dma_wait3A_81 = tpu.memref_slice %arg6[%dma_wait3A_79, %dma_wait3A_80] : memref<200x64xf32, #tpu.memory_space<vmem>> -> memref<96x64xf32, #tpu.memory_space<vmem>>
    %dma_wait3A_82 = arith.constant 31848 : i32
    %dma_wait3A_83 = tpu.memref_slice %arg5[%dma_wait3A_82] : memref<32768xi32, #tpu.memory_space<vmem>> -> memref<96xi32, #tpu.memory_space<vmem>>
    %dma_wait3A_84 = arith.constant 0 : i32
    %dma_wait3A_85 = arith.constant 0 : i32
    %dma_wait3A_86 = tpu.memref_slice %arg3[%dma_wait3A_84, %dma_wait3A_85] : memref<2000000x64xf32, #tpu.memory_space<hbm>> -> memref<2000000x64xf32, #tpu.memory_space<hbm>>
    tpu.wait_indirect_dma semaphore(%arg11 : memref<!tpu.dma_semaphore, #tpu.memory_space<semaphore_mem>>) src(%dma_wait3A_86 : memref<2000000x64xf32, #tpu.memory_space<hbm>>) dst(%dma_wait3A_81 : memref<96x64xf32, #tpu.memory_space<vmem>>)
    %broadcast_in_dim3A = arith.constant 0.000000e+00 : f32
    %broadcast_in_dim3A_87 = vector.broadcast %broadcast_in_dim3A : f32 to vector<16xf32>
    %broadcast_in_dim3A_88 = arith.constant 0.000000e+00 : f32
    %broadcast_in_dim3A_89 = vector.broadcast %broadcast_in_dim3A_88 : f32 to vector<16xf32>
    %broadcast_in_dim3A_90 = arith.constant 0.000000e+00 : f32
    %broadcast_in_dim3A_91 = vector.broadcast %broadcast_in_dim3A_90 : f32 to vector<16xf32>
    %broadcast_in_dim3A_92 = arith.constant 0.000000e+00 : f32
    %broadcast_in_dim3A_93 = vector.broadcast %broadcast_in_dim3A_92 : f32 to vector<16xf32>
    %scan3A_94 = arith.constant 0 : i32
    %scan3A_95 = arith.constant 25 : i32
    %scan3A_96 = arith.addi %scan3A_94, %scan3A_95 : i32
    %scan3A_97 = arith.constant 1 : i32
    %scan3A_98:4 = scf.for %scan3A_285 = %scan3A_94 to %scan3A_96 step %scan3A_97 iter_args(%scan3A_286 = %broadcast_in_dim3A_87, %scan3A_287 = %broadcast_in_dim3A_89, %scan3A_288 = %broadcast_in_dim3A_91, %scan3A_289 = %broadcast_in_dim3A_93) -> (vector<16xf32>, vector<16xf32>, vector<16xf32>, vector<16xf32>)  : i32 {
      %mul3A_290 = arith.constant 8 : i32
      %mul3A_291 = arith.muli %scan3A_285, %mul3A_290 : i32
      %add3A_292 = arith.constant 0 : i32
      %add3A_293 = arith.addi %mul3A_291, %add3A_292 : i32
      %get3A = arith.index_cast %add3A_293 : i32 to index
      %get3A_294 = arith.constant 0 : index
      %get3A_295 = tpu.vector_load %arg6[%get3A, %get3A_294] {strides = array<i32>} : memref<200x64xf32, #tpu.memory_space<vmem>>, vector<1x16xf32>,
      %get3A_296 = vector.shape_cast %get3A_295 : vector<1x16xf32> to vector<16xf32>
      %add3A_297 = arith.addf %scan3A_286, %get3A_296 : vector<16xf32>
      %get3A_298 = arith.index_cast %add3A_293 : i32 to index
      %get3A_299 = arith.constant 16 : index
      %get3A_300 = tpu.vector_load %arg6[%get3A_298, %get3A_299] {strides = array<i32>} : memref<200x64xf32, #tpu.memory_space<vmem>>, vector<1x16xf32>,
      %get3A_301 = vector.shape_cast %get3A_300 : vector<1x16xf32> to vector<16xf32>
      %add3A_302 = arith.addf %scan3A_287, %get3A_301 : vector<16xf32>
      %get3A_303 = arith.index_cast %add3A_293 : i32 to index
      %get3A_304 = arith.constant 32 : index
      %get3A_305 = tpu.vector_load %arg6[%get3A_303, %get3A_304] {strides = array<i32>} : memref<200x64xf32, #tpu.memory_space<vmem>>, vector<1x16xf32>,
      %get3A_306 = vector.shape_cast %get3A_305 : vector<1x16xf32> to vector<16xf32>
      %add3A_307 = arith.addf %scan3A_288, %get3A_306 : vector<16xf32>
      %get3A_308 = arith.index_cast %add3A_293 : i32 to index
      %get3A_309 = arith.constant 48 : index
      %get3A_310 = tpu.vector_load %arg6[%get3A_308, %get3A_309] {strides = array<i32>} : memref<200x64xf32, #tpu.memory_space<vmem>>, vector<1x16xf32>,
      %get3A_311 = vector.shape_cast %get3A_310 : vector<1x16xf32> to vector<16xf32>
      %add3A_312 = arith.addf %scan3A_289, %get3A_311 : vector<16xf32>
      %mul3A_313 = arith.constant 8 : i32
      %mul3A_314 = arith.muli %scan3A_285, %mul3A_313 : i32
      %add3A_315 = arith.constant 1 : i32
      %add3A_316 = arith.addi %mul3A_314, %add3A_315 : i32
      %get3A_317 = arith.index_cast %add3A_316 : i32 to index
      %get3A_318 = arith.constant 0 : index
      %get3A_319 = tpu.vector_load %arg6[%get3A_317, %get3A_318] {strides = array<i32>} : memref<200x64xf32, #tpu.memory_space<vmem>>, vector<1x16xf32>,
      %get3A_320 = vector.shape_cast %get3A_319 : vector<1x16xf32> to vector<16xf32>
      %add3A_321 = arith.addf %add3A_297, %get3A_320 : vector<16xf32>
      %get3A_322 = arith.index_cast %add3A_316 : i32 to index
      %get3A_323 = arith.constant 16 : index
      %get3A_324 = tpu.vector_load %arg6[%get3A_322, %get3A_323] {strides = array<i32>} : memref<200x64xf32, #tpu.memory_space<vmem>>, vector<1x16xf32>,
      %get3A_325 = vector.shape_cast %get3A_324 : vector<1x16xf32> to vector<16xf32>
      %add3A_326 = arith.addf %add3A_302, %get3A_325 : vector<16xf32>
      %get3A_327 = arith.index_cast %add3A_316 : i32 to index
      %get3A_328 = arith.constant 32 : index
      %get3A_329 = tpu.vector_load %arg6[%get3A_327, %get3A_328] {strides = array<i32>} : memref<200x64xf32, #tpu.memory_space<vmem>>, vector<1x16xf32>,
      %get3A_330 = vector.shape_cast %get3A_329 : vector<1x16xf32> to vector<16xf32>
      %add3A_331 = arith.addf %add3A_307, %get3A_330 : vector<16xf32>
      %get3A_332 = arith.index_cast %add3A_316 : i32 to index
      %get3A_333 = arith.constant 48 : index
      %get3A_334 = tpu.vector_load %arg6[%get3A_332, %get3A_333] {strides = array<i32>} : memref<200x64xf32, #tpu.memory_space<vmem>>, vector<1x16xf32>,
      %get3A_335 = vector.shape_cast %get3A_334 : vector<1x16xf32> to vector<16xf32>
      %add3A_336 = arith.addf %add3A_312, %get3A_335 : vector<16xf32>
      %mul3A_337 = arith.constant 8 : i32
      %mul3A_338 = arith.muli %scan3A_285, %mul3A_337 : i32
      %add3A_339 = arith.constant 2 : i32
      %add3A_340 = arith.addi %mul3A_338, %add3A_339 : i32
      %get3A_341 = arith.index_cast %add3A_340 : i32 to index
      %get3A_342 = arith.constant 0 : index
      %get3A_343 = tpu.vector_load %arg6[%get3A_341, %get3A_342] {strides = array<i32>} : memref<200x64xf32, #tpu.memory_space<vmem>>, vector<1x16xf32>,
      %get3A_344 = vector.shape_cast %get3A_343 : vector<1x16xf32> to vector<16xf32>
      %add3A_345 = arith.addf %add3A_321, %get3A_344 : vector<16xf32>
      %get3A_346 = arith.index_cast %add3A_340 : i32 to index
      %get3A_347 = arith.constant 16 : index
      %get3A_348 = tpu.vector_load %arg6[%get3A_346, %get3A_347] {strides = array<i32>} : memref<200x64xf32, #tpu.memory_space<vmem>>, vector<1x16xf32>,
      %get3A_349 = vector.shape_cast %get3A_348 : vector<1x16xf32> to vector<16xf32>
      %add3A_350 = arith.addf %add3A_326, %get3A_349 : vector<16xf32>
      %get3A_351 = arith.index_cast %add3A_340 : i32 to index
      %get3A_352 = arith.constant 32 : index
      %get3A_353 = tpu.vector_load %arg6[%get3A_351, %get3A_352] {strides = array<i32>} : memref<200x64xf32, #tpu.memory_space<vmem>>, vector<1x16xf32>,
      %get3A_354 = vector.shape_cast %get3A_353 : vector<1x16xf32> to vector<16xf32>
      %add3A_355 = arith.addf %add3A_331, %get3A_354 : vector<16xf32>
      %get3A_356 = arith.index_cast %add3A_340 : i32 to index
      %get3A_357 = arith.constant 48 : index
      %get3A_358 = tpu.vector_load %arg6[%get3A_356, %get3A_357] {strides = array<i32>} : memref<200x64xf32, #tpu.memory_space<vmem>>, vector<1x16xf32>,
      %get3A_359 = vector.shape_cast %get3A_358 : vector<1x16xf32> to vector<16xf32>
      %add3A_360 = arith.addf %add3A_336, %get3A_359 : vector<16xf32>
      %mul3A_361 = arith.constant 8 : i32
      %mul3A_362 = arith.muli %scan3A_285, %mul3A_361 : i32
      %add3A_363 = arith.constant 3 : i32
      %add3A_364 = arith.addi %mul3A_362, %add3A_363 : i32
      %get3A_365 = arith.index_cast %add3A_364 : i32 to index
      %get3A_366 = arith.constant 0 : index
      %get3A_367 = tpu.vector_load %arg6[%get3A_365, %get3A_366] {strides = array<i32>} : memref<200x64xf32, #tpu.memory_space<vmem>>, vector<1x16xf32>,
      %get3A_368 = vector.shape_cast %get3A_367 : vector<1x16xf32> to vector<16xf32>
      %add3A_369 = arith.addf %add3A_345, %get3A_368 : vector<16xf32>
      %get3A_370 = arith.index_cast %add3A_364 : i32 to index
      %get3A_371 = arith.constant 16 : index
      %get3A_372 = tpu.vector_load %arg6[%get3A_370, %get3A_371] {strides = array<i32>} : memref<200x64xf32, #tpu.memory_space<vmem>>, vector<1x16xf32>,
      %get3A_373 = vector.shape_cast %get3A_372 : vector<1x16xf32> to vector<16xf32>
      %add3A_374 = arith.addf %add3A_350, %get3A_373 : vector<16xf32>
      %get3A_375 = arith.index_cast %add3A_364 : i32 to index
      %get3A_376 = arith.constant 32 : index
      %get3A_377 = tpu.vector_load %arg6[%get3A_375, %get3A_376] {strides = array<i32>} : memref<200x64xf32, #tpu.memory_space<vmem>>, vector<1x16xf32>,
      %get3A_378 = vector.shape_cast %get3A_377 : vector<1x16xf32> to vector<16xf32>
      %add3A_379 = arith.addf %add3A_355, %get3A_378 : vector<16xf32>
      %get3A_380 = arith.index_cast %add3A_364 : i32 to index
      %get3A_381 = arith.constant 48 : index
      %get3A_382 = tpu.vector_load %arg6[%get3A_380, %get3A_381] {strides = array<i32>} : memref<200x64xf32, #tpu.memory_space<vmem>>, vector<1x16xf32>,
      %get3A_383 = vector.shape_cast %get3A_382 : vector<1x16xf32> to vector<16xf32>
      %add3A_384 = arith.addf %add3A_360, %get3A_383 : vector<16xf32>
      %mul3A_385 = arith.constant 8 : i32
      %mul3A_386 = arith.muli %scan3A_285, %mul3A_385 : i32
      %add3A_387 = arith.constant 4 : i32
      %add3A_388 = arith.addi %mul3A_386, %add3A_387 : i32
      %get3A_389 = arith.index_cast %add3A_388 : i32 to index
      %get3A_390 = arith.constant 0 : index
      %get3A_391 = tpu.vector_load %arg6[%get3A_389, %get3A_390] {strides = array<i32>} : memref<200x64xf32, #tpu.memory_space<vmem>>, vector<1x16xf32>,
      %get3A_392 = vector.shape_cast %get3A_391 : vector<1x16xf32> to vector<16xf32>
      %add3A_393 = arith.addf %add3A_369, %get3A_392 : vector<16xf32>
      %get3A_394 = arith.index_cast %add3A_388 : i32 to index
      %get3A_395 = arith.constant 16 : index
      %get3A_396 = tpu.vector_load %arg6[%get3A_394, %get3A_395] {strides = array<i32>} : memref<200x64xf32, #tpu.memory_space<vmem>>, vector<1x16xf32>,
      %get3A_397 = vector.shape_cast %get3A_396 : vector<1x16xf32> to vector<16xf32>
      %add3A_398 = arith.addf %add3A_374, %get3A_397 : vector<16xf32>
      %get3A_399 = arith.index_cast %add3A_388 : i32 to index
      %get3A_400 = arith.constant 32 : index
      %get3A_401 = tpu.vector_load %arg6[%get3A_399, %get3A_400] {strides = array<i32>} : memref<200x64xf32, #tpu.memory_space<vmem>>, vector<1x16xf32>,
      %get3A_402 = vector.shape_cast %get3A_401 : vector<1x16xf32> to vector<16xf32>
      %add3A_403 = arith.addf %add3A_379, %get3A_402 : vector<16xf32>
      %get3A_404 = arith.index_cast %add3A_388 : i32 to index
      %get3A_405 = arith.constant 48 : index
      %get3A_406 = tpu.vector_load %arg6[%get3A_404, %get3A_405] {strides = array<i32>} : memref<200x64xf32, #tpu.memory_space<vmem>>, vector<1x16xf32>,
      %get3A_407 = vector.shape_cast %get3A_406 : vector<1x16xf32> to vector<16xf32>
      %add3A_408 = arith.addf %add3A_384, %get3A_407 : vector<16xf32>
      %mul3A_409 = arith.constant 8 : i32
      %mul3A_410 = arith.muli %scan3A_285, %mul3A_409 : i32
      %add3A_411 = arith.constant 5 : i32
      %add3A_412 = arith.addi %mul3A_410, %add3A_411 : i32
      %get3A_413 = arith.index_cast %add3A_412 : i32 to index
      %get3A_414 = arith.constant 0 : index
      %get3A_415 = tpu.vector_load %arg6[%get3A_413, %get3A_414] {strides = array<i32>} : memref<200x64xf32, #tpu.memory_space<vmem>>, vector<1x16xf32>,
      %get3A_416 = vector.shape_cast %get3A_415 : vector<1x16xf32> to vector<16xf32>
      %add3A_417 = arith.addf %add3A_393, %get3A_416 : vector<16xf32>
      %get3A_418 = arith.index_cast %add3A_412 : i32 to index
      %get3A_419 = arith.constant 16 : index
      %get3A_420 = tpu.vector_load %arg6[%get3A_418, %get3A_419] {strides = array<i32>} : memref<200x64xf32, #tpu.memory_space<vmem>>, vector<1x16xf32>,
      %get3A_421 = vector.shape_cast %get3A_420 : vector<1x16xf32> to vector<16xf32>
      %add3A_422 = arith.addf %add3A_398, %get3A_421 : vector<16xf32>
      %get3A_423 = arith.index_cast %add3A_412 : i32 to index
      %get3A_424 = arith.constant 32 : index
      %get3A_425 = tpu.vector_load %arg6[%get3A_423, %get3A_424] {strides = array<i32>} : memref<200x64xf32, #tpu.memory_space<vmem>>, vector<1x16xf32>,
      %get3A_426 = vector.shape_cast %get3A_425 : vector<1x16xf32> to vector<16xf32>
      %add3A_427 = arith.addf %add3A_403, %get3A_426 : vector<16xf32>
      %get3A_428 = arith.index_cast %add3A_412 : i32 to index
      %get3A_429 = arith.constant 48 : index
      %get3A_430 = tpu.vector_load %arg6[%get3A_428, %get3A_429] {strides = array<i32>} : memref<200x64xf32, #tpu.memory_space<vmem>>, vector<1x16xf32>,
      %get3A_431 = vector.shape_cast %get3A_430 : vector<1x16xf32> to vector<16xf32>
      %add3A_432 = arith.addf %add3A_408, %get3A_431 : vector<16xf32>
      %mul3A_433 = arith.constant 8 : i32
      %mul3A_434 = arith.muli %scan3A_285, %mul3A_433 : i32
      %add3A_435 = arith.constant 6 : i32
      %add3A_436 = arith.addi %mul3A_434, %add3A_435 : i32
      %get3A_437 = arith.index_cast %add3A_436 : i32 to index
      %get3A_438 = arith.constant 0 : index
      %get3A_439 = tpu.vector_load %arg6[%get3A_437, %get3A_438] {strides = array<i32>} : memref<200x64xf32, #tpu.memory_space<vmem>>, vector<1x16xf32>,
      %get3A_440 = vector.shape_cast %get3A_439 : vector<1x16xf32> to vector<16xf32>
      %add3A_441 = arith.addf %add3A_417, %get3A_440 : vector<16xf32>
      %get3A_442 = arith.index_cast %add3A_436 : i32 to index
      %get3A_443 = arith.constant 16 : index
      %get3A_444 = tpu.vector_load %arg6[%get3A_442, %get3A_443] {strides = array<i32>} : memref<200x64xf32, #tpu.memory_space<vmem>>, vector<1x16xf32>,
      %get3A_445 = vector.shape_cast %get3A_444 : vector<1x16xf32> to vector<16xf32>
      %add3A_446 = arith.addf %add3A_422, %get3A_445 : vector<16xf32>
      %get3A_447 = arith.index_cast %add3A_436 : i32 to index
      %get3A_448 = arith.constant 32 : index
      %get3A_449 = tpu.vector_load %arg6[%get3A_447, %get3A_448] {strides = array<i32>} : memref<200x64xf32, #tpu.memory_space<vmem>>, vector<1x16xf32>,
      %get3A_450 = vector.shape_cast %get3A_449 : vector<1x16xf32> to vector<16xf32>
      %add3A_451 = arith.addf %add3A_427, %get3A_450 : vector<16xf32>
      %get3A_452 = arith.index_cast %add3A_436 : i32 to index
      %get3A_453 = arith.constant 48 : index
      %get3A_454 = tpu.vector_load %arg6[%get3A_452, %get3A_453] {strides = array<i32>} : memref<200x64xf32, #tpu.memory_space<vmem>>, vector<1x16xf32>,
      %get3A_455 = vector.shape_cast %get3A_454 : vector<1x16xf32> to vector<16xf32>
      %add3A_456 = arith.addf %add3A_432, %get3A_455 : vector<16xf32>
      %mul3A_457 = arith.constant 8 : i32
      %mul3A_458 = arith.muli %scan3A_285, %mul3A_457 : i32
      %add3A_459 = arith.constant 7 : i32
      %add3A_460 = arith.addi %mul3A_458, %add3A_459 : i32
      %get3A_461 = arith.index_cast %add3A_460 : i32 to index
      %get3A_462 = arith.constant 0 : index
      %get3A_463 = tpu.vector_load %arg6[%get3A_461, %get3A_462] {strides = array<i32>} : memref<200x64xf32, #tpu.memory_space<vmem>>, vector<1x16xf32>,
      %get3A_464 = vector.shape_cast %get3A_463 : vector<1x16xf32> to vector<16xf32>
      %add3A_465 = arith.addf %add3A_441, %get3A_464 : vector<16xf32>
      %get3A_466 = arith.index_cast %add3A_460 : i32 to index
      %get3A_467 = arith.constant 16 : index
      %get3A_468 = tpu.vector_load %arg6[%get3A_466, %get3A_467] {strides = array<i32>} : memref<200x64xf32, #tpu.memory_space<vmem>>, vector<1x16xf32>,
      %get3A_469 = vector.shape_cast %get3A_468 : vector<1x16xf32> to vector<16xf32>
      %add3A_470 = arith.addf %add3A_446, %get3A_469 : vector<16xf32>
      %get3A_471 = arith.index_cast %add3A_460 : i32 to index
      %get3A_472 = arith.constant 32 : index
      %get3A_473 = tpu.vector_load %arg6[%get3A_471, %get3A_472] {strides = array<i32>} : memref<200x64xf32, #tpu.memory_space<vmem>>, vector<1x16xf32>,
      %get3A_474 = vector.shape_cast %get3A_473 : vector<1x16xf32> to vector<16xf32>
      %add3A_475 = arith.addf %add3A_451, %get3A_474 : vector<16xf32>
      %get3A_476 = arith.index_cast %add3A_460 : i32 to index
      %get3A_477 = arith.constant 48 : index
      %get3A_478 = tpu.vector_load %arg6[%get3A_476, %get3A_477] {strides = array<i32>} : memref<200x64xf32, #tpu.memory_space<vmem>>, vector<1x16xf32>,
      %get3A_479 = vector.shape_cast %get3A_478 : vector<1x16xf32> to vector<16xf32>
      %add3A_480 = arith.addf %add3A_456, %get3A_479 : vector<16xf32>
      scf.yield %add3A_465, %add3A_470, %add3A_475, %add3A_480 : vector<16xf32>, vector<16xf32>, vector<16xf32>, vector<16xf32>
    }
    %scan3A_99 = arith.constant 25 : i32
    %swap3A = arith.constant 124 : i32
    %swap3A_100 = arith.index_cast %swap3A : i32 to index
    %swap3A_101 = arith.constant 0 : index
    %swap3A_102 = tpu.vector_load %arg10[%swap3A_100, %swap3A_101] {strides = array<i32>} : memref<128x64xf32, #tpu.memory_space<vmem>>, vector<1x16xf32>,
    %swap3A_103 = vector.shape_cast %swap3A_102 : vector<1x16xf32> to vector<16xf32>
    %swap3A_104 = vector.shape_cast %scan3A_98#0 : vector<16xf32> to vector<1x16xf32>
    tpu.vector_store %arg10[%swap3A_100, %swap3A_101], %swap3A_104 {strides = array<i32>} : memref<128x64xf32, #tpu.memory_space<vmem>>, vector<1x16xf32>,
    %swap3A_105 = arith.constant 124 : i32
    %swap3A_106 = arith.index_cast %swap3A_105 : i32 to index
    %swap3A_107 = arith.constant 16 : index
    %swap3A_108 = tpu.vector_load %arg10[%swap3A_106, %swap3A_107] {strides = array<i32>} : memref<128x64xf32, #tpu.memory_space<vmem>>, vector<1x16xf32>,
    %swap3A_109 = vector.shape_cast %swap3A_108 : vector<1x16xf32> to vector<16xf32>
    %swap3A_110 = vector.shape_cast %scan3A_98#1 : vector<16xf32> to vector<1x16xf32>
    tpu.vector_store %arg10[%swap3A_106, %swap3A_107], %swap3A_110 {strides = array<i32>} : memref<128x64xf32, #tpu.memory_space<vmem>>, vector<1x16xf32>,
    %swap3A_111 = arith.constant 124 : i32
    %swap3A_112 = arith.index_cast %swap3A_111 : i32 to index
    %swap3A_113 = arith.constant 32 : index
    %swap3A_114 = tpu.vector_load %arg10[%swap3A_112, %swap3A_113] {strides = array<i32>} : memref<128x64xf32, #tpu.memory_space<vmem>>, vector<1x16xf32>,
    %swap3A_115 = vector.shape_cast %swap3A_114 : vector<1x16xf32> to vector<16xf32>
    %swap3A_116 = vector.shape_cast %scan3A_98#2 : vector<16xf32> to vector<1x16xf32>
    tpu.vector_store %arg10[%swap3A_112, %swap3A_113], %swap3A_116 {strides = array<i32>} : memref<128x64xf32, #tpu.memory_space<vmem>>, vector<1x16xf32>,
    %swap3A_117 = arith.constant 124 : i32
    %swap3A_118 = arith.index_cast %swap3A_117 : i32 to index
    %swap3A_119 = arith.constant 48 : index
    %swap3A_120 = tpu.vector_load %arg10[%swap3A_118, %swap3A_119] {strides = array<i32>} : memref<128x64xf32, #tpu.memory_space<vmem>>, vector<1x16xf32>,
    %swap3A_121 = vector.shape_cast %swap3A_120 : vector<1x16xf32> to vector<16xf32>
    %swap3A_122 = vector.shape_cast %scan3A_98#3 : vector<16xf32> to vector<1x16xf32>
    tpu.vector_store %arg10[%swap3A_118, %swap3A_119], %swap3A_122 {strides = array<i32>} : memref<128x64xf32, #tpu.memory_space<vmem>>, vector<1x16xf32>,
    %dma_wait3A_123 = arith.constant 0 : i32
    %dma_wait3A_124 = arith.constant 0 : i32
    %dma_wait3A_125 = tpu.memref_slice %arg7[%dma_wait3A_123, %dma_wait3A_124] : memref<200x64xf32, #tpu.memory_space<vmem>> -> memref<104x64xf32, #tpu.memory_space<vmem>>
    %dma_wait3A_126 = arith.constant 32000 : i32
    %dma_wait3A_127 = tpu.memref_slice %arg5[%dma_wait3A_126] : memref<32768xi32, #tpu.memory_space<vmem>> -> memref<104xi32, #tpu.memory_space<vmem>>
    %dma_wait3A_128 = arith.constant 0 : i32
    %dma_wait3A_129 = arith.constant 0 : i32
    %dma_wait3A_130 = tpu.memref_slice %arg3[%dma_wait3A_128, %dma_wait3A_129] : memref<2000000x64xf32, #tpu.memory_space<hbm>> -> memref<2000000x64xf32, #tpu.memory_space<hbm>>
    tpu.wait_indirect_dma semaphore(%arg12 : memref<!tpu.dma_semaphore, #tpu.memory_space<semaphore_mem>>) src(%dma_wait3A_130 : memref<2000000x64xf32, #tpu.memory_space<hbm>>) dst(%dma_wait3A_125 : memref<104x64xf32, #tpu.memory_space<vmem>>)
    %dma_wait3A_131 = arith.constant 104 : i32
    %dma_wait3A_132 = arith.constant 0 : i32
    %dma_wait3A_133 = tpu.memref_slice %arg7[%dma_wait3A_131, %dma_wait3A_132] : memref<200x64xf32, #tpu.memory_space<vmem>> -> memref<96x64xf32, #tpu.memory_space<vmem>>
    %dma_wait3A_134 = arith.constant 32104 : i32
    %dma_wait3A_135 = tpu.memref_slice %arg5[%dma_wait3A_134] : memref<32768xi32, #tpu.memory_space<vmem>> -> memref<96xi32, #tpu.memory_space<vmem>>
    %dma_wait3A_136 = arith.constant 0 : i32
    %dma_wait3A_137 = arith.constant 0 : i32
    %dma_wait3A_138 = tpu.memref_slice %arg3[%dma_wait3A_136, %dma_wait3A_137] : memref<2000000x64xf32, #tpu.memory_space<hbm>> -> memref<2000000x64xf32, #tpu.memory_space<hbm>>
    tpu.wait_indirect_dma semaphore(%arg12 : memref<!tpu.dma_semaphore, #tpu.memory_space<semaphore_mem>>) src(%dma_wait3A_138 : memref<2000000x64xf32, #tpu.memory_space<hbm>>) dst(%dma_wait3A_133 : memref<96x64xf32, #tpu.memory_space<vmem>>)
    %broadcast_in_dim3A_139 = arith.constant 0.000000e+00 : f32
    %broadcast_in_dim3A_140 = vector.broadcast %broadcast_in_dim3A_139 : f32 to vector<16xf32>
    %broadcast_in_dim3A_141 = arith.constant 0.000000e+00 : f32
    %broadcast_in_dim3A_142 = vector.broadcast %broadcast_in_dim3A_141 : f32 to vector<16xf32>
    %broadcast_in_dim3A_143 = arith.constant 0.000000e+00 : f32
    %broadcast_in_dim3A_144 = vector.broadcast %broadcast_in_dim3A_143 : f32 to vector<16xf32>
    %broadcast_in_dim3A_145 = arith.constant 0.000000e+00 : f32
    %broadcast_in_dim3A_146 = vector.broadcast %broadcast_in_dim3A_145 : f32 to vector<16xf32>
    %scan3A_147 = arith.constant 0 : i32
    %scan3A_148 = arith.constant 25 : i32
    %scan3A_149 = arith.addi %scan3A_147, %scan3A_148 : i32
    %scan3A_150 = arith.constant 1 : i32
    %scan3A_151:4 = scf.for %scan3A_285 = %scan3A_147 to %scan3A_149 step %scan3A_150 iter_args(%scan3A_286 = %broadcast_in_dim3A_140, %scan3A_287 = %broadcast_in_dim3A_142, %scan3A_288 = %broadcast_in_dim3A_144, %scan3A_289 = %broadcast_in_dim3A_146) -> (vector<16xf32>, vector<16xf32>, vector<16xf32>, vector<16xf32>)  : i32 {
      %mul3A_290 = arith.constant 8 : i32
      %mul3A_291 = arith.muli %scan3A_285, %mul3A_290 : i32
      %add3A_292 = arith.constant 0 : i32
      %add3A_293 = arith.addi %mul3A_291, %add3A_292 : i32
      %get3A = arith.index_cast %add3A_293 : i32 to index
      %get3A_294 = arith.constant 0 : index
      %get3A_295 = tpu.vector_load %arg7[%get3A, %get3A_294] {strides = array<i32>} : memref<200x64xf32, #tpu.memory_space<vmem>>, vector<1x16xf32>,
      %get3A_296 = vector.shape_cast %get3A_295 : vector<1x16xf32> to vector<16xf32>
      %add3A_297 = arith.addf %scan3A_286, %get3A_296 : vector<16xf32>
      %get3A_298 = arith.index_cast %add3A_293 : i32 to index
      %get3A_299 = arith.constant 16 : index
      %get3A_300 = tpu.vector_load %arg7[%get3A_298, %get3A_299] {strides = array<i32>} : memref<200x64xf32, #tpu.memory_space<vmem>>, vector<1x16xf32>,
      %get3A_301 = vector.shape_cast %get3A_300 : vector<1x16xf32> to vector<16xf32>
      %add3A_302 = arith.addf %scan3A_287, %get3A_301 : vector<16xf32>
      %get3A_303 = arith.index_cast %add3A_293 : i32 to index
      %get3A_304 = arith.constant 32 : index
      %get3A_305 = tpu.vector_load %arg7[%get3A_303, %get3A_304] {strides = array<i32>} : memref<200x64xf32, #tpu.memory_space<vmem>>, vector<1x16xf32>,
      %get3A_306 = vector.shape_cast %get3A_305 : vector<1x16xf32> to vector<16xf32>
      %add3A_307 = arith.addf %scan3A_288, %get3A_306 : vector<16xf32>
      %get3A_308 = arith.index_cast %add3A_293 : i32 to index
      %get3A_309 = arith.constant 48 : index
      %get3A_310 = tpu.vector_load %arg7[%get3A_308, %get3A_309] {strides = array<i32>} : memref<200x64xf32, #tpu.memory_space<vmem>>, vector<1x16xf32>,
      %get3A_311 = vector.shape_cast %get3A_310 : vector<1x16xf32> to vector<16xf32>
      %add3A_312 = arith.addf %scan3A_289, %get3A_311 : vector<16xf32>
      %mul3A_313 = arith.constant 8 : i32
      %mul3A_314 = arith.muli %scan3A_285, %mul3A_313 : i32
      %add3A_315 = arith.constant 1 : i32
      %add3A_316 = arith.addi %mul3A_314, %add3A_315 : i32
      %get3A_317 = arith.index_cast %add3A_316 : i32 to index
      %get3A_318 = arith.constant 0 : index
      %get3A_319 = tpu.vector_load %arg7[%get3A_317, %get3A_318] {strides = array<i32>} : memref<200x64xf32, #tpu.memory_space<vmem>>, vector<1x16xf32>,
      %get3A_320 = vector.shape_cast %get3A_319 : vector<1x16xf32> to vector<16xf32>
      %add3A_321 = arith.addf %add3A_297, %get3A_320 : vector<16xf32>
      %get3A_322 = arith.index_cast %add3A_316 : i32 to index
      %get3A_323 = arith.constant 16 : index
      %get3A_324 = tpu.vector_load %arg7[%get3A_322, %get3A_323] {strides = array<i32>} : memref<200x64xf32, #tpu.memory_space<vmem>>, vector<1x16xf32>,
      %get3A_325 = vector.shape_cast %get3A_324 : vector<1x16xf32> to vector<16xf32>
      %add3A_326 = arith.addf %add3A_302, %get3A_325 : vector<16xf32>
      %get3A_327 = arith.index_cast %add3A_316 : i32 to index
      %get3A_328 = arith.constant 32 : index
      %get3A_329 = tpu.vector_load %arg7[%get3A_327, %get3A_328] {strides = array<i32>} : memref<200x64xf32, #tpu.memory_space<vmem>>, vector<1x16xf32>,
      %get3A_330 = vector.shape_cast %get3A_329 : vector<1x16xf32> to vector<16xf32>
      %add3A_331 = arith.addf %add3A_307, %get3A_330 : vector<16xf32>
      %get3A_332 = arith.index_cast %add3A_316 : i32 to index
      %get3A_333 = arith.constant 48 : index
      %get3A_334 = tpu.vector_load %arg7[%get3A_332, %get3A_333] {strides = array<i32>} : memref<200x64xf32, #tpu.memory_space<vmem>>, vector<1x16xf32>,
      %get3A_335 = vector.shape_cast %get3A_334 : vector<1x16xf32> to vector<16xf32>
      %add3A_336 = arith.addf %add3A_312, %get3A_335 : vector<16xf32>
      %mul3A_337 = arith.constant 8 : i32
      %mul3A_338 = arith.muli %scan3A_285, %mul3A_337 : i32
      %add3A_339 = arith.constant 2 : i32
      %add3A_340 = arith.addi %mul3A_338, %add3A_339 : i32
      %get3A_341 = arith.index_cast %add3A_340 : i32 to index
      %get3A_342 = arith.constant 0 : index
      %get3A_343 = tpu.vector_load %arg7[%get3A_341, %get3A_342] {strides = array<i32>} : memref<200x64xf32, #tpu.memory_space<vmem>>, vector<1x16xf32>,
      %get3A_344 = vector.shape_cast %get3A_343 : vector<1x16xf32> to vector<16xf32>
      %add3A_345 = arith.addf %add3A_321, %get3A_344 : vector<16xf32>
      %get3A_346 = arith.index_cast %add3A_340 : i32 to index
      %get3A_347 = arith.constant 16 : index
      %get3A_348 = tpu.vector_load %arg7[%get3A_346, %get3A_347] {strides = array<i32>} : memref<200x64xf32, #tpu.memory_space<vmem>>, vector<1x16xf32>,
      %get3A_349 = vector.shape_cast %get3A_348 : vector<1x16xf32> to vector<16xf32>
      %add3A_350 = arith.addf %add3A_326, %get3A_349 : vector<16xf32>
      %get3A_351 = arith.index_cast %add3A_340 : i32 to index
      %get3A_352 = arith.constant 32 : index
      %get3A_353 = tpu.vector_load %arg7[%get3A_351, %get3A_352] {strides = array<i32>} : memref<200x64xf32, #tpu.memory_space<vmem>>, vector<1x16xf32>,
      %get3A_354 = vector.shape_cast %get3A_353 : vector<1x16xf32> to vector<16xf32>
      %add3A_355 = arith.addf %add3A_331, %get3A_354 : vector<16xf32>
      %get3A_356 = arith.index_cast %add3A_340 : i32 to index
      %get3A_357 = arith.constant 48 : index
      %get3A_358 = tpu.vector_load %arg7[%get3A_356, %get3A_357] {strides = array<i32>} : memref<200x64xf32, #tpu.memory_space<vmem>>, vector<1x16xf32>,
      %get3A_359 = vector.shape_cast %get3A_358 : vector<1x16xf32> to vector<16xf32>
      %add3A_360 = arith.addf %add3A_336, %get3A_359 : vector<16xf32>
      %mul3A_361 = arith.constant 8 : i32
      %mul3A_362 = arith.muli %scan3A_285, %mul3A_361 : i32
      %add3A_363 = arith.constant 3 : i32
      %add3A_364 = arith.addi %mul3A_362, %add3A_363 : i32
      %get3A_365 = arith.index_cast %add3A_364 : i32 to index
      %get3A_366 = arith.constant 0 : index
      %get3A_367 = tpu.vector_load %arg7[%get3A_365, %get3A_366] {strides = array<i32>} : memref<200x64xf32, #tpu.memory_space<vmem>>, vector<1x16xf32>,
      %get3A_368 = vector.shape_cast %get3A_367 : vector<1x16xf32> to vector<16xf32>
      %add3A_369 = arith.addf %add3A_345, %get3A_368 : vector<16xf32>
      %get3A_370 = arith.index_cast %add3A_364 : i32 to index
      %get3A_371 = arith.constant 16 : index
      %get3A_372 = tpu.vector_load %arg7[%get3A_370, %get3A_371] {strides = array<i32>} : memref<200x64xf32, #tpu.memory_space<vmem>>, vector<1x16xf32>,
      %get3A_373 = vector.shape_cast %get3A_372 : vector<1x16xf32> to vector<16xf32>
      %add3A_374 = arith.addf %add3A_350, %get3A_373 : vector<16xf32>
      %get3A_375 = arith.index_cast %add3A_364 : i32 to index
      %get3A_376 = arith.constant 32 : index
      %get3A_377 = tpu.vector_load %arg7[%get3A_375, %get3A_376] {strides = array<i32>} : memref<200x64xf32, #tpu.memory_space<vmem>>, vector<1x16xf32>,
      %get3A_378 = vector.shape_cast %get3A_377 : vector<1x16xf32> to vector<16xf32>
      %add3A_379 = arith.addf %add3A_355, %get3A_378 : vector<16xf32>
      %get3A_380 = arith.index_cast %add3A_364 : i32 to index
      %get3A_381 = arith.constant 48 : index
      %get3A_382 = tpu.vector_load %arg7[%get3A_380, %get3A_381] {strides = array<i32>} : memref<200x64xf32, #tpu.memory_space<vmem>>, vector<1x16xf32>,
      %get3A_383 = vector.shape_cast %get3A_382 : vector<1x16xf32> to vector<16xf32>
      %add3A_384 = arith.addf %add3A_360, %get3A_383 : vector<16xf32>
      %mul3A_385 = arith.constant 8 : i32
      %mul3A_386 = arith.muli %scan3A_285, %mul3A_385 : i32
      %add3A_387 = arith.constant 4 : i32
      %add3A_388 = arith.addi %mul3A_386, %add3A_387 : i32
      %get3A_389 = arith.index_cast %add3A_388 : i32 to index
      %get3A_390 = arith.constant 0 : index
      %get3A_391 = tpu.vector_load %arg7[%get3A_389, %get3A_390] {strides = array<i32>} : memref<200x64xf32, #tpu.memory_space<vmem>>, vector<1x16xf32>,
      %get3A_392 = vector.shape_cast %get3A_391 : vector<1x16xf32> to vector<16xf32>
      %add3A_393 = arith.addf %add3A_369, %get3A_392 : vector<16xf32>
      %get3A_394 = arith.index_cast %add3A_388 : i32 to index
      %get3A_395 = arith.constant 16 : index
      %get3A_396 = tpu.vector_load %arg7[%get3A_394, %get3A_395] {strides = array<i32>} : memref<200x64xf32, #tpu.memory_space<vmem>>, vector<1x16xf32>,
      %get3A_397 = vector.shape_cast %get3A_396 : vector<1x16xf32> to vector<16xf32>
      %add3A_398 = arith.addf %add3A_374, %get3A_397 : vector<16xf32>
      %get3A_399 = arith.index_cast %add3A_388 : i32 to index
      %get3A_400 = arith.constant 32 : index
      %get3A_401 = tpu.vector_load %arg7[%get3A_399, %get3A_400] {strides = array<i32>} : memref<200x64xf32, #tpu.memory_space<vmem>>, vector<1x16xf32>,
      %get3A_402 = vector.shape_cast %get3A_401 : vector<1x16xf32> to vector<16xf32>
      %add3A_403 = arith.addf %add3A_379, %get3A_402 : vector<16xf32>
      %get3A_404 = arith.index_cast %add3A_388 : i32 to index
      %get3A_405 = arith.constant 48 : index
      %get3A_406 = tpu.vector_load %arg7[%get3A_404, %get3A_405] {strides = array<i32>} : memref<200x64xf32, #tpu.memory_space<vmem>>, vector<1x16xf32>,
      %get3A_407 = vector.shape_cast %get3A_406 : vector<1x16xf32> to vector<16xf32>
      %add3A_408 = arith.addf %add3A_384, %get3A_407 : vector<16xf32>
      %mul3A_409 = arith.constant 8 : i32
      %mul3A_410 = arith.muli %scan3A_285, %mul3A_409 : i32
      %add3A_411 = arith.constant 5 : i32
      %add3A_412 = arith.addi %mul3A_410, %add3A_411 : i32
      %get3A_413 = arith.index_cast %add3A_412 : i32 to index
      %get3A_414 = arith.constant 0 : index
      %get3A_415 = tpu.vector_load %arg7[%get3A_413, %get3A_414] {strides = array<i32>} : memref<200x64xf32, #tpu.memory_space<vmem>>, vector<1x16xf32>,
      %get3A_416 = vector.shape_cast %get3A_415 : vector<1x16xf32> to vector<16xf32>
      %add3A_417 = arith.addf %add3A_393, %get3A_416 : vector<16xf32>
      %get3A_418 = arith.index_cast %add3A_412 : i32 to index
      %get3A_419 = arith.constant 16 : index
      %get3A_420 = tpu.vector_load %arg7[%get3A_418, %get3A_419] {strides = array<i32>} : memref<200x64xf32, #tpu.memory_space<vmem>>, vector<1x16xf32>,
      %get3A_421 = vector.shape_cast %get3A_420 : vector<1x16xf32> to vector<16xf32>
      %add3A_422 = arith.addf %add3A_398, %get3A_421 : vector<16xf32>
      %get3A_423 = arith.index_cast %add3A_412 : i32 to index
      %get3A_424 = arith.constant 32 : index
      %get3A_425 = tpu.vector_load %arg7[%get3A_423, %get3A_424] {strides = array<i32>} : memref<200x64xf32, #tpu.memory_space<vmem>>, vector<1x16xf32>,
      %get3A_426 = vector.shape_cast %get3A_425 : vector<1x16xf32> to vector<16xf32>
      %add3A_427 = arith.addf %add3A_403, %get3A_426 : vector<16xf32>
      %get3A_428 = arith.index_cast %add3A_412 : i32 to index
      %get3A_429 = arith.constant 48 : index
      %get3A_430 = tpu.vector_load %arg7[%get3A_428, %get3A_429] {strides = array<i32>} : memref<200x64xf32, #tpu.memory_space<vmem>>, vector<1x16xf32>,
      %get3A_431 = vector.shape_cast %get3A_430 : vector<1x16xf32> to vector<16xf32>
      %add3A_432 = arith.addf %add3A_408, %get3A_431 : vector<16xf32>
      %mul3A_433 = arith.constant 8 : i32
      %mul3A_434 = arith.muli %scan3A_285, %mul3A_433 : i32
      %add3A_435 = arith.constant 6 : i32
      %add3A_436 = arith.addi %mul3A_434, %add3A_435 : i32
      %get3A_437 = arith.index_cast %add3A_436 : i32 to index
      %get3A_438 = arith.constant 0 : index
      %get3A_439 = tpu.vector_load %arg7[%get3A_437, %get3A_438] {strides = array<i32>} : memref<200x64xf32, #tpu.memory_space<vmem>>, vector<1x16xf32>,
      %get3A_440 = vector.shape_cast %get3A_439 : vector<1x16xf32> to vector<16xf32>
      %add3A_441 = arith.addf %add3A_417, %get3A_440 : vector<16xf32>
      %get3A_442 = arith.index_cast %add3A_436 : i32 to index
      %get3A_443 = arith.constant 16 : index
      %get3A_444 = tpu.vector_load %arg7[%get3A_442, %get3A_443] {strides = array<i32>} : memref<200x64xf32, #tpu.memory_space<vmem>>, vector<1x16xf32>,
      %get3A_445 = vector.shape_cast %get3A_444 : vector<1x16xf32> to vector<16xf32>
      %add3A_446 = arith.addf %add3A_422, %get3A_445 : vector<16xf32>
      %get3A_447 = arith.index_cast %add3A_436 : i32 to index
      %get3A_448 = arith.constant 32 : index
      %get3A_449 = tpu.vector_load %arg7[%get3A_447, %get3A_448] {strides = array<i32>} : memref<200x64xf32, #tpu.memory_space<vmem>>, vector<1x16xf32>,
      %get3A_450 = vector.shape_cast %get3A_449 : vector<1x16xf32> to vector<16xf32>
      %add3A_451 = arith.addf %add3A_427, %get3A_450 : vector<16xf32>
      %get3A_452 = arith.index_cast %add3A_436 : i32 to index
      %get3A_453 = arith.constant 48 : index
      %get3A_454 = tpu.vector_load %arg7[%get3A_452, %get3A_453] {strides = array<i32>} : memref<200x64xf32, #tpu.memory_space<vmem>>, vector<1x16xf32>,
      %get3A_455 = vector.shape_cast %get3A_454 : vector<1x16xf32> to vector<16xf32>
      %add3A_456 = arith.addf %add3A_432, %get3A_455 : vector<16xf32>
      %mul3A_457 = arith.constant 8 : i32
      %mul3A_458 = arith.muli %scan3A_285, %mul3A_457 : i32
      %add3A_459 = arith.constant 7 : i32
      %add3A_460 = arith.addi %mul3A_458, %add3A_459 : i32
      %get3A_461 = arith.index_cast %add3A_460 : i32 to index
      %get3A_462 = arith.constant 0 : index
      %get3A_463 = tpu.vector_load %arg7[%get3A_461, %get3A_462] {strides = array<i32>} : memref<200x64xf32, #tpu.memory_space<vmem>>, vector<1x16xf32>,
      %get3A_464 = vector.shape_cast %get3A_463 : vector<1x16xf32> to vector<16xf32>
      %add3A_465 = arith.addf %add3A_441, %get3A_464 : vector<16xf32>
      %get3A_466 = arith.index_cast %add3A_460 : i32 to index
      %get3A_467 = arith.constant 16 : index
      %get3A_468 = tpu.vector_load %arg7[%get3A_466, %get3A_467] {strides = array<i32>} : memref<200x64xf32, #tpu.memory_space<vmem>>, vector<1x16xf32>,
      %get3A_469 = vector.shape_cast %get3A_468 : vector<1x16xf32> to vector<16xf32>
      %add3A_470 = arith.addf %add3A_446, %get3A_469 : vector<16xf32>
      %get3A_471 = arith.index_cast %add3A_460 : i32 to index
      %get3A_472 = arith.constant 32 : index
      %get3A_473 = tpu.vector_load %arg7[%get3A_471, %get3A_472] {strides = array<i32>} : memref<200x64xf32, #tpu.memory_space<vmem>>, vector<1x16xf32>,
      %get3A_474 = vector.shape_cast %get3A_473 : vector<1x16xf32> to vector<16xf32>
      %add3A_475 = arith.addf %add3A_451, %get3A_474 : vector<16xf32>
      %get3A_476 = arith.index_cast %add3A_460 : i32 to index
      %get3A_477 = arith.constant 48 : index
      %get3A_478 = tpu.vector_load %arg7[%get3A_476, %get3A_477] {strides = array<i32>} : memref<200x64xf32, #tpu.memory_space<vmem>>, vector<1x16xf32>,
      %get3A_479 = vector.shape_cast %get3A_478 : vector<1x16xf32> to vector<16xf32>
      %add3A_480 = arith.addf %add3A_456, %get3A_479 : vector<16xf32>
      scf.yield %add3A_465, %add3A_470, %add3A_475, %add3A_480 : vector<16xf32>, vector<16xf32>, vector<16xf32>, vector<16xf32>
    }
    %scan3A_152 = arith.constant 25 : i32
    %swap3A_153 = arith.constant 125 : i32
    %swap3A_154 = arith.index_cast %swap3A_153 : i32 to index
    %swap3A_155 = arith.constant 0 : index
    %swap3A_156 = tpu.vector_load %arg10[%swap3A_154, %swap3A_155] {strides = array<i32>} : memref<128x64xf32, #tpu.memory_space<vmem>>, vector<1x16xf32>,
    %swap3A_157 = vector.shape_cast %swap3A_156 : vector<1x16xf32> to vector<16xf32>
    %swap3A_158 = vector.shape_cast %scan3A_151#0 : vector<16xf32> to vector<1x16xf32>
    tpu.vector_store %arg10[%swap3A_154, %swap3A_155], %swap3A_158 {strides = array<i32>} : memref<128x64xf32, #tpu.memory_space<vmem>>, vector<1x16xf32>,
    %swap3A_159 = arith.constant 125 : i32
    %swap3A_160 = arith.index_cast %swap3A_159 : i32 to index
    %swap3A_161 = arith.constant 16 : index
    %swap3A_162 = tpu.vector_load %arg10[%swap3A_160, %swap3A_161] {strides = array<i32>} : memref<128x64xf32, #tpu.memory_space<vmem>>, vector<1x16xf32>,
    %swap3A_163 = vector.shape_cast %swap3A_162 : vector<1x16xf32> to vector<16xf32>
    %swap3A_164 = vector.shape_cast %scan3A_151#1 : vector<16xf32> to vector<1x16xf32>
    tpu.vector_store %arg10[%swap3A_160, %swap3A_161], %swap3A_164 {strides = array<i32>} : memref<128x64xf32, #tpu.memory_space<vmem>>, vector<1x16xf32>,
    %swap3A_165 = arith.constant 125 : i32
    %swap3A_166 = arith.index_cast %swap3A_165 : i32 to index
    %swap3A_167 = arith.constant 32 : index
    %swap3A_168 = tpu.vector_load %arg10[%swap3A_166, %swap3A_167] {strides = array<i32>} : memref<128x64xf32, #tpu.memory_space<vmem>>, vector<1x16xf32>,
    %swap3A_169 = vector.shape_cast %swap3A_168 : vector<1x16xf32> to vector<16xf32>
    %swap3A_170 = vector.shape_cast %scan3A_151#2 : vector<16xf32> to vector<1x16xf32>
    tpu.vector_store %arg10[%swap3A_166, %swap3A_167], %swap3A_170 {strides = array<i32>} : memref<128x64xf32, #tpu.memory_space<vmem>>, vector<1x16xf32>,
    %swap3A_171 = arith.constant 125 : i32
    %swap3A_172 = arith.index_cast %swap3A_171 : i32 to index
    %swap3A_173 = arith.constant 48 : index
    %swap3A_174 = tpu.vector_load %arg10[%swap3A_172, %swap3A_173] {strides = array<i32>} : memref<128x64xf32, #tpu.memory_space<vmem>>, vector<1x16xf32>,
    %swap3A_175 = vector.shape_cast %swap3A_174 : vector<1x16xf32> to vector<16xf32>
    %swap3A_176 = vector.shape_cast %scan3A_151#3 : vector<16xf32> to vector<1x16xf32>
    tpu.vector_store %arg10[%swap3A_172, %swap3A_173], %swap3A_176 {strides = array<i32>} : memref<128x64xf32, #tpu.memory_space<vmem>>, vector<1x16xf32>,
    %dma_wait3A_177 = arith.constant 0 : i32
    %dma_wait3A_178 = arith.constant 0 : i32
    %dma_wait3A_179 = tpu.memref_slice %arg8[%dma_wait3A_177, %dma_wait3A_178] : memref<200x64xf32, #tpu.memory_space<vmem>> -> memref<104x64xf32, #tpu.memory_space<vmem>>
    %dma_wait3A_180 = arith.constant 32256 : i32
    %dma_wait3A_181 = tpu.memref_slice %arg5[%dma_wait3A_180] : memref<32768xi32, #tpu.memory_space<vmem>> -> memref<104xi32, #tpu.memory_space<vmem>>
    %dma_wait3A_182 = arith.constant 0 : i32
    %dma_wait3A_183 = arith.constant 0 : i32
    %dma_wait3A_184 = tpu.memref_slice %arg3[%dma_wait3A_182, %dma_wait3A_183] : memref<2000000x64xf32, #tpu.memory_space<hbm>> -> memref<2000000x64xf32, #tpu.memory_space<hbm>>
    tpu.wait_indirect_dma semaphore(%arg13 : memref<!tpu.dma_semaphore, #tpu.memory_space<semaphore_mem>>) src(%dma_wait3A_184 : memref<2000000x64xf32, #tpu.memory_space<hbm>>) dst(%dma_wait3A_179 : memref<104x64xf32, #tpu.memory_space<vmem>>)
    %dma_wait3A_185 = arith.constant 104 : i32
    %dma_wait3A_186 = arith.constant 0 : i32
    %dma_wait3A_187 = tpu.memref_slice %arg8[%dma_wait3A_185, %dma_wait3A_186] : memref<200x64xf32, #tpu.memory_space<vmem>> -> memref<96x64xf32, #tpu.memory_space<vmem>>
    %dma_wait3A_188 = arith.constant 32360 : i32
    %dma_wait3A_189 = tpu.memref_slice %arg5[%dma_wait3A_188] : memref<32768xi32, #tpu.memory_space<vmem>> -> memref<96xi32, #tpu.memory_space<vmem>>
    %dma_wait3A_190 = arith.constant 0 : i32
    %dma_wait3A_191 = arith.constant 0 : i32
    %dma_wait3A_192 = tpu.memref_slice %arg3[%dma_wait3A_190, %dma_wait3A_191] : memref<2000000x64xf32, #tpu.memory_space<hbm>> -> memref<2000000x64xf32, #tpu.memory_space<hbm>>
    tpu.wait_indirect_dma semaphore(%arg13 : memref<!tpu.dma_semaphore, #tpu.memory_space<semaphore_mem>>) src(%dma_wait3A_192 : memref<2000000x64xf32, #tpu.memory_space<hbm>>) dst(%dma_wait3A_187 : memref<96x64xf32, #tpu.memory_space<vmem>>)
    %broadcast_in_dim3A_193 = arith.constant 0.000000e+00 : f32
    %broadcast_in_dim3A_194 = vector.broadcast %broadcast_in_dim3A_193 : f32 to vector<16xf32>
    %broadcast_in_dim3A_195 = arith.constant 0.000000e+00 : f32
    %broadcast_in_dim3A_196 = vector.broadcast %broadcast_in_dim3A_195 : f32 to vector<16xf32>
    %broadcast_in_dim3A_197 = arith.constant 0.000000e+00 : f32
    %broadcast_in_dim3A_198 = vector.broadcast %broadcast_in_dim3A_197 : f32 to vector<16xf32>
    %broadcast_in_dim3A_199 = arith.constant 0.000000e+00 : f32
    %broadcast_in_dim3A_200 = vector.broadcast %broadcast_in_dim3A_199 : f32 to vector<16xf32>
    %scan3A_201 = arith.constant 0 : i32
    %scan3A_202 = arith.constant 25 : i32
    %scan3A_203 = arith.addi %scan3A_201, %scan3A_202 : i32
    %scan3A_204 = arith.constant 1 : i32
    %scan3A_205:4 = scf.for %scan3A_285 = %scan3A_201 to %scan3A_203 step %scan3A_204 iter_args(%scan3A_286 = %broadcast_in_dim3A_194, %scan3A_287 = %broadcast_in_dim3A_196, %scan3A_288 = %broadcast_in_dim3A_198, %scan3A_289 = %broadcast_in_dim3A_200) -> (vector<16xf32>, vector<16xf32>, vector<16xf32>, vector<16xf32>)  : i32 {
      %mul3A_290 = arith.constant 8 : i32
      %mul3A_291 = arith.muli %scan3A_285, %mul3A_290 : i32
      %add3A_292 = arith.constant 0 : i32
      %add3A_293 = arith.addi %mul3A_291, %add3A_292 : i32
      %get3A = arith.index_cast %add3A_293 : i32 to index
      %get3A_294 = arith.constant 0 : index
      %get3A_295 = tpu.vector_load %arg8[%get3A, %get3A_294] {strides = array<i32>} : memref<200x64xf32, #tpu.memory_space<vmem>>, vector<1x16xf32>,
      %get3A_296 = vector.shape_cast %get3A_295 : vector<1x16xf32> to vector<16xf32>
      %add3A_297 = arith.addf %scan3A_286, %get3A_296 : vector<16xf32>
      %get3A_298 = arith.index_cast %add3A_293 : i32 to index
      %get3A_299 = arith.constant 16 : index
      %get3A_300 = tpu.vector_load %arg8[%get3A_298, %get3A_299] {strides = array<i32>} : memref<200x64xf32, #tpu.memory_space<vmem>>, vector<1x16xf32>,
      %get3A_301 = vector.shape_cast %get3A_300 : vector<1x16xf32> to vector<16xf32>
      %add3A_302 = arith.addf %scan3A_287, %get3A_301 : vector<16xf32>
      %get3A_303 = arith.index_cast %add3A_293 : i32 to index
      %get3A_304 = arith.constant 32 : index
      %get3A_305 = tpu.vector_load %arg8[%get3A_303, %get3A_304] {strides = array<i32>} : memref<200x64xf32, #tpu.memory_space<vmem>>, vector<1x16xf32>,
      %get3A_306 = vector.shape_cast %get3A_305 : vector<1x16xf32> to vector<16xf32>
      %add3A_307 = arith.addf %scan3A_288, %get3A_306 : vector<16xf32>
      %get3A_308 = arith.index_cast %add3A_293 : i32 to index
      %get3A_309 = arith.constant 48 : index
      %get3A_310 = tpu.vector_load %arg8[%get3A_308, %get3A_309] {strides = array<i32>} : memref<200x64xf32, #tpu.memory_space<vmem>>, vector<1x16xf32>,
      %get3A_311 = vector.shape_cast %get3A_310 : vector<1x16xf32> to vector<16xf32>
      %add3A_312 = arith.addf %scan3A_289, %get3A_311 : vector<16xf32>
      %mul3A_313 = arith.constant 8 : i32
      %mul3A_314 = arith.muli %scan3A_285, %mul3A_313 : i32
      %add3A_315 = arith.constant 1 : i32
      %add3A_316 = arith.addi %mul3A_314, %add3A_315 : i32
      %get3A_317 = arith.index_cast %add3A_316 : i32 to index
      %get3A_318 = arith.constant 0 : index
      %get3A_319 = tpu.vector_load %arg8[%get3A_317, %get3A_318] {strides = array<i32>} : memref<200x64xf32, #tpu.memory_space<vmem>>, vector<1x16xf32>,
      %get3A_320 = vector.shape_cast %get3A_319 : vector<1x16xf32> to vector<16xf32>
      %add3A_321 = arith.addf %add3A_297, %get3A_320 : vector<16xf32>
      %get3A_322 = arith.index_cast %add3A_316 : i32 to index
      %get3A_323 = arith.constant 16 : index
      %get3A_324 = tpu.vector_load %arg8[%get3A_322, %get3A_323] {strides = array<i32>} : memref<200x64xf32, #tpu.memory_space<vmem>>, vector<1x16xf32>,
      %get3A_325 = vector.shape_cast %get3A_324 : vector<1x16xf32> to vector<16xf32>
      %add3A_326 = arith.addf %add3A_302, %get3A_325 : vector<16xf32>
      %get3A_327 = arith.index_cast %add3A_316 : i32 to index
      %get3A_328 = arith.constant 32 : index
      %get3A_329 = tpu.vector_load %arg8[%get3A_327, %get3A_328] {strides = array<i32>} : memref<200x64xf32, #tpu.memory_space<vmem>>, vector<1x16xf32>,
      %get3A_330 = vector.shape_cast %get3A_329 : vector<1x16xf32> to vector<16xf32>
      %add3A_331 = arith.addf %add3A_307, %get3A_330 : vector<16xf32>
      %get3A_332 = arith.index_cast %add3A_316 : i32 to index
      %get3A_333 = arith.constant 48 : index
      %get3A_334 = tpu.vector_load %arg8[%get3A_332, %get3A_333] {strides = array<i32>} : memref<200x64xf32, #tpu.memory_space<vmem>>, vector<1x16xf32>,
      %get3A_335 = vector.shape_cast %get3A_334 : vector<1x16xf32> to vector<16xf32>
      %add3A_336 = arith.addf %add3A_312, %get3A_335 : vector<16xf32>
      %mul3A_337 = arith.constant 8 : i32
      %mul3A_338 = arith.muli %scan3A_285, %mul3A_337 : i32
      %add3A_339 = arith.constant 2 : i32
      %add3A_340 = arith.addi %mul3A_338, %add3A_339 : i32
      %get3A_341 = arith.index_cast %add3A_340 : i32 to index
      %get3A_342 = arith.constant 0 : index
      %get3A_343 = tpu.vector_load %arg8[%get3A_341, %get3A_342] {strides = array<i32>} : memref<200x64xf32, #tpu.memory_space<vmem>>, vector<1x16xf32>,
      %get3A_344 = vector.shape_cast %get3A_343 : vector<1x16xf32> to vector<16xf32>
      %add3A_345 = arith.addf %add3A_321, %get3A_344 : vector<16xf32>
      %get3A_346 = arith.index_cast %add3A_340 : i32 to index
      %get3A_347 = arith.constant 16 : index
      %get3A_348 = tpu.vector_load %arg8[%get3A_346, %get3A_347] {strides = array<i32>} : memref<200x64xf32, #tpu.memory_space<vmem>>, vector<1x16xf32>,
      %get3A_349 = vector.shape_cast %get3A_348 : vector<1x16xf32> to vector<16xf32>
      %add3A_350 = arith.addf %add3A_326, %get3A_349 : vector<16xf32>
      %get3A_351 = arith.index_cast %add3A_340 : i32 to index
      %get3A_352 = arith.constant 32 : index
      %get3A_353 = tpu.vector_load %arg8[%get3A_351, %get3A_352] {strides = array<i32>} : memref<200x64xf32, #tpu.memory_space<vmem>>, vector<1x16xf32>,
      %get3A_354 = vector.shape_cast %get3A_353 : vector<1x16xf32> to vector<16xf32>
      %add3A_355 = arith.addf %add3A_331, %get3A_354 : vector<16xf32>
      %get3A_356 = arith.index_cast %add3A_340 : i32 to index
      %get3A_357 = arith.constant 48 : index
      %get3A_358 = tpu.vector_load %arg8[%get3A_356, %get3A_357] {strides = array<i32>} : memref<200x64xf32, #tpu.memory_space<vmem>>, vector<1x16xf32>,
      %get3A_359 = vector.shape_cast %get3A_358 : vector<1x16xf32> to vector<16xf32>
      %add3A_360 = arith.addf %add3A_336, %get3A_359 : vector<16xf32>
      %mul3A_361 = arith.constant 8 : i32
      %mul3A_362 = arith.muli %scan3A_285, %mul3A_361 : i32
      %add3A_363 = arith.constant 3 : i32
      %add3A_364 = arith.addi %mul3A_362, %add3A_363 : i32
      %get3A_365 = arith.index_cast %add3A_364 : i32 to index
      %get3A_366 = arith.constant 0 : index
      %get3A_367 = tpu.vector_load %arg8[%get3A_365, %get3A_366] {strides = array<i32>} : memref<200x64xf32, #tpu.memory_space<vmem>>, vector<1x16xf32>,
      %get3A_368 = vector.shape_cast %get3A_367 : vector<1x16xf32> to vector<16xf32>
      %add3A_369 = arith.addf %add3A_345, %get3A_368 : vector<16xf32>
      %get3A_370 = arith.index_cast %add3A_364 : i32 to index
      %get3A_371 = arith.constant 16 : index
      %get3A_372 = tpu.vector_load %arg8[%get3A_370, %get3A_371] {strides = array<i32>} : memref<200x64xf32, #tpu.memory_space<vmem>>, vector<1x16xf32>,
      %get3A_373 = vector.shape_cast %get3A_372 : vector<1x16xf32> to vector<16xf32>
      %add3A_374 = arith.addf %add3A_350, %get3A_373 : vector<16xf32>
      %get3A_375 = arith.index_cast %add3A_364 : i32 to index
      %get3A_376 = arith.constant 32 : index
      %get3A_377 = tpu.vector_load %arg8[%get3A_375, %get3A_376] {strides = array<i32>} : memref<200x64xf32, #tpu.memory_space<vmem>>, vector<1x16xf32>,
      %get3A_378 = vector.shape_cast %get3A_377 : vector<1x16xf32> to vector<16xf32>
      %add3A_379 = arith.addf %add3A_355, %get3A_378 : vector<16xf32>
      %get3A_380 = arith.index_cast %add3A_364 : i32 to index
      %get3A_381 = arith.constant 48 : index
      %get3A_382 = tpu.vector_load %arg8[%get3A_380, %get3A_381] {strides = array<i32>} : memref<200x64xf32, #tpu.memory_space<vmem>>, vector<1x16xf32>,
      %get3A_383 = vector.shape_cast %get3A_382 : vector<1x16xf32> to vector<16xf32>
      %add3A_384 = arith.addf %add3A_360, %get3A_383 : vector<16xf32>
      %mul3A_385 = arith.constant 8 : i32
      %mul3A_386 = arith.muli %scan3A_285, %mul3A_385 : i32
      %add3A_387 = arith.constant 4 : i32
      %add3A_388 = arith.addi %mul3A_386, %add3A_387 : i32
      %get3A_389 = arith.index_cast %add3A_388 : i32 to index
      %get3A_390 = arith.constant 0 : index
      %get3A_391 = tpu.vector_load %arg8[%get3A_389, %get3A_390] {strides = array<i32>} : memref<200x64xf32, #tpu.memory_space<vmem>>, vector<1x16xf32>,
      %get3A_392 = vector.shape_cast %get3A_391 : vector<1x16xf32> to vector<16xf32>
      %add3A_393 = arith.addf %add3A_369, %get3A_392 : vector<16xf32>
      %get3A_394 = arith.index_cast %add3A_388 : i32 to index
      %get3A_395 = arith.constant 16 : index
      %get3A_396 = tpu.vector_load %arg8[%get3A_394, %get3A_395] {strides = array<i32>} : memref<200x64xf32, #tpu.memory_space<vmem>>, vector<1x16xf32>,
      %get3A_397 = vector.shape_cast %get3A_396 : vector<1x16xf32> to vector<16xf32>
      %add3A_398 = arith.addf %add3A_374, %get3A_397 : vector<16xf32>
      %get3A_399 = arith.index_cast %add3A_388 : i32 to index
      %get3A_400 = arith.constant 32 : index
      %get3A_401 = tpu.vector_load %arg8[%get3A_399, %get3A_400] {strides = array<i32>} : memref<200x64xf32, #tpu.memory_space<vmem>>, vector<1x16xf32>,
      %get3A_402 = vector.shape_cast %get3A_401 : vector<1x16xf32> to vector<16xf32>
      %add3A_403 = arith.addf %add3A_379, %get3A_402 : vector<16xf32>
      %get3A_404 = arith.index_cast %add3A_388 : i32 to index
      %get3A_405 = arith.constant 48 : index
      %get3A_406 = tpu.vector_load %arg8[%get3A_404, %get3A_405] {strides = array<i32>} : memref<200x64xf32, #tpu.memory_space<vmem>>, vector<1x16xf32>,
      %get3A_407 = vector.shape_cast %get3A_406 : vector<1x16xf32> to vector<16xf32>
      %add3A_408 = arith.addf %add3A_384, %get3A_407 : vector<16xf32>
      %mul3A_409 = arith.constant 8 : i32
      %mul3A_410 = arith.muli %scan3A_285, %mul3A_409 : i32
      %add3A_411 = arith.constant 5 : i32
      %add3A_412 = arith.addi %mul3A_410, %add3A_411 : i32
      %get3A_413 = arith.index_cast %add3A_412 : i32 to index
      %get3A_414 = arith.constant 0 : index
      %get3A_415 = tpu.vector_load %arg8[%get3A_413, %get3A_414] {strides = array<i32>} : memref<200x64xf32, #tpu.memory_space<vmem>>, vector<1x16xf32>,
      %get3A_416 = vector.shape_cast %get3A_415 : vector<1x16xf32> to vector<16xf32>
      %add3A_417 = arith.addf %add3A_393, %get3A_416 : vector<16xf32>
      %get3A_418 = arith.index_cast %add3A_412 : i32 to index
      %get3A_419 = arith.constant 16 : index
      %get3A_420 = tpu.vector_load %arg8[%get3A_418, %get3A_419] {strides = array<i32>} : memref<200x64xf32, #tpu.memory_space<vmem>>, vector<1x16xf32>,
      %get3A_421 = vector.shape_cast %get3A_420 : vector<1x16xf32> to vector<16xf32>
      %add3A_422 = arith.addf %add3A_398, %get3A_421 : vector<16xf32>
      %get3A_423 = arith.index_cast %add3A_412 : i32 to index
      %get3A_424 = arith.constant 32 : index
      %get3A_425 = tpu.vector_load %arg8[%get3A_423, %get3A_424] {strides = array<i32>} : memref<200x64xf32, #tpu.memory_space<vmem>>, vector<1x16xf32>,
      %get3A_426 = vector.shape_cast %get3A_425 : vector<1x16xf32> to vector<16xf32>
      %add3A_427 = arith.addf %add3A_403, %get3A_426 : vector<16xf32>
      %get3A_428 = arith.index_cast %add3A_412 : i32 to index
      %get3A_429 = arith.constant 48 : index
      %get3A_430 = tpu.vector_load %arg8[%get3A_428, %get3A_429] {strides = array<i32>} : memref<200x64xf32, #tpu.memory_space<vmem>>, vector<1x16xf32>,
      %get3A_431 = vector.shape_cast %get3A_430 : vector<1x16xf32> to vector<16xf32>
      %add3A_432 = arith.addf %add3A_408, %get3A_431 : vector<16xf32>
      %mul3A_433 = arith.constant 8 : i32
      %mul3A_434 = arith.muli %scan3A_285, %mul3A_433 : i32
      %add3A_435 = arith.constant 6 : i32
      %add3A_436 = arith.addi %mul3A_434, %add3A_435 : i32
      %get3A_437 = arith.index_cast %add3A_436 : i32 to index
      %get3A_438 = arith.constant 0 : index
      %get3A_439 = tpu.vector_load %arg8[%get3A_437, %get3A_438] {strides = array<i32>} : memref<200x64xf32, #tpu.memory_space<vmem>>, vector<1x16xf32>,
      %get3A_440 = vector.shape_cast %get3A_439 : vector<1x16xf32> to vector<16xf32>
      %add3A_441 = arith.addf %add3A_417, %get3A_440 : vector<16xf32>
      %get3A_442 = arith.index_cast %add3A_436 : i32 to index
      %get3A_443 = arith.constant 16 : index
      %get3A_444 = tpu.vector_load %arg8[%get3A_442, %get3A_443] {strides = array<i32>} : memref<200x64xf32, #tpu.memory_space<vmem>>, vector<1x16xf32>,
      %get3A_445 = vector.shape_cast %get3A_444 : vector<1x16xf32> to vector<16xf32>
      %add3A_446 = arith.addf %add3A_422, %get3A_445 : vector<16xf32>
      %get3A_447 = arith.index_cast %add3A_436 : i32 to index
      %get3A_448 = arith.constant 32 : index
      %get3A_449 = tpu.vector_load %arg8[%get3A_447, %get3A_448] {strides = array<i32>} : memref<200x64xf32, #tpu.memory_space<vmem>>, vector<1x16xf32>,
      %get3A_450 = vector.shape_cast %get3A_449 : vector<1x16xf32> to vector<16xf32>
      %add3A_451 = arith.addf %add3A_427, %get3A_450 : vector<16xf32>
      %get3A_452 = arith.index_cast %add3A_436 : i32 to index
      %get3A_453 = arith.constant 48 : index
      %get3A_454 = tpu.vector_load %arg8[%get3A_452, %get3A_453] {strides = array<i32>} : memref<200x64xf32, #tpu.memory_space<vmem>>, vector<1x16xf32>,
      %get3A_455 = vector.shape_cast %get3A_454 : vector<1x16xf32> to vector<16xf32>
      %add3A_456 = arith.addf %add3A_432, %get3A_455 : vector<16xf32>
      %mul3A_457 = arith.constant 8 : i32
      %mul3A_458 = arith.muli %scan3A_285, %mul3A_457 : i32
      %add3A_459 = arith.constant 7 : i32
      %add3A_460 = arith.addi %mul3A_458, %add3A_459 : i32
      %get3A_461 = arith.index_cast %add3A_460 : i32 to index
      %get3A_462 = arith.constant 0 : index
      %get3A_463 = tpu.vector_load %arg8[%get3A_461, %get3A_462] {strides = array<i32>} : memref<200x64xf32, #tpu.memory_space<vmem>>, vector<1x16xf32>,
      %get3A_464 = vector.shape_cast %get3A_463 : vector<1x16xf32> to vector<16xf32>
      %add3A_465 = arith.addf %add3A_441, %get3A_464 : vector<16xf32>
      %get3A_466 = arith.index_cast %add3A_460 : i32 to index
      %get3A_467 = arith.constant 16 : index
      %get3A_468 = tpu.vector_load %arg8[%get3A_466, %get3A_467] {strides = array<i32>} : memref<200x64xf32, #tpu.memory_space<vmem>>, vector<1x16xf32>,
      %get3A_469 = vector.shape_cast %get3A_468 : vector<1x16xf32> to vector<16xf32>
      %add3A_470 = arith.addf %add3A_446, %get3A_469 : vector<16xf32>
      %get3A_471 = arith.index_cast %add3A_460 : i32 to index
      %get3A_472 = arith.constant 32 : index
      %get3A_473 = tpu.vector_load %arg8[%get3A_471, %get3A_472] {strides = array<i32>} : memref<200x64xf32, #tpu.memory_space<vmem>>, vector<1x16xf32>,
      %get3A_474 = vector.shape_cast %get3A_473 : vector<1x16xf32> to vector<16xf32>
      %add3A_475 = arith.addf %add3A_451, %get3A_474 : vector<16xf32>
      %get3A_476 = arith.index_cast %add3A_460 : i32 to index
      %get3A_477 = arith.constant 48 : index
      %get3A_478 = tpu.vector_load %arg8[%get3A_476, %get3A_477] {strides = array<i32>} : memref<200x64xf32, #tpu.memory_space<vmem>>, vector<1x16xf32>,
      %get3A_479 = vector.shape_cast %get3A_478 : vector<1x16xf32> to vector<16xf32>
      %add3A_480 = arith.addf %add3A_456, %get3A_479 : vector<16xf32>
      scf.yield %add3A_465, %add3A_470, %add3A_475, %add3A_480 : vector<16xf32>, vector<16xf32>, vector<16xf32>, vector<16xf32>
    }
    %scan3A_206 = arith.constant 25 : i32
    %swap3A_207 = arith.constant 126 : i32
    %swap3A_208 = arith.index_cast %swap3A_207 : i32 to index
    %swap3A_209 = arith.constant 0 : index
    %swap3A_210 = tpu.vector_load %arg10[%swap3A_208, %swap3A_209] {strides = array<i32>} : memref<128x64xf32, #tpu.memory_space<vmem>>, vector<1x16xf32>,
    %swap3A_211 = vector.shape_cast %swap3A_210 : vector<1x16xf32> to vector<16xf32>
    %swap3A_212 = vector.shape_cast %scan3A_205#0 : vector<16xf32> to vector<1x16xf32>
    tpu.vector_store %arg10[%swap3A_208, %swap3A_209], %swap3A_212 {strides = array<i32>} : memref<128x64xf32, #tpu.memory_space<vmem>>, vector<1x16xf32>,
    %swap3A_213 = arith.constant 126 : i32
    %swap3A_214 = arith.index_cast %swap3A_213 : i32 to index
    %swap3A_215 = arith.constant 16 : index
    %swap3A_216 = tpu.vector_load %arg10[%swap3A_214, %swap3A_215] {strides = array<i32>} : memref<128x64xf32, #tpu.memory_space<vmem>>, vector<1x16xf32>,
    %swap3A_217 = vector.shape_cast %swap3A_216 : vector<1x16xf32> to vector<16xf32>
    %swap3A_218 = vector.shape_cast %scan3A_205#1 : vector<16xf32> to vector<1x16xf32>
    tpu.vector_store %arg10[%swap3A_214, %swap3A_215], %swap3A_218 {strides = array<i32>} : memref<128x64xf32, #tpu.memory_space<vmem>>, vector<1x16xf32>,
    %swap3A_219 = arith.constant 126 : i32
    %swap3A_220 = arith.index_cast %swap3A_219 : i32 to index
    %swap3A_221 = arith.constant 32 : index
    %swap3A_222 = tpu.vector_load %arg10[%swap3A_220, %swap3A_221] {strides = array<i32>} : memref<128x64xf32, #tpu.memory_space<vmem>>, vector<1x16xf32>,
    %swap3A_223 = vector.shape_cast %swap3A_222 : vector<1x16xf32> to vector<16xf32>
    %swap3A_224 = vector.shape_cast %scan3A_205#2 : vector<16xf32> to vector<1x16xf32>
    tpu.vector_store %arg10[%swap3A_220, %swap3A_221], %swap3A_224 {strides = array<i32>} : memref<128x64xf32, #tpu.memory_space<vmem>>, vector<1x16xf32>,
    %swap3A_225 = arith.constant 126 : i32
    %swap3A_226 = arith.index_cast %swap3A_225 : i32 to index
    %swap3A_227 = arith.constant 48 : index
    %swap3A_228 = tpu.vector_load %arg10[%swap3A_226, %swap3A_227] {strides = array<i32>} : memref<128x64xf32, #tpu.memory_space<vmem>>, vector<1x16xf32>,
    %swap3A_229 = vector.shape_cast %swap3A_228 : vector<1x16xf32> to vector<16xf32>
    %swap3A_230 = vector.shape_cast %scan3A_205#3 : vector<16xf32> to vector<1x16xf32>
    tpu.vector_store %arg10[%swap3A_226, %swap3A_227], %swap3A_230 {strides = array<i32>} : memref<128x64xf32, #tpu.memory_space<vmem>>, vector<1x16xf32>,
    %dma_wait3A_231 = arith.constant 0 : i32
    %dma_wait3A_232 = arith.constant 0 : i32
    %dma_wait3A_233 = tpu.memref_slice %arg9[%dma_wait3A_231, %dma_wait3A_232] : memref<200x64xf32, #tpu.memory_space<vmem>> -> memref<104x64xf32, #tpu.memory_space<vmem>>
    %dma_wait3A_234 = arith.constant 32512 : i32
    %dma_wait3A_235 = tpu.memref_slice %arg5[%dma_wait3A_234] : memref<32768xi32, #tpu.memory_space<vmem>> -> memref<104xi32, #tpu.memory_space<vmem>>
    %dma_wait3A_236 = arith.constant 0 : i32
    %dma_wait3A_237 = arith.constant 0 : i32
    %dma_wait3A_238 = tpu.memref_slice %arg3[%dma_wait3A_236, %dma_wait3A_237] : memref<2000000x64xf32, #tpu.memory_space<hbm>> -> memref<2000000x64xf32, #tpu.memory_space<hbm>>
    tpu.wait_indirect_dma semaphore(%arg14 : memref<!tpu.dma_semaphore, #tpu.memory_space<semaphore_mem>>) src(%dma_wait3A_238 : memref<2000000x64xf32, #tpu.memory_space<hbm>>) dst(%dma_wait3A_233 : memref<104x64xf32, #tpu.memory_space<vmem>>)
    %dma_wait3A_239 = arith.constant 104 : i32
    %dma_wait3A_240 = arith.constant 0 : i32
    %dma_wait3A_241 = tpu.memref_slice %arg9[%dma_wait3A_239, %dma_wait3A_240] : memref<200x64xf32, #tpu.memory_space<vmem>> -> memref<96x64xf32, #tpu.memory_space<vmem>>
    %dma_wait3A_242 = arith.constant 32616 : i32
    %dma_wait3A_243 = tpu.memref_slice %arg5[%dma_wait3A_242] : memref<32768xi32, #tpu.memory_space<vmem>> -> memref<96xi32, #tpu.memory_space<vmem>>
    %dma_wait3A_244 = arith.constant 0 : i32
    %dma_wait3A_245 = arith.constant 0 : i32
    %dma_wait3A_246 = tpu.memref_slice %arg3[%dma_wait3A_244, %dma_wait3A_245] : memref<2000000x64xf32, #tpu.memory_space<hbm>> -> memref<2000000x64xf32, #tpu.memory_space<hbm>>
    tpu.wait_indirect_dma semaphore(%arg14 : memref<!tpu.dma_semaphore, #tpu.memory_space<semaphore_mem>>) src(%dma_wait3A_246 : memref<2000000x64xf32, #tpu.memory_space<hbm>>) dst(%dma_wait3A_241 : memref<96x64xf32, #tpu.memory_space<vmem>>)
    %broadcast_in_dim3A_247 = arith.constant 0.000000e+00 : f32
    %broadcast_in_dim3A_248 = vector.broadcast %broadcast_in_dim3A_247 : f32 to vector<16xf32>
    %broadcast_in_dim3A_249 = arith.constant 0.000000e+00 : f32
    %broadcast_in_dim3A_250 = vector.broadcast %broadcast_in_dim3A_249 : f32 to vector<16xf32>
    %broadcast_in_dim3A_251 = arith.constant 0.000000e+00 : f32
    %broadcast_in_dim3A_252 = vector.broadcast %broadcast_in_dim3A_251 : f32 to vector<16xf32>
    %broadcast_in_dim3A_253 = arith.constant 0.000000e+00 : f32
    %broadcast_in_dim3A_254 = vector.broadcast %broadcast_in_dim3A_253 : f32 to vector<16xf32>
    %scan3A_255 = arith.constant 0 : i32
    %scan3A_256 = arith.constant 25 : i32
    %scan3A_257 = arith.addi %scan3A_255, %scan3A_256 : i32
    %scan3A_258 = arith.constant 1 : i32
    %scan3A_259:4 = scf.for %scan3A_285 = %scan3A_255 to %scan3A_257 step %scan3A_258 iter_args(%scan3A_286 = %broadcast_in_dim3A_248, %scan3A_287 = %broadcast_in_dim3A_250, %scan3A_288 = %broadcast_in_dim3A_252, %scan3A_289 = %broadcast_in_dim3A_254) -> (vector<16xf32>, vector<16xf32>, vector<16xf32>, vector<16xf32>)  : i32 {
      %mul3A_290 = arith.constant 8 : i32
      %mul3A_291 = arith.muli %scan3A_285, %mul3A_290 : i32
      %add3A_292 = arith.constant 0 : i32
      %add3A_293 = arith.addi %mul3A_291, %add3A_292 : i32
      %get3A = arith.index_cast %add3A_293 : i32 to index
      %get3A_294 = arith.constant 0 : index
      %get3A_295 = tpu.vector_load %arg9[%get3A, %get3A_294] {strides = array<i32>} : memref<200x64xf32, #tpu.memory_space<vmem>>, vector<1x16xf32>,
      %get3A_296 = vector.shape_cast %get3A_295 : vector<1x16xf32> to vector<16xf32>
      %add3A_297 = arith.addf %scan3A_286, %get3A_296 : vector<16xf32>
      %get3A_298 = arith.index_cast %add3A_293 : i32 to index
      %get3A_299 = arith.constant 16 : index
      %get3A_300 = tpu.vector_load %arg9[%get3A_298, %get3A_299] {strides = array<i32>} : memref<200x64xf32, #tpu.memory_space<vmem>>, vector<1x16xf32>,
      %get3A_301 = vector.shape_cast %get3A_300 : vector<1x16xf32> to vector<16xf32>
      %add3A_302 = arith.addf %scan3A_287, %get3A_301 : vector<16xf32>
      %get3A_303 = arith.index_cast %add3A_293 : i32 to index
      %get3A_304 = arith.constant 32 : index
      %get3A_305 = tpu.vector_load %arg9[%get3A_303, %get3A_304] {strides = array<i32>} : memref<200x64xf32, #tpu.memory_space<vmem>>, vector<1x16xf32>,
      %get3A_306 = vector.shape_cast %get3A_305 : vector<1x16xf32> to vector<16xf32>
      %add3A_307 = arith.addf %scan3A_288, %get3A_306 : vector<16xf32>
      %get3A_308 = arith.index_cast %add3A_293 : i32 to index
      %get3A_309 = arith.constant 48 : index
      %get3A_310 = tpu.vector_load %arg9[%get3A_308, %get3A_309] {strides = array<i32>} : memref<200x64xf32, #tpu.memory_space<vmem>>, vector<1x16xf32>,
      %get3A_311 = vector.shape_cast %get3A_310 : vector<1x16xf32> to vector<16xf32>
      %add3A_312 = arith.addf %scan3A_289, %get3A_311 : vector<16xf32>
      %mul3A_313 = arith.constant 8 : i32
      %mul3A_314 = arith.muli %scan3A_285, %mul3A_313 : i32
      %add3A_315 = arith.constant 1 : i32
      %add3A_316 = arith.addi %mul3A_314, %add3A_315 : i32
      %get3A_317 = arith.index_cast %add3A_316 : i32 to index
      %get3A_318 = arith.constant 0 : index
      %get3A_319 = tpu.vector_load %arg9[%get3A_317, %get3A_318] {strides = array<i32>} : memref<200x64xf32, #tpu.memory_space<vmem>>, vector<1x16xf32>,
      %get3A_320 = vector.shape_cast %get3A_319 : vector<1x16xf32> to vector<16xf32>
      %add3A_321 = arith.addf %add3A_297, %get3A_320 : vector<16xf32>
      %get3A_322 = arith.index_cast %add3A_316 : i32 to index
      %get3A_323 = arith.constant 16 : index
      %get3A_324 = tpu.vector_load %arg9[%get3A_322, %get3A_323] {strides = array<i32>} : memref<200x64xf32, #tpu.memory_space<vmem>>, vector<1x16xf32>,
      %get3A_325 = vector.shape_cast %get3A_324 : vector<1x16xf32> to vector<16xf32>
      %add3A_326 = arith.addf %add3A_302, %get3A_325 : vector<16xf32>
      %get3A_327 = arith.index_cast %add3A_316 : i32 to index
      %get3A_328 = arith.constant 32 : index
      %get3A_329 = tpu.vector_load %arg9[%get3A_327, %get3A_328] {strides = array<i32>} : memref<200x64xf32, #tpu.memory_space<vmem>>, vector<1x16xf32>,
      %get3A_330 = vector.shape_cast %get3A_329 : vector<1x16xf32> to vector<16xf32>
      %add3A_331 = arith.addf %add3A_307, %get3A_330 : vector<16xf32>
      %get3A_332 = arith.index_cast %add3A_316 : i32 to index
      %get3A_333 = arith.constant 48 : index
      %get3A_334 = tpu.vector_load %arg9[%get3A_332, %get3A_333] {strides = array<i32>} : memref<200x64xf32, #tpu.memory_space<vmem>>, vector<1x16xf32>,
      %get3A_335 = vector.shape_cast %get3A_334 : vector<1x16xf32> to vector<16xf32>
      %add3A_336 = arith.addf %add3A_312, %get3A_335 : vector<16xf32>
      %mul3A_337 = arith.constant 8 : i32
      %mul3A_338 = arith.muli %scan3A_285, %mul3A_337 : i32
      %add3A_339 = arith.constant 2 : i32
      %add3A_340 = arith.addi %mul3A_338, %add3A_339 : i32
      %get3A_341 = arith.index_cast %add3A_340 : i32 to index
      %get3A_342 = arith.constant 0 : index
      %get3A_343 = tpu.vector_load %arg9[%get3A_341, %get3A_342] {strides = array<i32>} : memref<200x64xf32, #tpu.memory_space<vmem>>, vector<1x16xf32>,
      %get3A_344 = vector.shape_cast %get3A_343 : vector<1x16xf32> to vector<16xf32>
      %add3A_345 = arith.addf %add3A_321, %get3A_344 : vector<16xf32>
      %get3A_346 = arith.index_cast %add3A_340 : i32 to index
      %get3A_347 = arith.constant 16 : index
      %get3A_348 = tpu.vector_load %arg9[%get3A_346, %get3A_347] {strides = array<i32>} : memref<200x64xf32, #tpu.memory_space<vmem>>, vector<1x16xf32>,
      %get3A_349 = vector.shape_cast %get3A_348 : vector<1x16xf32> to vector<16xf32>
      %add3A_350 = arith.addf %add3A_326, %get3A_349 : vector<16xf32>
      %get3A_351 = arith.index_cast %add3A_340 : i32 to index
      %get3A_352 = arith.constant 32 : index
      %get3A_353 = tpu.vector_load %arg9[%get3A_351, %get3A_352] {strides = array<i32>} : memref<200x64xf32, #tpu.memory_space<vmem>>, vector<1x16xf32>,
      %get3A_354 = vector.shape_cast %get3A_353 : vector<1x16xf32> to vector<16xf32>
      %add3A_355 = arith.addf %add3A_331, %get3A_354 : vector<16xf32>
      %get3A_356 = arith.index_cast %add3A_340 : i32 to index
      %get3A_357 = arith.constant 48 : index
      %get3A_358 = tpu.vector_load %arg9[%get3A_356, %get3A_357] {strides = array<i32>} : memref<200x64xf32, #tpu.memory_space<vmem>>, vector<1x16xf32>,
      %get3A_359 = vector.shape_cast %get3A_358 : vector<1x16xf32> to vector<16xf32>
      %add3A_360 = arith.addf %add3A_336, %get3A_359 : vector<16xf32>
      %mul3A_361 = arith.constant 8 : i32
      %mul3A_362 = arith.muli %scan3A_285, %mul3A_361 : i32
      %add3A_363 = arith.constant 3 : i32
      %add3A_364 = arith.addi %mul3A_362, %add3A_363 : i32
      %get3A_365 = arith.index_cast %add3A_364 : i32 to index
      %get3A_366 = arith.constant 0 : index
      %get3A_367 = tpu.vector_load %arg9[%get3A_365, %get3A_366] {strides = array<i32>} : memref<200x64xf32, #tpu.memory_space<vmem>>, vector<1x16xf32>,
      %get3A_368 = vector.shape_cast %get3A_367 : vector<1x16xf32> to vector<16xf32>
      %add3A_369 = arith.addf %add3A_345, %get3A_368 : vector<16xf32>
      %get3A_370 = arith.index_cast %add3A_364 : i32 to index
      %get3A_371 = arith.constant 16 : index
      %get3A_372 = tpu.vector_load %arg9[%get3A_370, %get3A_371] {strides = array<i32>} : memref<200x64xf32, #tpu.memory_space<vmem>>, vector<1x16xf32>,
      %get3A_373 = vector.shape_cast %get3A_372 : vector<1x16xf32> to vector<16xf32>
      %add3A_374 = arith.addf %add3A_350, %get3A_373 : vector<16xf32>
      %get3A_375 = arith.index_cast %add3A_364 : i32 to index
      %get3A_376 = arith.constant 32 : index
      %get3A_377 = tpu.vector_load %arg9[%get3A_375, %get3A_376] {strides = array<i32>} : memref<200x64xf32, #tpu.memory_space<vmem>>, vector<1x16xf32>,
      %get3A_378 = vector.shape_cast %get3A_377 : vector<1x16xf32> to vector<16xf32>
      %add3A_379 = arith.addf %add3A_355, %get3A_378 : vector<16xf32>
      %get3A_380 = arith.index_cast %add3A_364 : i32 to index
      %get3A_381 = arith.constant 48 : index
      %get3A_382 = tpu.vector_load %arg9[%get3A_380, %get3A_381] {strides = array<i32>} : memref<200x64xf32, #tpu.memory_space<vmem>>, vector<1x16xf32>,
      %get3A_383 = vector.shape_cast %get3A_382 : vector<1x16xf32> to vector<16xf32>
      %add3A_384 = arith.addf %add3A_360, %get3A_383 : vector<16xf32>
      %mul3A_385 = arith.constant 8 : i32
      %mul3A_386 = arith.muli %scan3A_285, %mul3A_385 : i32
      %add3A_387 = arith.constant 4 : i32
      %add3A_388 = arith.addi %mul3A_386, %add3A_387 : i32
      %get3A_389 = arith.index_cast %add3A_388 : i32 to index
      %get3A_390 = arith.constant 0 : index
      %get3A_391 = tpu.vector_load %arg9[%get3A_389, %get3A_390] {strides = array<i32>} : memref<200x64xf32, #tpu.memory_space<vmem>>, vector<1x16xf32>,
      %get3A_392 = vector.shape_cast %get3A_391 : vector<1x16xf32> to vector<16xf32>
      %add3A_393 = arith.addf %add3A_369, %get3A_392 : vector<16xf32>
      %get3A_394 = arith.index_cast %add3A_388 : i32 to index
      %get3A_395 = arith.constant 16 : index
      %get3A_396 = tpu.vector_load %arg9[%get3A_394, %get3A_395] {strides = array<i32>} : memref<200x64xf32, #tpu.memory_space<vmem>>, vector<1x16xf32>,
      %get3A_397 = vector.shape_cast %get3A_396 : vector<1x16xf32> to vector<16xf32>
      %add3A_398 = arith.addf %add3A_374, %get3A_397 : vector<16xf32>
      %get3A_399 = arith.index_cast %add3A_388 : i32 to index
      %get3A_400 = arith.constant 32 : index
      %get3A_401 = tpu.vector_load %arg9[%get3A_399, %get3A_400] {strides = array<i32>} : memref<200x64xf32, #tpu.memory_space<vmem>>, vector<1x16xf32>,
      %get3A_402 = vector.shape_cast %get3A_401 : vector<1x16xf32> to vector<16xf32>
      %add3A_403 = arith.addf %add3A_379, %get3A_402 : vector<16xf32>
      %get3A_404 = arith.index_cast %add3A_388 : i32 to index
      %get3A_405 = arith.constant 48 : index
      %get3A_406 = tpu.vector_load %arg9[%get3A_404, %get3A_405] {strides = array<i32>} : memref<200x64xf32, #tpu.memory_space<vmem>>, vector<1x16xf32>,
      %get3A_407 = vector.shape_cast %get3A_406 : vector<1x16xf32> to vector<16xf32>
      %add3A_408 = arith.addf %add3A_384, %get3A_407 : vector<16xf32>
      %mul3A_409 = arith.constant 8 : i32
      %mul3A_410 = arith.muli %scan3A_285, %mul3A_409 : i32
      %add3A_411 = arith.constant 5 : i32
      %add3A_412 = arith.addi %mul3A_410, %add3A_411 : i32
      %get3A_413 = arith.index_cast %add3A_412 : i32 to index
      %get3A_414 = arith.constant 0 : index
      %get3A_415 = tpu.vector_load %arg9[%get3A_413, %get3A_414] {strides = array<i32>} : memref<200x64xf32, #tpu.memory_space<vmem>>, vector<1x16xf32>,
      %get3A_416 = vector.shape_cast %get3A_415 : vector<1x16xf32> to vector<16xf32>
      %add3A_417 = arith.addf %add3A_393, %get3A_416 : vector<16xf32>
      %get3A_418 = arith.index_cast %add3A_412 : i32 to index
      %get3A_419 = arith.constant 16 : index
      %get3A_420 = tpu.vector_load %arg9[%get3A_418, %get3A_419] {strides = array<i32>} : memref<200x64xf32, #tpu.memory_space<vmem>>, vector<1x16xf32>,
      %get3A_421 = vector.shape_cast %get3A_420 : vector<1x16xf32> to vector<16xf32>
      %add3A_422 = arith.addf %add3A_398, %get3A_421 : vector<16xf32>
      %get3A_423 = arith.index_cast %add3A_412 : i32 to index
      %get3A_424 = arith.constant 32 : index
      %get3A_425 = tpu.vector_load %arg9[%get3A_423, %get3A_424] {strides = array<i32>} : memref<200x64xf32, #tpu.memory_space<vmem>>, vector<1x16xf32>,
      %get3A_426 = vector.shape_cast %get3A_425 : vector<1x16xf32> to vector<16xf32>
      %add3A_427 = arith.addf %add3A_403, %get3A_426 : vector<16xf32>
      %get3A_428 = arith.index_cast %add3A_412 : i32 to index
      %get3A_429 = arith.constant 48 : index
      %get3A_430 = tpu.vector_load %arg9[%get3A_428, %get3A_429] {strides = array<i32>} : memref<200x64xf32, #tpu.memory_space<vmem>>, vector<1x16xf32>,
      %get3A_431 = vector.shape_cast %get3A_430 : vector<1x16xf32> to vector<16xf32>
      %add3A_432 = arith.addf %add3A_408, %get3A_431 : vector<16xf32>
      %mul3A_433 = arith.constant 8 : i32
      %mul3A_434 = arith.muli %scan3A_285, %mul3A_433 : i32
      %add3A_435 = arith.constant 6 : i32
      %add3A_436 = arith.addi %mul3A_434, %add3A_435 : i32
      %get3A_437 = arith.index_cast %add3A_436 : i32 to index
      %get3A_438 = arith.constant 0 : index
      %get3A_439 = tpu.vector_load %arg9[%get3A_437, %get3A_438] {strides = array<i32>} : memref<200x64xf32, #tpu.memory_space<vmem>>, vector<1x16xf32>,
      %get3A_440 = vector.shape_cast %get3A_439 : vector<1x16xf32> to vector<16xf32>
      %add3A_441 = arith.addf %add3A_417, %get3A_440 : vector<16xf32>
      %get3A_442 = arith.index_cast %add3A_436 : i32 to index
      %get3A_443 = arith.constant 16 : index
      %get3A_444 = tpu.vector_load %arg9[%get3A_442, %get3A_443] {strides = array<i32>} : memref<200x64xf32, #tpu.memory_space<vmem>>, vector<1x16xf32>,
      %get3A_445 = vector.shape_cast %get3A_444 : vector<1x16xf32> to vector<16xf32>
      %add3A_446 = arith.addf %add3A_422, %get3A_445 : vector<16xf32>
      %get3A_447 = arith.index_cast %add3A_436 : i32 to index
      %get3A_448 = arith.constant 32 : index
      %get3A_449 = tpu.vector_load %arg9[%get3A_447, %get3A_448] {strides = array<i32>} : memref<200x64xf32, #tpu.memory_space<vmem>>, vector<1x16xf32>,
      %get3A_450 = vector.shape_cast %get3A_449 : vector<1x16xf32> to vector<16xf32>
      %add3A_451 = arith.addf %add3A_427, %get3A_450 : vector<16xf32>
      %get3A_452 = arith.index_cast %add3A_436 : i32 to index
      %get3A_453 = arith.constant 48 : index
      %get3A_454 = tpu.vector_load %arg9[%get3A_452, %get3A_453] {strides = array<i32>} : memref<200x64xf32, #tpu.memory_space<vmem>>, vector<1x16xf32>,
      %get3A_455 = vector.shape_cast %get3A_454 : vector<1x16xf32> to vector<16xf32>
      %add3A_456 = arith.addf %add3A_432, %get3A_455 : vector<16xf32>
      %mul3A_457 = arith.constant 8 : i32
      %mul3A_458 = arith.muli %scan3A_285, %mul3A_457 : i32
      %add3A_459 = arith.constant 7 : i32
      %add3A_460 = arith.addi %mul3A_458, %add3A_459 : i32
      %get3A_461 = arith.index_cast %add3A_460 : i32 to index
      %get3A_462 = arith.constant 0 : index
      %get3A_463 = tpu.vector_load %arg9[%get3A_461, %get3A_462] {strides = array<i32>} : memref<200x64xf32, #tpu.memory_space<vmem>>, vector<1x16xf32>,
      %get3A_464 = vector.shape_cast %get3A_463 : vector<1x16xf32> to vector<16xf32>
      %add3A_465 = arith.addf %add3A_441, %get3A_464 : vector<16xf32>
      %get3A_466 = arith.index_cast %add3A_460 : i32 to index
      %get3A_467 = arith.constant 16 : index
      %get3A_468 = tpu.vector_load %arg9[%get3A_466, %get3A_467] {strides = array<i32>} : memref<200x64xf32, #tpu.memory_space<vmem>>, vector<1x16xf32>,
      %get3A_469 = vector.shape_cast %get3A_468 : vector<1x16xf32> to vector<16xf32>
      %add3A_470 = arith.addf %add3A_446, %get3A_469 : vector<16xf32>
      %get3A_471 = arith.index_cast %add3A_460 : i32 to index
      %get3A_472 = arith.constant 32 : index
      %get3A_473 = tpu.vector_load %arg9[%get3A_471, %get3A_472] {strides = array<i32>} : memref<200x64xf32, #tpu.memory_space<vmem>>, vector<1x16xf32>,
      %get3A_474 = vector.shape_cast %get3A_473 : vector<1x16xf32> to vector<16xf32>
      %add3A_475 = arith.addf %add3A_451, %get3A_474 : vector<16xf32>
      %get3A_476 = arith.index_cast %add3A_460 : i32 to index
      %get3A_477 = arith.constant 48 : index
      %get3A_478 = tpu.vector_load %arg9[%get3A_476, %get3A_477] {strides = array<i32>} : memref<200x64xf32, #tpu.memory_space<vmem>>, vector<1x16xf32>,
      %get3A_479 = vector.shape_cast %get3A_478 : vector<1x16xf32> to vector<16xf32>
      %add3A_480 = arith.addf %add3A_456, %get3A_479 : vector<16xf32>
      scf.yield %add3A_465, %add3A_470, %add3A_475, %add3A_480 : vector<16xf32>, vector<16xf32>, vector<16xf32>, vector<16xf32>
    }
    %scan3A_260 = arith.constant 25 : i32
    %swap3A_261 = arith.constant 127 : i32
    %swap3A_262 = arith.index_cast %swap3A_261 : i32 to index
    %swap3A_263 = arith.constant 0 : index
    %swap3A_264 = tpu.vector_load %arg10[%swap3A_262, %swap3A_263] {strides = array<i32>} : memref<128x64xf32, #tpu.memory_space<vmem>>, vector<1x16xf32>,
    %swap3A_265 = vector.shape_cast %swap3A_264 : vector<1x16xf32> to vector<16xf32>
    %swap3A_266 = vector.shape_cast %scan3A_259#0 : vector<16xf32> to vector<1x16xf32>
    tpu.vector_store %arg10[%swap3A_262, %swap3A_263], %swap3A_266 {strides = array<i32>} : memref<128x64xf32, #tpu.memory_space<vmem>>, vector<1x16xf32>,
    %swap3A_267 = arith.constant 127 : i32
    %swap3A_268 = arith.index_cast %swap3A_267 : i32 to index
    %swap3A_269 = arith.constant 16 : index
    %swap3A_270 = tpu.vector_load %arg10[%swap3A_268, %swap3A_269] {strides = array<i32>} : memref<128x64xf32, #tpu.memory_space<vmem>>, vector<1x16xf32>,
    %swap3A_271 = vector.shape_cast %swap3A_270 : vector<1x16xf32> to vector<16xf32>
    %swap3A_272 = vector.shape_cast %scan3A_259#1 : vector<16xf32> to vector<1x16xf32>
    tpu.vector_store %arg10[%swap3A_268, %swap3A_269], %swap3A_272 {strides = array<i32>} : memref<128x64xf32, #tpu.memory_space<vmem>>, vector<1x16xf32>,
    %swap3A_273 = arith.constant 127 : i32
    %swap3A_274 = arith.index_cast %swap3A_273 : i32 to index
    %swap3A_275 = arith.constant 32 : index
    %swap3A_276 = tpu.vector_load %arg10[%swap3A_274, %swap3A_275] {strides = array<i32>} : memref<128x64xf32, #tpu.memory_space<vmem>>, vector<1x16xf32>,
    %swap3A_277 = vector.shape_cast %swap3A_276 : vector<1x16xf32> to vector<16xf32>
    %swap3A_278 = vector.shape_cast %scan3A_259#2 : vector<16xf32> to vector<1x16xf32>
    tpu.vector_store %arg10[%swap3A_274, %swap3A_275], %swap3A_278 {strides = array<i32>} : memref<128x64xf32, #tpu.memory_space<vmem>>, vector<1x16xf32>,
    %swap3A_279 = arith.constant 127 : i32
    %swap3A_280 = arith.index_cast %swap3A_279 : i32 to index
    %swap3A_281 = arith.constant 48 : index
    %swap3A_282 = tpu.vector_load %arg10[%swap3A_280, %swap3A_281] {strides = array<i32>} : memref<128x64xf32, #tpu.memory_space<vmem>>, vector<1x16xf32>,
    %swap3A_283 = vector.shape_cast %swap3A_282 : vector<1x16xf32> to vector<16xf32>
    %swap3A_284 = vector.shape_cast %scan3A_259#3 : vector<16xf32> to vector<1x16xf32>
    tpu.vector_store %arg10[%swap3A_280, %swap3A_281], %swap3A_284 {strides = array<i32>} : memref<128x64xf32, #tpu.memory_space<vmem>>, vector<1x16xf32>,
    "tpu.region"() ({
      %run_scoped3A = tpu.sem_alloc : memref<!tpu.dma_semaphore, #tpu.memory_space<semaphore_mem>>
      %dma_start3A_285 = arith.constant 0 : i32
      %dma_start3A_286 = tpu.memref_slice %arg4[%mul3A_2, %dma_start3A_285] : memref<4096x64xf32, #tpu.memory_space<hbm>> -> memref<128x64xf32, #tpu.memory_space<hbm>>
      %dma_start3A_287 = arith.constant 0 : i32
      %dma_start3A_288 = tpu.memref_slice %arg4[%mul3A_2, %dma_start3A_287] : memref<4096x64xf32, #tpu.memory_space<hbm>> -> memref<128x64xf32, #tpu.memory_space<hbm>>
      tpu.enqueue_dma source(%arg10 : memref<128x64xf32, #tpu.memory_space<vmem>>) target(%dma_start3A_288 : memref<128x64xf32, #tpu.memory_space<hbm>>) target_semaphore(%run_scoped3A : memref<!tpu.dma_semaphore, #tpu.memory_space<semaphore_mem>>)
      %dma_wait3A_289 = arith.constant 0 : i32
      %dma_wait3A_290 = tpu.memref_slice %arg4[%mul3A_2, %dma_wait3A_289] : memref<4096x64xf32, #tpu.memory_space<hbm>> -> memref<128x64xf32, #tpu.memory_space<hbm>>
      %dma_wait3A_291 = arith.constant 0 : i32
      %dma_wait3A_292 = tpu.memref_slice %arg4[%mul3A_2, %dma_wait3A_291] : memref<4096x64xf32, #tpu.memory_space<hbm>> -> memref<128x64xf32, #tpu.memory_space<hbm>>
      tpu.wait_dma2 semaphore(%run_scoped3A : memref<!tpu.dma_semaphore, #tpu.memory_space<semaphore_mem>>) src(%arg10 : memref<128x64xf32, #tpu.memory_space<vmem>>) dst(%dma_wait3A_292 : memref<128x64xf32, #tpu.memory_space<hbm>>)
      tpu.yield
    }) : () -> ()
    return
  }
}

module attributes {stable_mosaic.version = 14 : i64} {
  func.func @_repack_body(%arg0: i32, %arg1: memref<64x16384xf32, #tpu.memory_space<vmem>>, %arg2: memref<16384x128xf32, #tpu.memory_space<vmem>>) attributes {dimension_semantics = [#tpu.dimension_semantics<arbitrary>], iteration_bounds = array<i64: 62>, scalar_prefetch = 0 : i64, scratch_operands = 0 : i64, tpu.core_type = #tpu.core_type<tc>, window_params = [{transform_indices = @transform_0, window_bounds = array<i64: 64, 16384>}, {transform_indices = @transform_1, window_bounds = array<i64: 16384, 128>}]} {
    %get3A = arith.constant 0 : index
    %get3A_0 = arith.constant 0 : index
    %get3A_1 = vector.load %arg1[%get3A, %get3A_0] : memref<64x16384xf32, #tpu.memory_space<vmem>>, vector<64x16384xf32>
    %transpose3A = tpu.transpose %get3A_1, [1, 0] : vector<64x16384xf32> -> vector<16384x64xf32>
    %swap3A = arith.constant 0 : index
    %swap3A_2 = arith.constant 0 : index
    %swap3A_3 = vector.load %arg2[%swap3A, %swap3A_2] : memref<16384x128xf32, #tpu.memory_space<vmem>>, vector<16384x64xf32>
    tpu.vector_store %arg2[%swap3A, %swap3A_2], %transpose3A {strides = array<i32>} : memref<16384x128xf32, #tpu.memory_space<vmem>>, vector<16384x64xf32>,
    %broadcast_in_dim3A = arith.constant 0.000000e+00 : f32
    %broadcast_in_dim3A_4 = vector.broadcast %broadcast_in_dim3A : f32 to vector<16384x64xf32>
    %swap3A_5 = arith.constant 0 : index
    %swap3A_6 = arith.constant 64 : index
    %swap3A_7 = vector.load %arg2[%swap3A_5, %swap3A_6] : memref<16384x128xf32, #tpu.memory_space<vmem>>, vector<16384x64xf32>
    tpu.vector_store %arg2[%swap3A_5, %swap3A_6], %broadcast_in_dim3A_4 {strides = array<i32>} : memref<16384x128xf32, #tpu.memory_space<vmem>>, vector<16384x64xf32>,
    return
  }
  func.func @transform_0(%arg0: i32) -> (i32, i32) {
    %c0_i32 = arith.constant 0 : i32
    %c0_i32_0 = arith.constant 0 : i32
    return %c0_i32, %arg0 : i32, i32
  }
  func.func @transform_1(%arg0: i32) -> (i32, i32) {
    %c0_i32 = arith.constant 0 : i32
    %c0_i32_0 = arith.constant 0 : i32
    return %arg0, %c0_i32 : i32, i32
  }
}

module attributes {stable_mosaic.version = 14 : i64} {
  func.func @_pad_idx_body(%arg0: memref<4096x200xi32, #tpu.memory_space<vmem>>, %arg1: memref<4096x256xi32, #tpu.memory_space<vmem>>) attributes {dimension_semantics = [], scalar_prefetch = 0 : i64, scratch_operands = 0 : i64, tpu.core_type = #tpu.core_type<tc>} {
    %get3A = arith.constant 0 : index
    %get3A_0 = arith.constant 0 : index
    %get3A_1 = vector.load %arg0[%get3A, %get3A_0] : memref<4096x200xi32, #tpu.memory_space<vmem>>, vector<4096x200xi32>
    %mul3A = arith.constant 2 : i32
    %mul3A_2 = vector.broadcast %mul3A : i32 to vector<4096x200xi32>
    %mul3A_3 = arith.muli %get3A_1, %mul3A_2 : vector<4096x200xi32>
    %swap3A = arith.constant 0 : index
    %swap3A_4 = arith.constant 0 : index
    %swap3A_5 = vector.load %arg1[%swap3A, %swap3A_4] : memref<4096x256xi32, #tpu.memory_space<vmem>>, vector<4096x200xi32>
    tpu.vector_store %arg1[%swap3A, %swap3A_4], %mul3A_3 {strides = array<i32>} : memref<4096x256xi32, #tpu.memory_space<vmem>>, vector<4096x200xi32>,
    %broadcast_in_dim3A = arith.constant 0 : i32
    %broadcast_in_dim3A_6 = vector.broadcast %broadcast_in_dim3A : i32 to vector<4096x56xi32>
    %swap3A_7 = arith.constant 0 : index
    %swap3A_8 = arith.constant 200 : index
    %swap3A_9 = vector.load %arg1[%swap3A_7, %swap3A_8] : memref<4096x256xi32, #tpu.memory_space<vmem>>, vector<4096x56xi32>
    tpu.vector_store %arg1[%swap3A_7, %swap3A_8], %broadcast_in_dim3A_6 {strides = array<i32>} : memref<4096x256xi32, #tpu.memory_space<vmem>>, vector<4096x56xi32>,
    return
  }
}

module attributes {stable_mosaic.version = 14 : i64} {
  func.func @_mlp_body(%arg0: memref<4096x64xf32, #tpu.memory_space<vmem>>, %arg1: memref<64x64xf32, #tpu.memory_space<vmem>>, %arg2: memref<1x64xf32, #tpu.memory_space<vmem>>, %arg3: memref<64x8xf32, #tpu.memory_space<vmem>>, %arg4: memref<1x8xf32, #tpu.memory_space<vmem>>, %arg5: memref<4096x8xf32, #tpu.memory_space<vmem>>) attributes {dimension_semantics = [], scalar_prefetch = 0 : i64, scratch_operands = 0 : i64, tpu.core_type = #tpu.core_type<tc>} {
    %get3A = arith.constant 0 : index
    %get3A_0 = arith.constant 0 : index
    %get3A_1 = vector.load %arg0[%get3A, %get3A_0] : memref<4096x64xf32, #tpu.memory_space<vmem>>, vector<4096x64xf32>
    %mul3A = arith.constant 5.000000e-03 : f32
    %mul3A_2 = vector.broadcast %mul3A : f32 to vector<4096x64xf32>
    %mul3A_3 = arith.mulf %get3A_1, %mul3A_2 : vector<4096x64xf32>
    %get3A_4 = arith.constant 0 : index
    %get3A_5 = arith.constant 0 : index
    %get3A_6 = vector.load %arg1[%get3A_4, %get3A_5] : memref<64x64xf32, #tpu.memory_space<vmem>>, vector<64x64xf32>
    %dot_general3A = arith.constant dense<0.000000e+00> : vector<4096x64xf32>
    %dot_general3A_7 = tpu.matmul %mul3A_3, %get3A_6, %dot_general3A {dimension_numbers = #tpu.dot_dimension_numbers<[1], [0], [0], [1], [0, 0, 1, 1], [], []>, transpose_lhs_hint = false} : vector<4096x64xf32>, vector<64x64xf32>, vector<4096x64xf32> -> vector<4096x64xf32>
    %get3A_8 = arith.constant 0 : index
    %get3A_9 = arith.constant 0 : index
    %get3A_10 = vector.load %arg2[%get3A_8, %get3A_9] : memref<1x64xf32, #tpu.memory_space<vmem>>, vector<1x64xf32>
    %add3A = vector.broadcast %get3A_10 : vector<1x64xf32> to vector<4096x64xf32>
    %add3A_11 = arith.addf %dot_general3A_7, %add3A : vector<4096x64xf32>
    %max3A = arith.constant 0.000000e+00 : f32
    %max3A_12 = vector.broadcast %max3A : f32 to vector<4096x64xf32>
    %max3A_13 = arith.maximumf %add3A_11, %max3A_12 : vector<4096x64xf32>
    %get3A_14 = arith.constant 0 : index
    %get3A_15 = arith.constant 0 : index
    %get3A_16 = vector.load %arg3[%get3A_14, %get3A_15] : memref<64x8xf32, #tpu.memory_space<vmem>>, vector<64x8xf32>
    %dot_general3A_17 = arith.constant dense<0.000000e+00> : vector<4096x8xf32>
    %dot_general3A_18 = tpu.matmul %max3A_13, %get3A_16, %dot_general3A_17 {dimension_numbers = #tpu.dot_dimension_numbers<[1], [0], [0], [1], [0, 0, 1, 1], [], []>, transpose_lhs_hint = false} : vector<4096x64xf32>, vector<64x8xf32>, vector<4096x8xf32> -> vector<4096x8xf32>
    %get3A_19 = arith.constant 0 : index
    %get3A_20 = arith.constant 0 : index
    %get3A_21 = vector.load %arg4[%get3A_19, %get3A_20] : memref<1x8xf32, #tpu.memory_space<vmem>>, vector<1x8xf32>
    %add3A_22 = vector.broadcast %get3A_21 : vector<1x8xf32> to vector<4096x8xf32>
    %add3A_23 = arith.addf %dot_general3A_18, %add3A_22 : vector<4096x8xf32>
    %swap3A = arith.constant 0 : index
    %swap3A_24 = arith.constant 0 : index
    %swap3A_25 = vector.load %arg5[%swap3A, %swap3A_24] : memref<4096x8xf32, #tpu.memory_space<vmem>>, vector<4096x8xf32>
    tpu.vector_store %arg5[%swap3A, %swap3A_24], %add3A_23 {strides = array<i32>} : memref<4096x8xf32, #tpu.memory_space<vmem>>, vector<4096x8xf32>,
    return
  }
}

</mosaic_0001>

<sc_bundles>
// kernel: kernel.6.cloned.1.call-start
scs
__scs_entry_jumppad:
0x0: {  	(pc) =	sbr.rel $0x88, $3  }
0x1: {  	(tag) =	ssettag $0x0;
	lr =	simm.s32 $0x1  }
0x2: {  	[smem:$0x3F9B] =	sst lr;
	_ =	strace $0xD0000000  }
0x3: {  	_ = 	snop  }
0x4: {  	_ = 	snop  }
0x5: {  	_ = 	snop  }
0x6: {  	_ = 	snop  }
0x7: {  	_ = 	snop  }
__scs_overlays_trampoline_lowered:
0x8: {  	[smem:$0x3FAA] =	sst s0  }
0x9: {  	[smem:$0x3FAB] =	sst s1  }
0xa: {  	[smem:$0x3FAC] =	sst s2  }
0xb: {  	[smem:$0x3FAD] =	sst s3  }
0xc: {  	[smem:$0x3FAE] =	sst s4  }
0xd: {  	[smem:$0x3FAF] =	sst s5  }
0xe: {  	[smem:$0x3FB0] =	sst s6  }
0xf: {  	[smem:$0x3FB1] =	sst s7  }
0x10: {  	[smem:$0x3FB2] =	sst s8  }
0x11: {  	[smem:$0x3FB3] =	sst s9;
	s0 =	simm.s32 @!p0 $0x0  }
0x12: {  	s1 =	sld [smem:$0x3F99];
	s0 =	simm.s32 @p0 $0x1  }
0x13: {  	[smem:$0x3FB4] =	sst s0;
	s0 =	simm.s32 @!p1 $0x0  }
0x14: {  	s2 =	sld [smem:$0x3F98];
	s0 =	simm.s32 @p1 $0x1  }
0x15: {  	[smem:$0x3FB5] =	sst s0;
	s0 =	simm.s32 @!p2 $0x0  }
0x16: {  	s3 =	sld [smem:$0x3FDB];
	s0 =	simm.s32 @p2 $0x1  }
0x17: {  	s4 =	simm.s32 $0x1BF5;
	[smem:$0x3FB7] =	sst s0  }
0x18: {  	s0 =	sld [smem:$0x3F9A];
	_ =	swait.ge [sflag:s4], $0x0  }
0x19: {  	s7 =	sld [smem:$0x3F9B]  }
0x1a: {  	s8 =	sadd.s32 $0xFFFFE003, lr  }
0x1b: {  	s9 =	sadd.s32 $0xFFFFFEF7, lr;
	s5 =	simm.s32 $0xFFFFFFFF;
	p2 =	slt.u32 s8, $0xFFFFF086  }
0x1c: {  	p1 =	slt.u32 s9, $0xF7A;
	s5 =	simm.s32 @!p2 $0x0  }
0x1d: {  	s5 =	simm.s32 @p1 $0x1;
	p0 =	seq.s32 s7, s2  }
0x1e: {  	s7 =	smul.u32 @!p0 $0xF7A, s2;
	p2 =	seq.s32 @!p0 s5, $0x0  }
0x1f: {  	s9 =	smul.u32 $0xF7A, s1;
	s8 =	simm.s32 @!p0 $0x1BF5;
	p2 =	por !p2, p0  }
0x20: {  	[sflag:s8] =	ssyncset.s32 @!p0 $0xFFFFF086;
	s6 =	sadd.s32 @!p0 s3, s7;
	s7 =	simm.s32 @!p0 $0x108  }
0x21: {  	s3 =	sadd.s32 s3, s9;
	s6 =	sadd.s32 @!p0 $0x88, s6;
	s7 =	simm.s32 @p2 $0x1082  }
0x22: {  	[simem:s7], [sflag:s8] =	dma.local @!p0 [hbm:s6], $0xF7A  }
0x23: {  	s9 =	sor.u32 $0xD0000000, s2;
	s6 =	simm.s32 $0x108;
	_ =	swait.ge @!p0 [sflag:s8], $0x0  }
0x24: {  	s3 =	sadd.s32 $0x88, s3;
	s6 =	simm.s32 @!p1 $0x1082;
	[sflag:s4] =	ssyncset.s32 $0xFFFFF086  }
0x25: {  	[simem:s6], [sflag:s4] =	dma.local [hbm:s3], $0xF7A  }
0x26: {  	[smem:$0x3F9B] =	sst s1;
	(tag) =	ssettag s2;
	_ =	strace s9  }
0x27: {  	s1 =	sld [smem:$0x3FAB]  }
0x28: {  	s2 =	sld [smem:$0x3FAC]  }
0x29: {  	s4 =	sld [smem:$0x3FAE]  }
0x2a: {  	p0 =	seq.s32 s5, $0x0;
	s5 =	sld [smem:$0x3FAF]  }
0x2b: {  	s6 =	sld [smem:$0x3FB0]  }
0x2c: {  	s7 =	sld [smem:$0x3FB1]  }
0x2d: {  	s3 =	simm.s32 $0x108;
	s8 =	sld [smem:$0x3FB2]  }
0x2e: {  	s3 =	simm.s32 @!p0 $0x1082;
	s9 =	sld [smem:$0x3FB3]  }
0x2f: {  	lr =	sadd.s32 s0, s3;
	s0 =	sld [smem:$0x3FAA]  }
0x30: {  	s3 =	sld [smem:$0x3FAD]  }
0x31: {  	[smem:$0x3FB6] =	sst s10  }
0x32: {  	s10 =	sld [smem:$0x3FB4];
	_ =	sdelay $0x3  }
0x33: {  	p0 =	seq.s32 s10, $0x1;
	s10 =	sld [smem:$0x3FB6];
	_ =	sdelay $0x3  }
0x34: {  	[smem:$0x3FB6] =	sst s10  }
0x35: {  	s10 =	sld [smem:$0x3FB5];
	_ =	sdelay $0x3  }
0x36: {  	p1 =	seq.s32 s10, $0x1;
	s10 =	sld [smem:$0x3FB6];
	_ =	sdelay $0x3  }
0x37: {  	[smem:$0x3FB6] =	sst s10  }
0x38: {  	s10 =	sld [smem:$0x3FB7]  }
0x39: {  	_ = 	snop;
	(pc) =	sbr.ind lr, $3  }
0x3a: {  	_ = 	snop  }
0x3b: {  	_ = 	snop  }
0x3c: {  	p2 =	seq.s32 s10, $0x1;
	s10 =	sld [smem:$0x3FB6]  }
0x3d: {  	_ =	shalt  }
0x3e: {  	_ =	shalt  }
0x3f: {  	_ =	shalt  }
0x40: {  	_ =	shalt  }
0x41: {  	_ =	shalt  }
0x42: {  	_ =	shalt  }
0x43: {  	_ =	shalt  }
0x44: {  	_ =	shalt  }
0x45: {  	_ =	shalt  }
0x46: {  	_ =	shalt  }
0x47: {  	_ =	shalt  }
0x48: {  	_ =	shalt  }
0x49: {  	_ =	shalt  }
0x4a: {  	_ =	shalt  }
0x4b: {  	_ =	shalt  }
0x4c: {  	_ =	shalt  }
0x4d: {  	_ =	shalt  }
0x4e: {  	_ =	shalt  }
0x4f: {  	_ =	shalt  }
0x50: {  	_ =	shalt  }
0x51: {  	_ =	shalt  }
0x52: {  	_ =	shalt  }
0x53: {  	_ =	shalt  }
0x54: {  	_ =	shalt  }
0x55: {  	_ =	shalt  }
0x56: {  	_ =	shalt  }
0x57: {  	_ =	shalt  }
0x58: {  	_ =	shalt  }
0x59: {  	_ =	shalt  }
0x5a: {  	_ =	shalt  }
0x5b: {  	_ =	shalt  }
0x5c: {  	_ =	shalt  }
0x5d: {  	_ =	shalt  }
0x5e: {  	_ =	shalt  }
0x5f: {  	_ =	shalt  }
0x60: {  	_ =	shalt  }
0x61: {  	_ =	shalt  }
0x62: {  	_ =	shalt  }
0x63: {  	_ =	shalt  }
0x64: {  	_ =	shalt  }
0x65: {  	_ =	shalt  }
0x66: {  	_ =	shalt  }
0x67: {  	_ =	shalt  }
0x68: {  	_ =	shalt  }
0x69: {  	_ =	shalt  }
0x6a: {  	_ =	shalt  }
0x6b: {  	_ =	shalt  }
0x6c: {  	_ =	shalt  }
0x6d: {  	_ =	shalt  }
0x6e: {  	_ =	shalt  }
0x6f: {  	_ =	shalt  }
0x70: {  	_ =	shalt  }
0x71: {  	_ =	shalt  }
0x72: {  	_ =	shalt  }
0x73: {  	_ =	shalt  }
0x74: {  	_ =	shalt  }
0x75: {  	_ =	shalt  }
0x76: {  	_ =	shalt  }
0x77: {  	_ =	shalt  }
0x78: {  	_ =	shalt  }
0x79: {  	_ =	shalt  }
0x7a: {  	_ =	shalt  }
0x7b: {  	_ =	shalt  }
0x7c: {  	_ =	shalt  }
0x7d: {  	_ =	shalt  }
0x7e: {  	_ =	shalt  }
0x7f: {  	_ =	shalt  }
0x80: {  	_ =	shalt  }
0x81: {  	_ =	shalt  }
0x82: {  	_ =	shalt  }
0x83: {  	_ =	shalt  }
0x84: {  	_ =	shalt  }
0x85: {  	_ =	shalt  }
0x86: {  	_ =	shalt  }
0x87: {  	_ =	shalt  }
.Lfunc_end0:
.L_simem_size_0:
called_computation_lowered:
.L_overlay_start_0:
0x88: {  	s2 =	sld [smem:$0x3FD9]  }
0x89: {  	s3 =	sld [smem:$0x3FFE];
	_ =	sdelay $0x1  }
0x8a: {  	s1 =	srdreg.scid  }
0x8b: {  	s0 =	sand.u32 $0x1, s1  }
0x8c: {  	s16 =	sshll.u32 s0, $0xA;
	s2 =	sadd.s32 s3, s2  }
0x8d: {  	s2 =	sadd.s32 s2, s16  }
0x8e: {  	[smem:$0x3FC2] =	sst s2  }
0x8f: {  	_ = 	snop  }
0x90: {  	(tm) =	ssettm $0x1  }
0x91: {  	s17 =	sld [smem:$0x3FFB];
	_ =	sdelay $0x3  }
0x92: {  	_ =	strace s17  }
0x93: {  	s2 =	sld [smem:$0x3FFC];
	_ =	sdelay $0x3  }
0x94: {  	_ =	strace s2  }
0x95: {  	s2 =	sld [smem:$0x3FFD];
	_ =	sdelay $0x3  }
0x96: {  	_ =	strace s2  }
0x97: {  	_ =	strace $0x8FFFFFFF  }
0x98: {  	s18 =	sld [smem:$0x3FDB];
	_ =	sdelay $0x1  }
0x99: {  	s19 =	simm.s32 $_scs_section_size  }
0x9a: {  	s4 =	simm.s32 $_size__tile_overlayer_lowered;
	s5 =	simm.s32 $_tile_overlayer_lowered  }
0x9b: {  	s22 =	simm.s32 $0x1BFF;
	s21 =	sshll.u32 s5, $0x1;
	s2 =	sadd.s32 s19, s18  }
0x9c: {  	s6 =	simm.s32 $0x0;
	s20 =	sshll.u32 s4, $0x1;
	s4 =	sadd.s32 s21, s2  }
0x9d: {  	[timem:s6], [sflag:s22] =	dma.local [hbm:s4], s20  }
0x9e: {  	_ =	swait.ge [sflag:s22], s20  }
0x9f: {  	s3 =	ssub.s32 $0x0, s20;
	[sflag:s22] =	ssyncset.done $0x0  }
0xa0: {  	[sflag:s22] =	ssyncadd.s32 s3;
	_ =	sdelay $0x1  }
0xa1: {  	s23 =	simm.s32 $0x1B8B  }
0xa2: {  	_ =	swait.ge [sflag:s23], $0x1  }
0xa3: {  	[sflag:s23] =	ssyncset.done $0x0  }
0xa4: {  	s25 =	simm.s32 $0x1B8E;
	s24 =	sld [smem:$0x3FFE];
	[sflag:s23] =	ssyncadd.s32 $0xFFFFFFFF  }
0xa5: {  	s26 =	simm.s32 $execute0_lowered;
	[smem:$0x3FD2] =	sst s25  }
0xa6: {  	s4 =	sshll.u32 s26, $0x1;
	_ =	strace $0x80000046;
	[dreg:$0x1] =	wrdreg $0xFFFFFFFF  }
0xa7: {  	s28 =	simm.s32 $_size_execute0_lowered;
	s2 =	sadd.s32 s2, s4;
	[dreg:$0x0] =	wrdreg $0x0  }
0xa8: {  	s4 =	sshll.u32 s28, $0x1;
	[dreg:$0x2] =	wrdreg s2  }
0xa9: {  	[dreg:$0x3] =	wrdreg s4  }
0xaa: {  	[dreg:$0x4] =	wrdreg $0xC0  }
0xab: {  	_ =	task [dreg:s6], $0x5FFFF  }
0xac: {  	[dreg:$0x1] =	wrdreg $0xFFFFFFFF  }
0xad: {  	[dreg:$0x0] =	wrdreg $0x60  }
0xae: {  	[dreg:$0x2] =	wrdreg s24  }
0xaf: {  	[dreg:$0x3] =	wrdreg $0x9  }
0xb0: {  	_ =	task.clear_ibuf [dreg:s6], $0x4FFFF;
	_ =	strace $0x90000046  }
0xb1: {  	s29 =	simm.s32 $0x9;
	_ =	strace $0x80000048  }
0xb2: {  	_ =	swait.ge [sflag:s29], $0x1  }
0xb3: {  	[sflag:s29] =	ssyncadd.s32 $0xFFFFFFFF  }
0xb4: {  	_ =	strace $0x90000048  }
0xb5: {  	_ =	sfence  }
0xb6: {  	s30 =	sld [smem:$0x0];
	_ =	sdelay $0x2  }
0xb7: {  	s31 =	sshll.u32 s1, $0xD;
	s1 =	sshrl.u32 s1, $0x2  }
0xb8: {  	s3 =	sand.u32 $0x4000, s31;
	s1 =	sadd.s32 s1, s30  }
0xb9: {  	s0 =	sor.u32 s3, s0;
	s1 =	sshll.u32 s1, $0x11  }
0xba: {  	s0 =	sor.u32 s1, s0  }
0xbb: {  	s0 =	sadd.s32 $0x8F2B, s0  }
0xbc: {  	[sflag:s0] =	ssyncadd.remote.s32 $0x1  }
0xbd: {  	_ =	sfence.sel $0xFFFF  }
0xbe: {  	[dreg:$0x0] =	wrdreg $0xFFFFFFFF;
	(pc) =	sbr.abs _section_cstart, $3  }
0xbf: {  	[dreg:$0x1] =	wrdreg $0xFFFFFFFF  }
0xc0: {  	_ =	task.clear_ibuf [dreg:s6], $0x2FFFF;
	_ =	strace $0x9FFFFFFF  }
0xc1: {  	(tm) =	ssettm $0x7FFFFFFF  }
tec
execute0_lowered:
.L_overlay_start_1:
0x0: {  	(tag) =	ssettag $0x1  }
0x1: {  	s0 =	rddreg [dreg:$0x0];
	s1 =	srdreg.scid  }
0x2: {  	s3 =	stileid.u32;
	s2 =	simm.s32 $0x0;
	s7 =	simm.s32 $0x5  }
0x3: {  	s8 =	simm.s32 $0x68;
	s9 =	simm.s32 $0x8000;
	s10 =	simm.s32 $0x60  }
0x4: {  	s11 =	simm.s32 $0x9A00;
	s13 =	simm.s32 $0xB200;
	s15 =	simm.s32 $0xCC00  }
0x5: {  	s16 =	simm.s32 $0x200;
	s17 =	simm.s32 $0xE400;
	s18 =	simm.s32 $0x268  }
0x6: {  	s19 =	simm.s32 $0xFE00;
	s20 =	simm.s32 $0x300;
	s21 =	simm.s32 $0x11600  }
0x7: {  	s22 =	simm.s32 $0x368;
	s23 =	simm.s32 $0x13000;
	s24 =	simm.s32 $0x1  }
0x8: {  	s25 =	simm.s32 $0x2;
	s26 =	simm.s32 $0x3;
	s28 =	simm.s32 $0x4  }
0x9: {  	s29 =	simm.s32 $0x14800;
	s1 =	sand.u32 $0x1, s1;
	s3 =	sshll.u32 s3, $0x1  }
0xa: {  	s30 =	simm.s32 $0x0;
	[smem:$0x7FF] =	sst s2;
	s3 =	sor.u32 s1, s3  }
0xb: {  	_ =	strace $0x80000047;
	s1 =	ssub.s32 $0x2, s1;
	s4 =	sshll.u32 s3, $0xC  }
0xc: {  	s5 =	sshll.u32 s3, $0xA;
	s3 =	sadd.s32 $0x20800, s0;
	s31 =	sshrl.u32 s1, $0x1  }
0xd: {  	s4 =	sadd.s32 s4, s0;
	s0 =	sadd.s32 s5, s0;
	s1 =	ssub.s32 s1, s31  }
0xe: {  	s4 =	sadd.s32 $0x800, s4;
	s5 =	sadd.s32 $0xF62C00, s0;
	s6 =	smax.u32 s1, $0x1  }
.LBB2_1:
0xf: {  	[tilespmem:s2], [sflag:$0x5] =	stream.linear.gather [hbm4b:s4+s2], $0x8000, $0x38;
	[tilespmem:$0x16800] =	vst v63  }
0x10: {  	_ =	swait.ge [sflag:s7], $0x8000  }
0x11: {  	[sflag:s7] =	ssyncset.done $0x0  }
0x12: {  	[sflag:s7] =	ssyncadd.s32 $0xFFFF8000  }
0x13: {  	[tilespmem:s9], [sflag:$0x1] =	stream.indirect.gather [hbm4b:s3+s8], $0x40, s2, s8, $0xb8;
	[tilespmem:$0x16800] =	vst v63  }
0x14: {  	_ = 	snop  }
0x15: {  	[tilespmem:s11], [sflag:$0x1] =	stream.indirect.gather [hbm4b:s3+s10], $0x40, s8, s10, $0xb8;
	[tilespmem:$0x16800] =	vst v63  }
0x16: {  	s0 =	simm.s32 $0x100  }
0x17: {  	[tilespmem:s13], [sflag:$0x2] =	stream.indirect.gather [hbm4b:s3+s8], $0x40, s0, s8, $0xb8;
	[tilespmem:$0x16800] =	vst v63  }
0x18: {  	s14 =	simm.s32 $0x168  }
0x19: {  	[tilespmem:s15], [sflag:$0x2] =	stream.indirect.gather [hbm4b:s3+s10], $0x40, s14, s10, $0xb8;
	[tilespmem:$0x16800] =	vst v63  }
0x1a: {  	_ = 	snop  }
0x1b: {  	[tilespmem:s17], [sflag:$0x3] =	stream.indirect.gather [hbm4b:s3+s8], $0x40, s16, s8, $0xb8;
	[tilespmem:$0x16800] =	vst v63  }
0x1c: {  	_ = 	snop  }
0x1d: {  	[tilespmem:s19], [sflag:$0x3] =	stream.indirect.gather [hbm4b:s3+s10], $0x40, s18, s10, $0xb8;
	[tilespmem:$0x16800] =	vst v63  }
0x1e: {  	_ = 	snop  }
0x1f: {  	[tilespmem:s21], [sflag:$0x4] =	stream.indirect.gather [hbm4b:s3+s8], $0x40, s20, s8, $0xb8;
	[tilespmem:$0x16800] =	vst v63  }
0x20: {  	s31 =	simm.s32 $0x0  }
0x21: {  	[tilespmem:s23], [sflag:$0x4] =	stream.indirect.gather [hbm4b:s3+s10], $0x40, s22, s10, $0xb8;
	[tilespmem:$0x16800] =	vst v63  }
.LBB2_2:
0x22: {  	_ =	swait.ge [sflag:s24], $0x1A00  }
0x23: {  	[sflag:s24] =	ssyncset.done $0x0  }
0x24: {  	[sflag:s24] =	ssyncadd.s32 $0xFFFFE600  }
0x25: {  	_ =	swait.ge [sflag:s24], $0x1800  }
0x26: {  	[sflag:s24] =	ssyncset.done $0x0  }
0x27: {  	s0 =	simm.s32 $0x0;
	[sflag:s24] =	ssyncadd.s32 $0xFFFFE800  }
0x28: {  	v0 =	vld [tilespmem:s0+$0x81C0]  }
0x29: {  	v1 =	vld [tilespmem:s0+$0x81D0]  }
0x2a: {  	v2 =	vld [tilespmem:s0+$0x8180]  }
0x2b: {  	v3 =	vld [tilespmem:s0+$0x8190]  }
0x2c: {  	v4 =	vld [tilespmem:s0+$0x8140]  }
0x2d: {  	v5 =	vld [tilespmem:s0+$0x8150]  }
0x2e: {  	v6 =	vld [tilespmem:s0+$0x8100]  }
0x2f: {  	v7 =	vld [tilespmem:s0+$0x8110]  }
0x30: {  	v9 =	vld [tilespmem:s0+$0x80C0]  }
0x31: {  	v8 =	vld [tilespmem:s0+$0x80D0]  }
0x32: {  	v11 =	vld [tilespmem:s0+$0x8080]  }
0x33: {  	v10 =	vld [tilespmem:s0+$0x8090]  }
0x34: {  	v17 =	vld [tilespmem:s0+$0x8040]  }
0x35: {  	v16 =	vld [tilespmem:s0+$0x8050]  }
0x36: {  	v19 =	vld [tilespmem:s0+$0x8000]  }
0x37: {  	v12 =	vimm.f32 $0.0e+00;
	v20 =	vld [tilespmem:s0+$0x8010]  }
0x38: {  	s1 =	simm.s32 $0x800;
	v15 =	vimm.f32 $0.0e+00;
	v14 =	vimm.f32 $0.0e+00;
	v13 =	vimm.f32 $0.0e+00;
	v18 =	vld [tilespmem:s0+$0x8020]  }
.LBB2_3:
0x39: {  	p0 =	sne.s32 s1, $0xC000;
	v21 =	vld [tilespmem:s0+$0x8030]  }
0x3a: {  	v22 =	vld [tilespmem:s0+$0x8060]  }
0x3b: {  	v23 =	vld [tilespmem:s0+$0x8070]  }
0x3c: {  	v24 =	vld [tilespmem:s0+$0x80A0]  }
0x3d: {  	v12 =	vadd.f32 v19, v12;
	v15 =	vadd.f32 v20, v15;
	v19 =	vld [tilespmem:s0+$0x80B0]  }
0x3e: {  	v14 =	vadd.f32 v18, v14;
	v13 =	vadd.f32 v21, v13;
	v18 =	vld [tilespmem:s0+$0x80E0]  }
0x3f: {  	v12 =	vadd.f32 v17, v12;
	v15 =	vadd.f32 v16, v15;
	v16 =	vld [tilespmem:s0+$0x80F0]  }
0x40: {  	v14 =	vadd.f32 v22, v14;
	v13 =	vadd.f32 v23, v13;
	v17 =	vld [tilespmem:s0+$0x8120]  }
0x41: {  	v11 =	vadd.f32 v11, v12;
	v10 =	vadd.f32 v10, v15;
	v12 =	vld [tilespmem:s0+$0x8130]  }
0x42: {  	v14 =	vadd.f32 v24, v14;
	v13 =	vadd.f32 v19, v13;
	v15 =	vld [tilespmem:s0+$0x8160]  }
0x43: {  	v9 =	vadd.f32 v9, v11;
	v8 =	vadd.f32 v8, v10;
	v10 =	vld [tilespmem:s0+$0x8170]  }
0x44: {  	v11 =	vadd.f32 v18, v14;
	v13 =	vadd.f32 v16, v13;
	v14 =	vld [tilespmem:s0+$0x81A0]  }
0x45: {  	v6 =	vadd.f32 v6, v9;
	v7 =	vadd.f32 v7, v8;
	v8 =	vld [tilespmem:s0+$0x81B0]  }
0x46: {  	v9 =	vadd.f32 v17, v11;
	v11 =	vadd.f32 v12, v13;
	v13 =	vld [tilespmem:s0+$0x81E0]  }
0x47: {  	v4 =	vadd.f32 v4, v6;
	v5 =	vadd.f32 v5, v7;
	v6 =	vld [tilespmem:s0+$0x81F0];
	s0 =	sshra.s32 s1, $0x2  }
0x48: {  	v9 =	vadd.f32 v15, v9;
	v7 =	vld [tilespmem:s0+$0x81C0];
	v10 =	vadd.f32 v10, v11  }
0x49: {  	v4 =	vadd.f32 v2, v4;
	v5 =	vadd.f32 v3, v5;
	v11 =	vld [tilespmem:s0+$0x81D0]  }
0x4a: {  	v9 =	vadd.f32 v14, v9;
	v2 =	vld [tilespmem:s0+$0x8180];
	v8 =	vadd.f32 v8, v10  }
0x4b: {  	v12 =	vadd.f32 v0, v4;
	v15 =	vadd.f32 v1, v5;
	v3 =	vld [tilespmem:s0+$0x8190]  }
0x4c: {  	v14 =	vadd.f32 v13, v9;
	v4 =	vld [tilespmem:s0+$0x8140];
	v13 =	vadd.f32 v6, v8  }
0x4d: {  	v5 =	vld [tilespmem:s0+$0x8150];
	v0 =	vmov v7  }
0x4e: {  	v6 =	vld [tilespmem:s0+$0x8100];
	v1 =	vmov v11  }
0x4f: {  	v7 =	vld [tilespmem:s0+$0x8110]  }
0x50: {  	v9 =	vld [tilespmem:s0+$0x80C0]  }
0x51: {  	v8 =	vld [tilespmem:s0+$0x80D0]  }
0x52: {  	v11 =	vld [tilespmem:s0+$0x8080]  }
0x53: {  	v10 =	vld [tilespmem:s0+$0x8090]  }
.Ltmp0:
0x54: {  	v17 =	vld [tilespmem:s0+$0x8040];
	(pc) =	sbr.rel @p0 .LBB2_3-.Ltmp0, $4  }
0x55: {  	v16 =	vld [tilespmem:s0+$0x8050]  }
0x56: {  	v19 =	vld [tilespmem:s0+$0x8000]  }
0x57: {  	v20 =	vld [tilespmem:s0+$0x8010]  }
0x58: {  	s1 =	sadd.s32 $0x800, s1;
	v18 =	vld [tilespmem:s0+$0x8020]  }
0x59: {  	v21 =	vld [tilespmem:s0+$0x8030]  }
0x5a: {  	v22 =	vld [tilespmem:s0+$0x8060]  }
0x5b: {  	v23 =	vld [tilespmem:s0+$0x8070];
	v12 =	vadd.f32 v19, v12  }
0x5c: {  	v19 =	vld [tilespmem:s0+$0x80A0];
	v15 =	vadd.f32 v20, v15  }
0x5d: {  	v20 =	vld [tilespmem:s0+$0x80B0];
	v14 =	vadd.f32 v18, v14;
	v12 =	vadd.f32 v17, v12  }
0x5e: {  	v17 =	vld [tilespmem:s0+$0x80E0];
	v13 =	vadd.f32 v21, v13;
	v15 =	vadd.f32 v16, v15  }
0x5f: {  	v16 =	vld [tilespmem:s0+$0x80F0];
	v14 =	vadd.f32 v22, v14;
	v11 =	vadd.f32 v11, v12  }
0x60: {  	v12 =	vadd.f32 v23, v13;
	v13 =	vld [tilespmem:s0+$0x8120];
	v10 =	vadd.f32 v10, v15  }
0x61: {  	v15 =	vld [tilespmem:s0+$0x8130];
	v14 =	vadd.f32 v19, v14;
	v9 =	vadd.f32 v9, v11  }
0x62: {  	v11 =	vadd.f32 v20, v12;
	v12 =	vld [tilespmem:s0+$0x8160];
	v8 =	vadd.f32 v8, v10  }
0x63: {  	v10 =	vld [tilespmem:s0+$0x8170];
	v14 =	vadd.f32 v17, v14;
	v6 =	vadd.f32 v6, v9  }
0x64: {  	v9 =	vadd.f32 v16, v11;
	v11 =	vld [tilespmem:s0+$0x81A0];
	v7 =	vadd.f32 v7, v8  }
0x65: {  	v8 =	vld [tilespmem:s0+$0x81B0];
	v13 =	vadd.f32 v13, v14;
	v4 =	vadd.f32 v4, v6  }
0x66: {  	v6 =	vadd.f32 v15, v9;
	v9 =	vld [tilespmem:s0+$0x81E0];
	v5 =	vadd.f32 v5, v7  }
0x67: {  	v7 =	vld [tilespmem:s0+$0x81F0];
	v12 =	vadd.f32 v12, v13;
	v2 =	vadd.f32 v2, v4  }
0x68: {  	v4 =	vadd.f32 v10, v6;
	v3 =	vadd.f32 v3, v5  }
0x69: {  	s1 =	sshll.u32 s31, $0xA;
	v5 =	vadd.f32 v11, v12;
	v0 =	vadd.f32 v0, v2  }
0x6a: {  	s0 =	sshra.s32 s1, $0x2;
	v2 =	vadd.f32 v8, v4;
	v1 =	vadd.f32 v1, v3  }
0x6b: {  	v3 =	vadd.f32 v9, v5;
	[tilespmem:s0+$0x14800] =	vst v0  }
0x6c: {  	v0 =	vadd.f32 v7, v2;
	[tilespmem:s0+$0x14810] =	vst v1  }
0x6d: {  	s1 =	sand.u32 $0x3FFFFC00, s1;
	[tilespmem:s0+$0x14820] =	vst v3  }
0x6e: {  	s12 =	sadd.s32 $0x400, s1;
	[tilespmem:s0+$0x14830] =	vst v0  }
0x6f: {  	[tilespmem:s9], [sflag:$0x1] =	stream.indirect.gather [hbm4b:s3+s8], $0x40, s12, s8, $0xb8;
	[tilespmem:$0x16800] =	vst v63  }
0x70: {  	s14 =	sadd.s32 $0x468, s1  }
0x71: {  	[tilespmem:s11], [sflag:$0x1] =	stream.indirect.gather [hbm4b:s3+s10], $0x40, s14, s10, $0xb8;
	[tilespmem:$0x16800] =	vst v63  }
0x72: {  	_ =	swait.ge [sflag:s25], $0x1A00  }
0x73: {  	[sflag:s25] =	ssyncset.done $0x0  }
0x74: {  	[sflag:s25] =	ssyncadd.s32 $0xFFFFE600  }
0x75: {  	_ =	swait.ge [sflag:s25], $0x1800  }
0x76: {  	[sflag:s25] =	ssyncset.done $0x0  }
0x77: {  	s12 =	simm.s32 $0x0;
	[sflag:s25] =	ssyncadd.s32 $0xFFFFE800  }
0x78: {  	v0 =	vld [tilespmem:s12+$0xB3C0]  }
0x79: {  	v1 =	vld [tilespmem:s12+$0xB3D0]  }
0x7a: {  	v2 =	vld [tilespmem:s12+$0xB380]  }
0x7b: {  	v3 =	vld [tilespmem:s12+$0xB390]  }
0x7c: {  	v4 =	vld [tilespmem:s12+$0xB340]  }
0x7d: {  	v5 =	vld [tilespmem:s12+$0xB350]  }
0x7e: {  	v6 =	vld [tilespmem:s12+$0xB300]  }
0x7f: {  	v7 =	vld [tilespmem:s12+$0xB310]  }
0x80: {  	v9 =	vld [tilespmem:s12+$0xB2C0]  }
0x81: {  	v8 =	vld [tilespmem:s12+$0xB2D0]  }
0x82: {  	v11 =	vld [tilespmem:s12+$0xB280]  }
0x83: {  	v10 =	vld [tilespmem:s12+$0xB290]  }
0x84: {  	v17 =	vld [tilespmem:s12+$0xB240]  }
0x85: {  	v16 =	vld [tilespmem:s12+$0xB250]  }
0x86: {  	v19 =	vld [tilespmem:s12+$0xB200]  }
0x87: {  	v14 =	vimm.f32 $0.0e+00;
	v20 =	vld [tilespmem:s12+$0xB210]  }
0x88: {  	v15 =	vimm.f32 $0.0e+00;
	v13 =	vimm.f32 $0.0e+00;
	v12 =	vimm.f32 $0.0e+00;
	s14 =	simm.s32 $0x800;
	v18 =	vld [tilespmem:s12+$0xB220]  }
.LBB2_5:
0x89: {  	p0 =	sne.s32 s14, $0xC000;
	v21 =	vld [tilespmem:s12+$0xB230]  }
0x8a: {  	v22 =	vld [tilespmem:s12+$0xB260]  }
0x8b: {  	v23 =	vld [tilespmem:s12+$0xB270]  }
0x8c: {  	v24 =	vld [tilespmem:s12+$0xB2A0]  }
0x8d: {  	v12 =	vadd.f32 v19, v12;
	v15 =	vadd.f32 v20, v15;
	v19 =	vld [tilespmem:s12+$0xB2B0]  }
0x8e: {  	v14 =	vadd.f32 v18, v14;
	v13 =	vadd.f32 v21, v13;
	v18 =	vld [tilespmem:s12+$0xB2E0]  }
0x8f: {  	v12 =	vadd.f32 v17, v12;
	v15 =	vadd.f32 v16, v15;
	v16 =	vld [tilespmem:s12+$0xB2F0]  }
0x90: {  	v14 =	vadd.f32 v22, v14;
	v13 =	vadd.f32 v23, v13;
	v17 =	vld [tilespmem:s12+$0xB320]  }
0x91: {  	v11 =	vadd.f32 v11, v12;
	v10 =	vadd.f32 v10, v15;
	v12 =	vld [tilespmem:s12+$0xB330]  }
0x92: {  	v14 =	vadd.f32 v24, v14;
	v13 =	vadd.f32 v19, v13;
	v15 =	vld [tilespmem:s12+$0xB360]  }
0x93: {  	v9 =	vadd.f32 v9, v11;
	v8 =	vadd.f32 v8, v10;
	v10 =	vld [tilespmem:s12+$0xB370]  }
0x94: {  	v11 =	vadd.f32 v18, v14;
	v13 =	vadd.f32 v16, v13;
	v14 =	vld [tilespmem:s12+$0xB3A0]  }
0x95: {  	v6 =	vadd.f32 v6, v9;
	v7 =	vadd.f32 v7, v8;
	v8 =	vld [tilespmem:s12+$0xB3B0]  }
0x96: {  	v9 =	vadd.f32 v17, v11;
	v11 =	vadd.f32 v12, v13;
	v13 =	vld [tilespmem:s12+$0xB3E0]  }
0x97: {  	v4 =	vadd.f32 v4, v6;
	v5 =	vadd.f32 v5, v7;
	v6 =	vld [tilespmem:s12+$0xB3F0];
	s12 =	sshra.s32 s14, $0x2  }
0x98: {  	v9 =	vadd.f32 v15, v9;
	v7 =	vld [tilespmem:s12+$0xB3C0];
	v10 =	vadd.f32 v10, v11  }
0x99: {  	v4 =	vadd.f32 v2, v4;
	v5 =	vadd.f32 v3, v5;
	v11 =	vld [tilespmem:s12+$0xB3D0]  }
0x9a: {  	v9 =	vadd.f32 v14, v9;
	v2 =	vld [tilespmem:s12+$0xB380];
	v8 =	vadd.f32 v8, v10  }
0x9b: {  	v12 =	vadd.f32 v0, v4;
	v15 =	vadd.f32 v1, v5;
	v3 =	vld [tilespmem:s12+$0xB390]  }
0x9c: {  	v14 =	vadd.f32 v13, v9;
	v4 =	vld [tilespmem:s12+$0xB340];
	v13 =	vadd.f32 v6, v8  }
0x9d: {  	v5 =	vld [tilespmem:s12+$0xB350];
	v0 =	vmov v7  }
0x9e: {  	v6 =	vld [tilespmem:s12+$0xB300];
	v1 =	vmov v11  }
0x9f: {  	v7 =	vld [tilespmem:s12+$0xB310]  }
0xa0: {  	v9 =	vld [tilespmem:s12+$0xB2C0]  }
0xa1: {  	v8 =	vld [tilespmem:s12+$0xB2D0]  }
0xa2: {  	v11 =	vld [tilespmem:s12+$0xB280]  }
0xa3: {  	v10 =	vld [tilespmem:s12+$0xB290]  }
.Ltmp1:
0xa4: {  	v17 =	vld [tilespmem:s12+$0xB240];
	(pc) =	sbr.rel @p0 .LBB2_5-.Ltmp1, $4  }
0xa5: {  	v16 =	vld [tilespmem:s12+$0xB250]  }
0xa6: {  	v19 =	vld [tilespmem:s12+$0xB200]  }
0xa7: {  	v20 =	vld [tilespmem:s12+$0xB210]  }
0xa8: {  	s14 =	sadd.s32 $0x800, s14;
	v18 =	vld [tilespmem:s12+$0xB220]  }
0xa9: {  	v21 =	vld [tilespmem:s12+$0xB230]  }
0xaa: {  	v22 =	vld [tilespmem:s12+$0xB260]  }
0xab: {  	v23 =	vld [tilespmem:s12+$0xB270];
	v12 =	vadd.f32 v19, v12  }
0xac: {  	v19 =	vld [tilespmem:s12+$0xB2A0];
	v15 =	vadd.f32 v20, v15  }
0xad: {  	v20 =	vld [tilespmem:s12+$0xB2B0];
	v14 =	vadd.f32 v18, v14;
	v12 =	vadd.f32 v17, v12  }
0xae: {  	v17 =	vld [tilespmem:s12+$0xB2E0];
	v13 =	vadd.f32 v21, v13;
	v15 =	vadd.f32 v16, v15  }
0xaf: {  	v16 =	vld [tilespmem:s12+$0xB2F0];
	v14 =	vadd.f32 v22, v14;
	v11 =	vadd.f32 v11, v12  }
0xb0: {  	v12 =	vadd.f32 v23, v13;
	v13 =	vld [tilespmem:s12+$0xB320];
	v10 =	vadd.f32 v10, v15  }
0xb1: {  	v15 =	vld [tilespmem:s12+$0xB330];
	v14 =	vadd.f32 v19, v14;
	v9 =	vadd.f32 v9, v11  }
0xb2: {  	v11 =	vadd.f32 v20, v12;
	v12 =	vld [tilespmem:s12+$0xB360];
	v8 =	vadd.f32 v8, v10  }
0xb3: {  	v10 =	vld [tilespmem:s12+$0xB370];
	v14 =	vadd.f32 v17, v14;
	v6 =	vadd.f32 v6, v9  }
0xb4: {  	v9 =	vadd.f32 v16, v11;
	v11 =	vld [tilespmem:s12+$0xB3A0];
	v7 =	vadd.f32 v7, v8  }
0xb5: {  	v8 =	vld [tilespmem:s12+$0xB3B0];
	v13 =	vadd.f32 v13, v14;
	v4 =	vadd.f32 v4, v6  }
0xb6: {  	v6 =	vadd.f32 v15, v9;
	v9 =	vld [tilespmem:s12+$0xB3E0];
	v5 =	vadd.f32 v5, v7  }
0xb7: {  	v7 =	vld [tilespmem:s12+$0xB3F0];
	v12 =	vadd.f32 v12, v13;
	v2 =	vadd.f32 v2, v4  }
0xb8: {  	v4 =	vadd.f32 v10, v6;
	v3 =	vadd.f32 v3, v5  }
0xb9: {  	v5 =	vadd.f32 v11, v12;
	v0 =	vadd.f32 v0, v2  }
0xba: {  	v2 =	vadd.f32 v8, v4;
	v1 =	vadd.f32 v1, v3  }
0xbb: {  	v3 =	vadd.f32 v9, v5;
	[tilespmem:s0+$0x14840] =	vst v0  }
0xbc: {  	v0 =	vadd.f32 v7, v2;
	[tilespmem:s0+$0x14850] =	vst v1  }
0xbd: {  	[tilespmem:s0+$0x14860] =	vst v3  }
0xbe: {  	s14 =	sadd.s32 $0x500, s1;
	[tilespmem:s0+$0x14870] =	vst v0  }
0xbf: {  	[tilespmem:s13], [sflag:$0x2] =	stream.indirect.gather [hbm4b:s3+s8], $0x40, s14, s8, $0xb8;
	[tilespmem:$0x16800] =	vst v63  }
0xc0: {  	s14 =	sadd.s32 $0x568, s1  }
0xc1: {  	[tilespmem:s15], [sflag:$0x2] =	stream.indirect.gather [hbm4b:s3+s10], $0x40, s14, s10, $0xb8;
	[tilespmem:$0x16800] =	vst v63  }
0xc2: {  	_ =	swait.ge [sflag:s26], $0x1A00  }
0xc3: {  	[sflag:s26] =	ssyncset.done $0x0  }
0xc4: {  	[sflag:s26] =	ssyncadd.s32 $0xFFFFE600  }
0xc5: {  	_ =	swait.ge [sflag:s26], $0x1800  }
0xc6: {  	[sflag:s26] =	ssyncset.done $0x0  }
0xc7: {  	s12 =	simm.s32 $0x0;
	[sflag:s26] =	ssyncadd.s32 $0xFFFFE800  }
0xc8: {  	v0 =	vld [tilespmem:s12+$0xE5C0]  }
0xc9: {  	v1 =	vld [tilespmem:s12+$0xE5D0]  }
0xca: {  	v2 =	vld [tilespmem:s12+$0xE580]  }
0xcb: {  	v3 =	vld [tilespmem:s12+$0xE590]  }
0xcc: {  	v4 =	vld [tilespmem:s12+$0xE540]  }
0xcd: {  	v5 =	vld [tilespmem:s12+$0xE550]  }
0xce: {  	v6 =	vld [tilespmem:s12+$0xE500]  }
0xcf: {  	v7 =	vld [tilespmem:s12+$0xE510]  }
0xd0: {  	v9 =	vld [tilespmem:s12+$0xE4C0]  }
0xd1: {  	v8 =	vld [tilespmem:s12+$0xE4D0]  }
0xd2: {  	v11 =	vld [tilespmem:s12+$0xE480]  }
0xd3: {  	v10 =	vld [tilespmem:s12+$0xE490]  }
0xd4: {  	v17 =	vld [tilespmem:s12+$0xE440]  }
0xd5: {  	v16 =	vld [tilespmem:s12+$0xE450]  }
0xd6: {  	v19 =	vld [tilespmem:s12+$0xE400]  }
0xd7: {  	v14 =	vimm.f32 $0.0e+00;
	v20 =	vld [tilespmem:s12+$0xE410]  }
0xd8: {  	v15 =	vimm.f32 $0.0e+00;
	v13 =	vimm.f32 $0.0e+00;
	v12 =	vimm.f32 $0.0e+00;
	s14 =	simm.s32 $0x800;
	v18 =	vld [tilespmem:s12+$0xE420]  }
.LBB2_7:
0xd9: {  	p0 =	sne.s32 s14, $0xC000;
	v21 =	vld [tilespmem:s12+$0xE430]  }
0xda: {  	v22 =	vld [tilespmem:s12+$0xE460]  }
0xdb: {  	v23 =	vld [tilespmem:s12+$0xE470]  }
0xdc: {  	v24 =	vld [tilespmem:s12+$0xE4A0]  }
0xdd: {  	v12 =	vadd.f32 v19, v12;
	v15 =	vadd.f32 v20, v15;
	v19 =	vld [tilespmem:s12+$0xE4B0]  }
0xde: {  	v14 =	vadd.f32 v18, v14;
	v13 =	vadd.f32 v21, v13;
	v18 =	vld [tilespmem:s12+$0xE4E0]  }
0xdf: {  	v12 =	vadd.f32 v17, v12;
	v15 =	vadd.f32 v16, v15;
	v16 =	vld [tilespmem:s12+$0xE4F0]  }
0xe0: {  	v14 =	vadd.f32 v22, v14;
	v13 =	vadd.f32 v23, v13;
	v17 =	vld [tilespmem:s12+$0xE520]  }
0xe1: {  	v11 =	vadd.f32 v11, v12;
	v10 =	vadd.f32 v10, v15;
	v12 =	vld [tilespmem:s12+$0xE530]  }
0xe2: {  	v14 =	vadd.f32 v24, v14;
	v13 =	vadd.f32 v19, v13;
	v15 =	vld [tilespmem:s12+$0xE560]  }
0xe3: {  	v9 =	vadd.f32 v9, v11;
	v8 =	vadd.f32 v8, v10;
	v10 =	vld [tilespmem:s12+$0xE570]  }
0xe4: {  	v11 =	vadd.f32 v18, v14;
	v13 =	vadd.f32 v16, v13;
	v14 =	vld [tilespmem:s12+$0xE5A0]  }
0xe5: {  	v6 =	vadd.f32 v6, v9;
	v7 =	vadd.f32 v7, v8;
	v8 =	vld [tilespmem:s12+$0xE5B0]  }
0xe6: {  	v9 =	vadd.f32 v17, v11;
	v11 =	vadd.f32 v12, v13;
	v13 =	vld [tilespmem:s12+$0xE5E0]  }
0xe7: {  	v4 =	vadd.f32 v4, v6;
	v5 =	vadd.f32 v5, v7;
	v6 =	vld [tilespmem:s12+$0xE5F0];
	s12 =	sshra.s32 s14, $0x2  }
0xe8: {  	v9 =	vadd.f32 v15, v9;
	v7 =	vld [tilespmem:s12+$0xE5C0];
	v10 =	vadd.f32 v10, v11  }
0xe9: {  	v4 =	vadd.f32 v2, v4;
	v5 =	vadd.f32 v3, v5;
	v11 =	vld [tilespmem:s12+$0xE5D0]  }
0xea: {  	v9 =	vadd.f32 v14, v9;
	v2 =	vld [tilespmem:s12+$0xE580];
	v8 =	vadd.f32 v8, v10  }
0xeb: {  	v12 =	vadd.f32 v0, v4;
	v15 =	vadd.f32 v1, v5;
	v3 =	vld [tilespmem:s12+$0xE590]  }
0xec: {  	v14 =	vadd.f32 v13, v9;
	v4 =	vld [tilespmem:s12+$0xE540];
	v13 =	vadd.f32 v6, v8  }
0xed: {  	v5 =	vld [tilespmem:s12+$0xE550];
	v0 =	vmov v7  }
0xee: {  	v6 =	vld [tilespmem:s12+$0xE500];
	v1 =	vmov v11  }
0xef: {  	v7 =	vld [tilespmem:s12+$0xE510]  }
0xf0: {  	v9 =	vld [tilespmem:s12+$0xE4C0]  }
0xf1: {  	v8 =	vld [tilespmem:s12+$0xE4D0]  }
0xf2: {  	v11 =	vld [tilespmem:s12+$0xE480]  }
0xf3: {  	v10 =	vld [tilespmem:s12+$0xE490]  }
.Ltmp2:
0xf4: {  	v17 =	vld [tilespmem:s12+$0xE440];
	(pc) =	sbr.rel @p0 .LBB2_7-.Ltmp2, $4  }
0xf5: {  	v16 =	vld [tilespmem:s12+$0xE450]  }
0xf6: {  	v19 =	vld [tilespmem:s12+$0xE400]  }
0xf7: {  	v20 =	vld [tilespmem:s12+$0xE410]  }
0xf8: {  	s14 =	sadd.s32 $0x800, s14;
	v18 =	vld [tilespmem:s12+$0xE420]  }
0xf9: {  	v21 =	vld [tilespmem:s12+$0xE430]  }
0xfa: {  	v22 =	vld [tilespmem:s12+$0xE460]  }
0xfb: {  	v23 =	vld [tilespmem:s12+$0xE470];
	v12 =	vadd.f32 v19, v12  }
0xfc: {  	v19 =	vld [tilespmem:s12+$0xE4A0];
	v15 =	vadd.f32 v20, v15  }
0xfd: {  	v20 =	vld [tilespmem:s12+$0xE4B0];
	v14 =	vadd.f32 v18, v14;
	v12 =	vadd.f32 v17, v12  }
0xfe: {  	v17 =	vld [tilespmem:s12+$0xE4E0];
	v13 =	vadd.f32 v21, v13;
	v15 =	vadd.f32 v16, v15  }
0xff: {  	v16 =	vld [tilespmem:s12+$0xE4F0];
	v14 =	vadd.f32 v22, v14;
	v11 =	vadd.f32 v11, v12  }
0x100: {  	v12 =	vadd.f32 v23, v13;
	v13 =	vld [tilespmem:s12+$0xE520];
	v10 =	vadd.f32 v10, v15  }
0x101: {  	v15 =	vld [tilespmem:s12+$0xE530];
	v14 =	vadd.f32 v19, v14;
	v9 =	vadd.f32 v9, v11  }
0x102: {  	v11 =	vadd.f32 v20, v12;
	v12 =	vld [tilespmem:s12+$0xE560];
	v8 =	vadd.f32 v8, v10  }
0x103: {  	v10 =	vld [tilespmem:s12+$0xE570];
	v14 =	vadd.f32 v17, v14;
	v6 =	vadd.f32 v6, v9  }
0x104: {  	v9 =	vadd.f32 v16, v11;
	v11 =	vld [tilespmem:s12+$0xE5A0];
	v7 =	vadd.f32 v7, v8  }
0x105: {  	v8 =	vld [tilespmem:s12+$0xE5B0];
	v13 =	vadd.f32 v13, v14;
	v4 =	vadd.f32 v4, v6  }
0x106: {  	v6 =	vadd.f32 v15, v9;
	v9 =	vld [tilespmem:s12+$0xE5E0];
	v5 =	vadd.f32 v5, v7  }
0x107: {  	v7 =	vld [tilespmem:s12+$0xE5F0];
	v12 =	vadd.f32 v12, v13;
	v2 =	vadd.f32 v2, v4  }
0x108: {  	v4 =	vadd.f32 v10, v6;
	v3 =	vadd.f32 v3, v5  }
0x109: {  	v5 =	vadd.f32 v11, v12;
	v0 =	vadd.f32 v0, v2  }
0x10a: {  	v2 =	vadd.f32 v8, v4;
	v1 =	vadd.f32 v1, v3  }
0x10b: {  	v3 =	vadd.f32 v9, v5;
	[tilespmem:s0+$0x14880] =	vst v0  }
0x10c: {  	v0 =	vadd.f32 v7, v2;
	[tilespmem:s0+$0x14890] =	vst v1  }
0x10d: {  	[tilespmem:s0+$0x148A0] =	vst v3  }
0x10e: {  	s14 =	sadd.s32 $0x600, s1;
	[tilespmem:s0+$0x148B0] =	vst v0  }
0x10f: {  	[tilespmem:s17], [sflag:$0x3] =	stream.indirect.gather [hbm4b:s3+s8], $0x40, s14, s8, $0xb8;
	[tilespmem:$0x16800] =	vst v63  }
0x110: {  	s14 =	sadd.s32 $0x668, s1  }
0x111: {  	[tilespmem:s19], [sflag:$0x3] =	stream.indirect.gather [hbm4b:s3+s10], $0x40, s14, s10, $0xb8;
	[tilespmem:$0x16800] =	vst v63  }
0x112: {  	_ =	swait.ge [sflag:s28], $0x1A00  }
0x113: {  	[sflag:s28] =	ssyncset.done $0x0  }
0x114: {  	[sflag:s28] =	ssyncadd.s32 $0xFFFFE600  }
0x115: {  	_ =	swait.ge [sflag:s28], $0x1800  }
0x116: {  	[sflag:s28] =	ssyncset.done $0x0  }
0x117: {  	s12 =	simm.s32 $0x0;
	[sflag:s28] =	ssyncadd.s32 $0xFFFFE800  }
0x118: {  	v0 =	vld [tilespmem:s12+$0x117C0]  }
0x119: {  	v1 =	vld [tilespmem:s12+$0x117D0]  }
0x11a: {  	v2 =	vld [tilespmem:s12+$0x11780]  }
0x11b: {  	v3 =	vld [tilespmem:s12+$0x11790]  }
0x11c: {  	v4 =	vld [tilespmem:s12+$0x11740]  }
0x11d: {  	v5 =	vld [tilespmem:s12+$0x11750]  }
0x11e: {  	v6 =	vld [tilespmem:s12+$0x11700]  }
0x11f: {  	v7 =	vld [tilespmem:s12+$0x11710]  }
0x120: {  	v9 =	vld [tilespmem:s12+$0x116C0]  }
0x121: {  	v8 =	vld [tilespmem:s12+$0x116D0]  }
0x122: {  	v11 =	vld [tilespmem:s12+$0x11680]  }
0x123: {  	v10 =	vld [tilespmem:s12+$0x11690]  }
0x124: {  	v17 =	vld [tilespmem:s12+$0x11640]  }
0x125: {  	v16 =	vld [tilespmem:s12+$0x11650]  }
0x126: {  	v19 =	vld [tilespmem:s12+$0x11600]  }
0x127: {  	v14 =	vimm.f32 $0.0e+00;
	v20 =	vld [tilespmem:s12+$0x11610]  }
0x128: {  	v15 =	vimm.f32 $0.0e+00;
	v13 =	vimm.f32 $0.0e+00;
	v12 =	vimm.f32 $0.0e+00;
	s14 =	simm.s32 $0x800;
	v18 =	vld [tilespmem:s12+$0x11620]  }
.LBB2_9:
0x129: {  	p0 =	sne.s32 s14, $0xC000;
	v21 =	vld [tilespmem:s12+$0x11630]  }
0x12a: {  	v22 =	vld [tilespmem:s12+$0x11660]  }
0x12b: {  	v23 =	vld [tilespmem:s12+$0x11670]  }
0x12c: {  	v24 =	vld [tilespmem:s12+$0x116A0]  }
0x12d: {  	v12 =	vadd.f32 v19, v12;
	v15 =	vadd.f32 v20, v15;
	v19 =	vld [tilespmem:s12+$0x116B0]  }
0x12e: {  	v14 =	vadd.f32 v18, v14;
	v13 =	vadd.f32 v21, v13;
	v18 =	vld [tilespmem:s12+$0x116E0]  }
0x12f: {  	v12 =	vadd.f32 v17, v12;
	v15 =	vadd.f32 v16, v15;
	v16 =	vld [tilespmem:s12+$0x116F0]  }
0x130: {  	v14 =	vadd.f32 v22, v14;
	v13 =	vadd.f32 v23, v13;
	v17 =	vld [tilespmem:s12+$0x11720]  }
0x131: {  	v11 =	vadd.f32 v11, v12;
	v10 =	vadd.f32 v10, v15;
	v12 =	vld [tilespmem:s12+$0x11730]  }
0x132: {  	v14 =	vadd.f32 v24, v14;
	v13 =	vadd.f32 v19, v13;
	v15 =	vld [tilespmem:s12+$0x11760]  }
0x133: {  	v9 =	vadd.f32 v9, v11;
	v8 =	vadd.f32 v8, v10;
	v10 =	vld [tilespmem:s12+$0x11770]  }
0x134: {  	v11 =	vadd.f32 v18, v14;
	v13 =	vadd.f32 v16, v13;
	v14 =	vld [tilespmem:s12+$0x117A0]  }
0x135: {  	v6 =	vadd.f32 v6, v9;
	v7 =	vadd.f32 v7, v8;
	v8 =	vld [tilespmem:s12+$0x117B0]  }
0x136: {  	v9 =	vadd.f32 v17, v11;
	v11 =	vadd.f32 v12, v13;
	v13 =	vld [tilespmem:s12+$0x117E0]  }
0x137: {  	v4 =	vadd.f32 v4, v6;
	v5 =	vadd.f32 v5, v7;
	v6 =	vld [tilespmem:s12+$0x117F0];
	s12 =	sshra.s32 s14, $0x2  }
0x138: {  	v9 =	vadd.f32 v15, v9;
	v7 =	vld [tilespmem:s12+$0x117C0];
	v10 =	vadd.f32 v10, v11  }
0x139: {  	v4 =	vadd.f32 v2, v4;
	v5 =	vadd.f32 v3, v5;
	v11 =	vld [tilespmem:s12+$0x117D0]  }
0x13a: {  	v9 =	vadd.f32 v14, v9;
	v2 =	vld [tilespmem:s12+$0x11780];
	v8 =	vadd.f32 v8, v10  }
0x13b: {  	v12 =	vadd.f32 v0, v4;
	v15 =	vadd.f32 v1, v5;
	v3 =	vld [tilespmem:s12+$0x11790]  }
0x13c: {  	v14 =	vadd.f32 v13, v9;
	v4 =	vld [tilespmem:s12+$0x11740];
	v13 =	vadd.f32 v6, v8  }
0x13d: {  	v5 =	vld [tilespmem:s12+$0x11750];
	v0 =	vmov v7  }
0x13e: {  	v6 =	vld [tilespmem:s12+$0x11700];
	v1 =	vmov v11  }
0x13f: {  	v7 =	vld [tilespmem:s12+$0x11710]  }
0x140: {  	v9 =	vld [tilespmem:s12+$0x116C0]  }
0x141: {  	v8 =	vld [tilespmem:s12+$0x116D0]  }
0x142: {  	v11 =	vld [tilespmem:s12+$0x11680]  }
0x143: {  	v10 =	vld [tilespmem:s12+$0x11690]  }
.Ltmp3:
0x144: {  	v17 =	vld [tilespmem:s12+$0x11640];
	(pc) =	sbr.rel @p0 .LBB2_9-.Ltmp3, $4  }
0x145: {  	v16 =	vld [tilespmem:s12+$0x11650]  }
0x146: {  	v19 =	vld [tilespmem:s12+$0x11600]  }
0x147: {  	v20 =	vld [tilespmem:s12+$0x11610]  }
0x148: {  	s14 =	sadd.s32 $0x800, s14;
	v18 =	vld [tilespmem:s12+$0x11620]  }
0x149: {  	v21 =	vld [tilespmem:s12+$0x11630]  }
0x14a: {  	v22 =	vld [tilespmem:s12+$0x11660]  }
0x14b: {  	v23 =	vld [tilespmem:s12+$0x11670];
	v12 =	vadd.f32 v19, v12  }
0x14c: {  	v43 =	vld [tilespmem:s12+$0x116A0];
	v15 =	vadd.f32 v20, v15  }
0x14d: {  	v44 =	vld [tilespmem:s12+$0x116B0];
	v14 =	vadd.f32 v18, v14;
	v12 =	vadd.f32 v17, v12  }
0x14e: {  	v45 =	vld [tilespmem:s12+$0x116E0];
	v13 =	vadd.f32 v21, v13;
	v15 =	vadd.f32 v16, v15  }
0x14f: {  	v46 =	vld [tilespmem:s12+$0x116F0];
	v14 =	vadd.f32 v22, v14;
	v11 =	vadd.f32 v11, v12  }
0x150: {  	v48 =	vld [tilespmem:s12+$0x11720];
	v47 =	vadd.f32 v23, v13;
	v10 =	vadd.f32 v10, v15  }
0x151: {  	v49 =	vld [tilespmem:s12+$0x11730];
	v14 =	vadd.f32 v43, v14;
	v9 =	vadd.f32 v9, v11  }
0x152: {  	v51 =	vld [tilespmem:s12+$0x11760];
	v50 =	vadd.f32 v44, v47;
	v8 =	vadd.f32 v8, v10  }
0x153: {  	v52 =	vld [tilespmem:s12+$0x11770];
	v14 =	vadd.f32 v45, v14;
	v6 =	vadd.f32 v6, v9  }
0x154: {  	v54 =	vld [tilespmem:s12+$0x117A0];
	v53 =	vadd.f32 v46, v50;
	v7 =	vadd.f32 v7, v8  }
0x155: {  	v55 =	vld [tilespmem:s12+$0x117B0];
	v13 =	vadd.f32 v48, v14;
	v4 =	vadd.f32 v4, v6  }
0x156: {  	v57 =	vld [tilespmem:s12+$0x117E0];
	v56 =	vadd.f32 v49, v53;
	v5 =	vadd.f32 v5, v7  }
0x157: {  	v58 =	vld [tilespmem:s12+$0x117F0];
	v12 =	vadd.f32 v51, v13;
	v2 =	vadd.f32 v2, v4  }
0x158: {  	v59 =	vadd.f32 v52, v56;
	v3 =	vadd.f32 v3, v5  }
0x159: {  	v60 =	vadd.f32 v54, v12;
	v0 =	vadd.f32 v0, v2  }
0x15a: {  	v61 =	vadd.f32 v55, v59;
	v1 =	vadd.f32 v1, v3  }
0x15b: {  	s31 =	sadd.s32 $0x1, s31;
	v62 =	vadd.f32 v57, v60;
	[tilespmem:s0+$0x148C0] =	vst v0  }
0x15c: {  	p0 =	sne.s32 s31, $0x1F;
	v63 =	vadd.f32 v58, v61;
	[tilespmem:s0+$0x148D0] =	vst v1  }
.Ltmp4:
0x15d: {  	[tilespmem:s0+$0x148E0] =	vst v62;
	(pc) =	sbr.rel @p0 .LBB2_2-.Ltmp4, $4  }
0x15e: {  	s12 =	sadd.s32 $0x700, s1;
	[tilespmem:s0+$0x148F0] =	vst v63  }
0x15f: {  	[tilespmem:s21], [sflag:$0x4] =	stream.indirect.gather [hbm4b:s3+s8], $0x40, s12, s8, $0xb8;
	[tilespmem:$0x16800] =	vst v63  }
0x160: {  	s14 =	sadd.s32 $0x768, s1  }
0x161: {  	[tilespmem:s23], [sflag:$0x4] =	stream.indirect.gather [hbm4b:s3+s10], $0x40, s14, s10, $0xb8;
	[tilespmem:$0x16800] =	vst v63  }
0x162: {  	_ =	swait.ge [sflag:s24], $0x1A00  }
0x163: {  	[sflag:s24] =	ssyncset.done $0x0  }
0x164: {  	[sflag:s24] =	ssyncadd.s32 $0xFFFFE600  }
0x165: {  	_ =	swait.ge [sflag:s24], $0x1800  }
0x166: {  	[sflag:s24] =	ssyncset.done $0x0  }
0x167: {  	s0 =	simm.s32 $0x0;
	[sflag:s24] =	ssyncadd.s32 $0xFFFFE800  }
0x168: {  	v0 =	vld [tilespmem:s0+$0x81C0]  }
0x169: {  	v1 =	vld [tilespmem:s0+$0x81D0]  }
0x16a: {  	v2 =	vld [tilespmem:s0+$0x8180]  }
0x16b: {  	v3 =	vld [tilespmem:s0+$0x8190]  }
0x16c: {  	v4 =	vld [tilespmem:s0+$0x8140]  }
0x16d: {  	v5 =	vld [tilespmem:s0+$0x8150]  }
0x16e: {  	v6 =	vld [tilespmem:s0+$0x8100]  }
0x16f: {  	v7 =	vld [tilespmem:s0+$0x8110]  }
0x170: {  	v9 =	vld [tilespmem:s0+$0x80C0]  }
0x171: {  	v8 =	vld [tilespmem:s0+$0x80D0]  }
0x172: {  	v11 =	vld [tilespmem:s0+$0x8080]  }
0x173: {  	v10 =	vld [tilespmem:s0+$0x8090]  }
0x174: {  	v17 =	vld [tilespmem:s0+$0x8040]  }
0x175: {  	v16 =	vld [tilespmem:s0+$0x8050]  }
0x176: {  	v19 =	vld [tilespmem:s0+$0x8000]  }
0x177: {  	v12 =	vimm.f32 $0.0e+00;
	v20 =	vld [tilespmem:s0+$0x8010]  }
0x178: {  	s1 =	simm.s32 $0x800;
	v15 =	vimm.f32 $0.0e+00;
	v14 =	vimm.f32 $0.0e+00;
	v13 =	vimm.f32 $0.0e+00;
	v18 =	vld [tilespmem:s0+$0x8020]  }
.LBB2_12:
0x179: {  	p0 =	sne.s32 s1, $0xC000;
	v21 =	vld [tilespmem:s0+$0x8030]  }
0x17a: {  	v22 =	vld [tilespmem:s0+$0x8060]  }
0x17b: {  	v23 =	vld [tilespmem:s0+$0x8070]  }
0x17c: {  	v24 =	vld [tilespmem:s0+$0x80A0]  }
0x17d: {  	v12 =	vadd.f32 v19, v12;
	v15 =	vadd.f32 v20, v15;
	v19 =	vld [tilespmem:s0+$0x80B0]  }
0x17e: {  	v14 =	vadd.f32 v18, v14;
	v13 =	vadd.f32 v21, v13;
	v18 =	vld [tilespmem:s0+$0x80E0]  }
0x17f: {  	v12 =	vadd.f32 v17, v12;
	v15 =	vadd.f32 v16, v15;
	v16 =	vld [tilespmem:s0+$0x80F0]  }
0x180: {  	v14 =	vadd.f32 v22, v14;
	v13 =	vadd.f32 v23, v13;
	v17 =	vld [tilespmem:s0+$0x8120]  }
0x181: {  	v11 =	vadd.f32 v11, v12;
	v10 =	vadd.f32 v10, v15;
	v12 =	vld [tilespmem:s0+$0x8130]  }
0x182: {  	v14 =	vadd.f32 v24, v14;
	v13 =	vadd.f32 v19, v13;
	v15 =	vld [tilespmem:s0+$0x8160]  }
0x183: {  	v9 =	vadd.f32 v9, v11;
	v8 =	vadd.f32 v8, v10;
	v10 =	vld [tilespmem:s0+$0x8170]  }
0x184: {  	v11 =	vadd.f32 v18, v14;
	v13 =	vadd.f32 v16, v13;
	v14 =	vld [tilespmem:s0+$0x81A0]  }
0x185: {  	v6 =	vadd.f32 v6, v9;
	v7 =	vadd.f32 v7, v8;
	v8 =	vld [tilespmem:s0+$0x81B0]  }
0x186: {  	v9 =	vadd.f32 v17, v11;
	v11 =	vadd.f32 v12, v13;
	v13 =	vld [tilespmem:s0+$0x81E0]  }
0x187: {  	v4 =	vadd.f32 v4, v6;
	v5 =	vadd.f32 v5, v7;
	v6 =	vld [tilespmem:s0+$0x81F0];
	s0 =	sshra.s32 s1, $0x2  }
0x188: {  	v9 =	vadd.f32 v15, v9;
	v7 =	vld [tilespmem:s0+$0x81C0];
	v10 =	vadd.f32 v10, v11  }
0x189: {  	v4 =	vadd.f32 v2, v4;
	v5 =	vadd.f32 v3, v5;
	v11 =	vld [tilespmem:s0+$0x81D0]  }
0x18a: {  	v9 =	vadd.f32 v14, v9;
	v2 =	vld [tilespmem:s0+$0x8180];
	v8 =	vadd.f32 v8, v10  }
0x18b: {  	v12 =	vadd.f32 v0, v4;
	v15 =	vadd.f32 v1, v5;
	v3 =	vld [tilespmem:s0+$0x8190]  }
0x18c: {  	v14 =	vadd.f32 v13, v9;
	v4 =	vld [tilespmem:s0+$0x8140];
	v13 =	vadd.f32 v6, v8  }
0x18d: {  	v5 =	vld [tilespmem:s0+$0x8150];
	v0 =	vmov v7  }
0x18e: {  	v6 =	vld [tilespmem:s0+$0x8100];
	v1 =	vmov v11  }
0x18f: {  	v7 =	vld [tilespmem:s0+$0x8110]  }
0x190: {  	v9 =	vld [tilespmem:s0+$0x80C0]  }
0x191: {  	v8 =	vld [tilespmem:s0+$0x80D0]  }
0x192: {  	v11 =	vld [tilespmem:s0+$0x8080]  }
0x193: {  	v10 =	vld [tilespmem:s0+$0x8090]  }
.Ltmp5:
0x194: {  	v17 =	vld [tilespmem:s0+$0x8040];
	(pc) =	sbr.rel @p0 .LBB2_12-.Ltmp5, $4  }
0x195: {  	v16 =	vld [tilespmem:s0+$0x8050]  }
0x196: {  	v19 =	vld [tilespmem:s0+$0x8000]  }
0x197: {  	v20 =	vld [tilespmem:s0+$0x8010]  }
0x198: {  	s1 =	sadd.s32 $0x800, s1;
	v18 =	vld [tilespmem:s0+$0x8020]  }
0x199: {  	v21 =	vld [tilespmem:s0+$0x8030]  }
0x19a: {  	v22 =	vld [tilespmem:s0+$0x8060]  }
0x19b: {  	v23 =	vld [tilespmem:s0+$0x8070];
	v12 =	vadd.f32 v19, v12  }
0x19c: {  	v19 =	vld [tilespmem:s0+$0x80A0];
	v15 =	vadd.f32 v20, v15  }
0x19d: {  	v20 =	vld [tilespmem:s0+$0x80B0];
	v14 =	vadd.f32 v18, v14;
	v12 =	vadd.f32 v17, v12  }
0x19e: {  	v17 =	vld [tilespmem:s0+$0x80E0];
	v13 =	vadd.f32 v21, v13;
	v15 =	vadd.f32 v16, v15  }
0x19f: {  	v16 =	vld [tilespmem:s0+$0x80F0];
	v14 =	vadd.f32 v22, v14;
	v11 =	vadd.f32 v11, v12  }
0x1a0: {  	v12 =	vadd.f32 v23, v13;
	v13 =	vld [tilespmem:s0+$0x8120];
	v10 =	vadd.f32 v10, v15  }
0x1a1: {  	v15 =	vld [tilespmem:s0+$0x8130];
	v14 =	vadd.f32 v19, v14;
	v9 =	vadd.f32 v9, v11  }
0x1a2: {  	v11 =	vadd.f32 v20, v12;
	v12 =	vld [tilespmem:s0+$0x8160];
	v8 =	vadd.f32 v8, v10  }
0x1a3: {  	v10 =	vld [tilespmem:s0+$0x8170];
	v14 =	vadd.f32 v17, v14;
	v6 =	vadd.f32 v6, v9  }
0x1a4: {  	v9 =	vadd.f32 v16, v11;
	v11 =	vld [tilespmem:s0+$0x81A0];
	v7 =	vadd.f32 v7, v8  }
0x1a5: {  	v8 =	vld [tilespmem:s0+$0x81B0];
	v13 =	vadd.f32 v13, v14;
	v4 =	vadd.f32 v4, v6  }
0x1a6: {  	v6 =	vadd.f32 v15, v9;
	v9 =	vld [tilespmem:s0+$0x81E0];
	v5 =	vadd.f32 v5, v7  }
0x1a7: {  	v7 =	vld [tilespmem:s0+$0x81F0];
	v12 =	vadd.f32 v12, v13;
	v2 =	vadd.f32 v2, v4  }
0x1a8: {  	v4 =	vadd.f32 v10, v6;
	v3 =	vadd.f32 v3, v5  }
0x1a9: {  	v5 =	vadd.f32 v11, v12;
	v0 =	vadd.f32 v0, v2  }
0x1aa: {  	v2 =	vadd.f32 v8, v4;
	v1 =	vadd.f32 v1, v3  }
0x1ab: {  	v3 =	vadd.f32 v9, v5;
	[tilespmem:$0x16700] =	vst v0  }
0x1ac: {  	v0 =	vadd.f32 v7, v2;
	[tilespmem:$0x16710] =	vst v1  }
0x1ad: {  	[tilespmem:$0x16720] =	vst v3  }
0x1ae: {  	[tilespmem:$0x16730] =	vst v0  }
0x1af: {  	_ =	swait.ge [sflag:s25], $0x1A00  }
0x1b0: {  	[sflag:s25] =	ssyncset.done $0x0  }
0x1b1: {  	[sflag:s25] =	ssyncadd.s32 $0xFFFFE600  }
0x1b2: {  	_ =	swait.ge [sflag:s25], $0x1800  }
0x1b3: {  	[sflag:s25] =	ssyncset.done $0x0  }
0x1b4: {  	s0 =	simm.s32 $0x0;
	[sflag:s25] =	ssyncadd.s32 $0xFFFFE800  }
0x1b5: {  	v0 =	vld [tilespmem:s0+$0xB3C0]  }
0x1b6: {  	v1 =	vld [tilespmem:s0+$0xB3D0]  }
0x1b7: {  	v2 =	vld [tilespmem:s0+$0xB380]  }
0x1b8: {  	v3 =	vld [tilespmem:s0+$0xB390]  }
0x1b9: {  	v4 =	vld [tilespmem:s0+$0xB340]  }
0x1ba: {  	v5 =	vld [tilespmem:s0+$0xB350]  }
0x1bb: {  	v6 =	vld [tilespmem:s0+$0xB300]  }
0x1bc: {  	v7 =	vld [tilespmem:s0+$0xB310]  }
0x1bd: {  	v9 =	vld [tilespmem:s0+$0xB2C0]  }
0x1be: {  	v8 =	vld [tilespmem:s0+$0xB2D0]  }
0x1bf: {  	v11 =	vld [tilespmem:s0+$0xB280]  }
0x1c0: {  	v10 =	vld [tilespmem:s0+$0xB290]  }
0x1c1: {  	v17 =	vld [tilespmem:s0+$0xB240]  }
0x1c2: {  	v16 =	vld [tilespmem:s0+$0xB250]  }
0x1c3: {  	v19 =	vld [tilespmem:s0+$0xB200]  }
0x1c4: {  	v14 =	vimm.f32 $0.0e+00;
	v20 =	vld [tilespmem:s0+$0xB210]  }
0x1c5: {  	s1 =	simm.s32 $0x800;
	v15 =	vimm.f32 $0.0e+00;
	v13 =	vimm.f32 $0.0e+00;
	v12 =	vimm.f32 $0.0e+00;
	v18 =	vld [tilespmem:s0+$0xB220]  }
.LBB2_14:
0x1c6: {  	p0 =	sne.s32 s1, $0xC000;
	v21 =	vld [tilespmem:s0+$0xB230]  }
0x1c7: {  	v22 =	vld [tilespmem:s0+$0xB260]  }
0x1c8: {  	v23 =	vld [tilespmem:s0+$0xB270]  }
0x1c9: {  	v24 =	vld [tilespmem:s0+$0xB2A0]  }
0x1ca: {  	v12 =	vadd.f32 v19, v12;
	v15 =	vadd.f32 v20, v15;
	v19 =	vld [tilespmem:s0+$0xB2B0]  }
0x1cb: {  	v14 =	vadd.f32 v18, v14;
	v13 =	vadd.f32 v21, v13;
	v18 =	vld [tilespmem:s0+$0xB2E0]  }
0x1cc: {  	v12 =	vadd.f32 v17, v12;
	v15 =	vadd.f32 v16, v15;
	v16 =	vld [tilespmem:s0+$0xB2F0]  }
0x1cd: {  	v14 =	vadd.f32 v22, v14;
	v13 =	vadd.f32 v23, v13;
	v17 =	vld [tilespmem:s0+$0xB320]  }
0x1ce: {  	v11 =	vadd.f32 v11, v12;
	v10 =	vadd.f32 v10, v15;
	v12 =	vld [tilespmem:s0+$0xB330]  }
0x1cf: {  	v14 =	vadd.f32 v24, v14;
	v13 =	vadd.f32 v19, v13;
	v15 =	vld [tilespmem:s0+$0xB360]  }
0x1d0: {  	v9 =	vadd.f32 v9, v11;
	v8 =	vadd.f32 v8, v10;
	v10 =	vld [tilespmem:s0+$0xB370]  }
0x1d1: {  	v11 =	vadd.f32 v18, v14;
	v13 =	vadd.f32 v16, v13;
	v14 =	vld [tilespmem:s0+$0xB3A0]  }
0x1d2: {  	v6 =	vadd.f32 v6, v9;
	v7 =	vadd.f32 v7, v8;
	v8 =	vld [tilespmem:s0+$0xB3B0]  }
0x1d3: {  	v9 =	vadd.f32 v17, v11;
	v11 =	vadd.f32 v12, v13;
	v13 =	vld [tilespmem:s0+$0xB3E0]  }
0x1d4: {  	v4 =	vadd.f32 v4, v6;
	v5 =	vadd.f32 v5, v7;
	v6 =	vld [tilespmem:s0+$0xB3F0];
	s0 =	sshra.s32 s1, $0x2  }
0x1d5: {  	v9 =	vadd.f32 v15, v9;
	v7 =	vld [tilespmem:s0+$0xB3C0];
	v10 =	vadd.f32 v10, v11  }
0x1d6: {  	v4 =	vadd.f32 v2, v4;
	v5 =	vadd.f32 v3, v5;
	v11 =	vld [tilespmem:s0+$0xB3D0]  }
0x1d7: {  	v9 =	vadd.f32 v14, v9;
	v2 =	vld [tilespmem:s0+$0xB380];
	v8 =	vadd.f32 v8, v10  }
0x1d8: {  	v12 =	vadd.f32 v0, v4;
	v15 =	vadd.f32 v1, v5;
	v3 =	vld [tilespmem:s0+$0xB390]  }
0x1d9: {  	v14 =	vadd.f32 v13, v9;
	v4 =	vld [tilespmem:s0+$0xB340];
	v13 =	vadd.f32 v6, v8  }
0x1da: {  	v5 =	vld [tilespmem:s0+$0xB350];
	v0 =	vmov v7  }
0x1db: {  	v6 =	vld [tilespmem:s0+$0xB300];
	v1 =	vmov v11  }
0x1dc: {  	v7 =	vld [tilespmem:s0+$0xB310]  }
0x1dd: {  	v9 =	vld [tilespmem:s0+$0xB2C0]  }
0x1de: {  	v8 =	vld [tilespmem:s0+$0xB2D0]  }
0x1df: {  	v11 =	vld [tilespmem:s0+$0xB280]  }
0x1e0: {  	v10 =	vld [tilespmem:s0+$0xB290]  }
.Ltmp6:
0x1e1: {  	v17 =	vld [tilespmem:s0+$0xB240];
	(pc) =	sbr.rel @p0 .LBB2_14-.Ltmp6, $4  }
0x1e2: {  	v16 =	vld [tilespmem:s0+$0xB250]  }
0x1e3: {  	v19 =	vld [tilespmem:s0+$0xB200]  }
0x1e4: {  	v20 =	vld [tilespmem:s0+$0xB210]  }
0x1e5: {  	s1 =	sadd.s32 $0x800, s1;
	v18 =	vld [tilespmem:s0+$0xB220]  }
0x1e6: {  	v21 =	vld [tilespmem:s0+$0xB230]  }
0x1e7: {  	v22 =	vld [tilespmem:s0+$0xB260]  }
0x1e8: {  	v23 =	vld [tilespmem:s0+$0xB270];
	v12 =	vadd.f32 v19, v12  }
0x1e9: {  	v19 =	vld [tilespmem:s0+$0xB2A0];
	v15 =	vadd.f32 v20, v15  }
0x1ea: {  	v20 =	vld [tilespmem:s0+$0xB2B0];
	v14 =	vadd.f32 v18, v14;
	v12 =	vadd.f32 v17, v12  }
0x1eb: {  	v17 =	vld [tilespmem:s0+$0xB2E0];
	v13 =	vadd.f32 v21, v13;
	v15 =	vadd.f32 v16, v15  }
0x1ec: {  	v16 =	vld [tilespmem:s0+$0xB2F0];
	v14 =	vadd.f32 v22, v14;
	v11 =	vadd.f32 v11, v12  }
0x1ed: {  	v12 =	vadd.f32 v23, v13;
	v13 =	vld [tilespmem:s0+$0xB320];
	v10 =	vadd.f32 v10, v15  }
0x1ee: {  	v15 =	vld [tilespmem:s0+$0xB330];
	v14 =	vadd.f32 v19, v14;
	v9 =	vadd.f32 v9, v11  }
0x1ef: {  	v11 =	vadd.f32 v20, v12;
	v12 =	vld [tilespmem:s0+$0xB360];
	v8 =	vadd.f32 v8, v10  }
0x1f0: {  	v10 =	vld [tilespmem:s0+$0xB370];
	v14 =	vadd.f32 v17, v14;
	v6 =	vadd.f32 v6, v9  }
0x1f1: {  	v9 =	vadd.f32 v16, v11;
	v11 =	vld [tilespmem:s0+$0xB3A0];
	v7 =	vadd.f32 v7, v8  }
0x1f2: {  	v8 =	vld [tilespmem:s0+$0xB3B0];
	v13 =	vadd.f32 v13, v14;
	v4 =	vadd.f32 v4, v6  }
0x1f3: {  	v6 =	vadd.f32 v15, v9;
	v9 =	vld [tilespmem:s0+$0xB3E0];
	v5 =	vadd.f32 v5, v7  }
0x1f4: {  	v7 =	vld [tilespmem:s0+$0xB3F0];
	v12 =	vadd.f32 v12, v13;
	v2 =	vadd.f32 v2, v4  }
0x1f5: {  	v4 =	vadd.f32 v10, v6;
	v3 =	vadd.f32 v3, v5  }
0x1f6: {  	v5 =	vadd.f32 v11, v12;
	v0 =	vadd.f32 v0, v2  }
0x1f7: {  	v2 =	vadd.f32 v8, v4;
	v1 =	vadd.f32 v1, v3  }
0x1f8: {  	v3 =	vadd.f32 v9, v5;
	[tilespmem:$0x16740] =	vst v0  }
0x1f9: {  	v0 =	vadd.f32 v7, v2;
	[tilespmem:$0x16750] =	vst v1  }
0x1fa: {  	[tilespmem:$0x16760] =	vst v3  }
0x1fb: {  	[tilespmem:$0x16770] =	vst v0  }
0x1fc: {  	_ =	swait.ge [sflag:s26], $0x1A00  }
0x1fd: {  	[sflag:s26] =	ssyncset.done $0x0  }
0x1fe: {  	[sflag:s26] =	ssyncadd.s32 $0xFFFFE600  }
0x1ff: {  	_ =	swait.ge [sflag:s26], $0x1800  }
0x200: {  	[sflag:s26] =	ssyncset.done $0x0  }
0x201: {  	s0 =	simm.s32 $0x0;
	[sflag:s26] =	ssyncadd.s32 $0xFFFFE800  }
0x202: {  	v0 =	vld [tilespmem:s0+$0xE5C0]  }
0x203: {  	v1 =	vld [tilespmem:s0+$0xE5D0]  }
0x204: {  	v2 =	vld [tilespmem:s0+$0xE580]  }
0x205: {  	v3 =	vld [tilespmem:s0+$0xE590]  }
0x206: {  	v4 =	vld [tilespmem:s0+$0xE540]  }
0x207: {  	v5 =	vld [tilespmem:s0+$0xE550]  }
0x208: {  	v6 =	vld [tilespmem:s0+$0xE500]  }
0x209: {  	v7 =	vld [tilespmem:s0+$0xE510]  }
0x20a: {  	v9 =	vld [tilespmem:s0+$0xE4C0]  }
0x20b: {  	v8 =	vld [tilespmem:s0+$0xE4D0]  }
0x20c: {  	v11 =	vld [tilespmem:s0+$0xE480]  }
0x20d: {  	v10 =	vld [tilespmem:s0+$0xE490]  }
0x20e: {  	v17 =	vld [tilespmem:s0+$0xE440]  }
0x20f: {  	v16 =	vld [tilespmem:s0+$0xE450]  }
0x210: {  	v19 =	vld [tilespmem:s0+$0xE400]  }
0x211: {  	v14 =	vimm.f32 $0.0e+00;
	v20 =	vld [tilespmem:s0+$0xE410]  }
0x212: {  	s1 =	simm.s32 $0x800;
	v15 =	vimm.f32 $0.0e+00;
	v13 =	vimm.f32 $0.0e+00;
	v12 =	vimm.f32 $0.0e+00;
	v18 =	vld [tilespmem:s0+$0xE420]  }
.LBB2_16:
0x213: {  	p0 =	sne.s32 s1, $0xC000;
	v21 =	vld [tilespmem:s0+$0xE430]  }
0x214: {  	v22 =	vld [tilespmem:s0+$0xE460]  }
0x215: {  	v23 =	vld [tilespmem:s0+$0xE470]  }
0x216: {  	v24 =	vld [tilespmem:s0+$0xE4A0]  }
0x217: {  	v12 =	vadd.f32 v19, v12;
	v15 =	vadd.f32 v20, v15;
	v19 =	vld [tilespmem:s0+$0xE4B0]  }
0x218: {  	v14 =	vadd.f32 v18, v14;
	v13 =	vadd.f32 v21, v13;
	v18 =	vld [tilespmem:s0+$0xE4E0]  }
0x219: {  	v12 =	vadd.f32 v17, v12;
	v15 =	vadd.f32 v16, v15;
	v16 =	vld [tilespmem:s0+$0xE4F0]  }
0x21a: {  	v14 =	vadd.f32 v22, v14;
	v13 =	vadd.f32 v23, v13;
	v17 =	vld [tilespmem:s0+$0xE520]  }
0x21b: {  	v11 =	vadd.f32 v11, v12;
	v10 =	vadd.f32 v10, v15;
	v12 =	vld [tilespmem:s0+$0xE530]  }
0x21c: {  	v14 =	vadd.f32 v24, v14;
	v13 =	vadd.f32 v19, v13;
	v15 =	vld [tilespmem:s0+$0xE560]  }
0x21d: {  	v9 =	vadd.f32 v9, v11;
	v8 =	vadd.f32 v8, v10;
	v10 =	vld [tilespmem:s0+$0xE570]  }
0x21e: {  	v11 =	vadd.f32 v18, v14;
	v13 =	vadd.f32 v16, v13;
	v14 =	vld [tilespmem:s0+$0xE5A0]  }
0x21f: {  	v6 =	vadd.f32 v6, v9;
	v7 =	vadd.f32 v7, v8;
	v8 =	vld [tilespmem:s0+$0xE5B0]  }
0x220: {  	v9 =	vadd.f32 v17, v11;
	v11 =	vadd.f32 v12, v13;
	v13 =	vld [tilespmem:s0+$0xE5E0]  }
0x221: {  	v4 =	vadd.f32 v4, v6;
	v5 =	vadd.f32 v5, v7;
	v6 =	vld [tilespmem:s0+$0xE5F0];
	s0 =	sshra.s32 s1, $0x2  }
0x222: {  	v9 =	vadd.f32 v15, v9;
	v7 =	vld [tilespmem:s0+$0xE5C0];
	v10 =	vadd.f32 v10, v11  }
0x223: {  	v4 =	vadd.f32 v2, v4;
	v5 =	vadd.f32 v3, v5;
	v11 =	vld [tilespmem:s0+$0xE5D0]  }
0x224: {  	v9 =	vadd.f32 v14, v9;
	v2 =	vld [tilespmem:s0+$0xE580];
	v8 =	vadd.f32 v8, v10  }
0x225: {  	v12 =	vadd.f32 v0, v4;
	v15 =	vadd.f32 v1, v5;
	v3 =	vld [tilespmem:s0+$0xE590]  }
0x226: {  	v14 =	vadd.f32 v13, v9;
	v4 =	vld [tilespmem:s0+$0xE540];
	v13 =	vadd.f32 v6, v8  }
0x227: {  	v5 =	vld [tilespmem:s0+$0xE550];
	v0 =	vmov v7  }
0x228: {  	v6 =	vld [tilespmem:s0+$0xE500];
	v1 =	vmov v11  }
0x229: {  	v7 =	vld [tilespmem:s0+$0xE510]  }
0x22a: {  	v9 =	vld [tilespmem:s0+$0xE4C0]  }
0x22b: {  	v8 =	vld [tilespmem:s0+$0xE4D0]  }
0x22c: {  	v11 =	vld [tilespmem:s0+$0xE480]  }
0x22d: {  	v10 =	vld [tilespmem:s0+$0xE490]  }
.Ltmp7:
0x22e: {  	v17 =	vld [tilespmem:s0+$0xE440];
	(pc) =	sbr.rel @p0 .LBB2_16-.Ltmp7, $4  }
0x22f: {  	v16 =	vld [tilespmem:s0+$0xE450]  }
0x230: {  	v19 =	vld [tilespmem:s0+$0xE400]  }
0x231: {  	v20 =	vld [tilespmem:s0+$0xE410]  }
0x232: {  	s1 =	sadd.s32 $0x800, s1;
	v18 =	vld [tilespmem:s0+$0xE420]  }
0x233: {  	v21 =	vld [tilespmem:s0+$0xE430]  }
0x234: {  	v22 =	vld [tilespmem:s0+$0xE460]  }
0x235: {  	v23 =	vld [tilespmem:s0+$0xE470];
	v12 =	vadd.f32 v19, v12  }
0x236: {  	v19 =	vld [tilespmem:s0+$0xE4A0];
	v15 =	vadd.f32 v20, v15  }
0x237: {  	v20 =	vld [tilespmem:s0+$0xE4B0];
	v14 =	vadd.f32 v18, v14;
	v12 =	vadd.f32 v17, v12  }
0x238: {  	v17 =	vld [tilespmem:s0+$0xE4E0];
	v13 =	vadd.f32 v21, v13;
	v15 =	vadd.f32 v16, v15  }
0x239: {  	v16 =	vld [tilespmem:s0+$0xE4F0];
	v14 =	vadd.f32 v22, v14;
	v11 =	vadd.f32 v11, v12  }
0x23a: {  	v12 =	vadd.f32 v23, v13;
	v13 =	vld [tilespmem:s0+$0xE520];
	v10 =	vadd.f32 v10, v15  }
0x23b: {  	v15 =	vld [tilespmem:s0+$0xE530];
	v14 =	vadd.f32 v19, v14;
	v9 =	vadd.f32 v9, v11  }
0x23c: {  	v11 =	vadd.f32 v20, v12;
	v12 =	vld [tilespmem:s0+$0xE560];
	v8 =	vadd.f32 v8, v10  }
0x23d: {  	v10 =	vld [tilespmem:s0+$0xE570];
	v14 =	vadd.f32 v17, v14;
	v6 =	vadd.f32 v6, v9  }
0x23e: {  	v9 =	vadd.f32 v16, v11;
	v11 =	vld [tilespmem:s0+$0xE5A0];
	v7 =	vadd.f32 v7, v8  }
0x23f: {  	v8 =	vld [tilespmem:s0+$0xE5B0];
	v13 =	vadd.f32 v13, v14;
	v4 =	vadd.f32 v4, v6  }
0x240: {  	v6 =	vadd.f32 v15, v9;
	v9 =	vld [tilespmem:s0+$0xE5E0];
	v5 =	vadd.f32 v5, v7  }
0x241: {  	v7 =	vld [tilespmem:s0+$0xE5F0];
	v12 =	vadd.f32 v12, v13;
	v2 =	vadd.f32 v2, v4  }
0x242: {  	v4 =	vadd.f32 v10, v6;
	v3 =	vadd.f32 v3, v5  }
0x243: {  	v5 =	vadd.f32 v11, v12;
	v0 =	vadd.f32 v0, v2  }
0x244: {  	v2 =	vadd.f32 v8, v4;
	v1 =	vadd.f32 v1, v3  }
0x245: {  	v3 =	vadd.f32 v9, v5;
	[tilespmem:$0x16780] =	vst v0  }
0x246: {  	v0 =	vadd.f32 v7, v2;
	[tilespmem:$0x16790] =	vst v1  }
0x247: {  	[tilespmem:$0x167A0] =	vst v3  }
0x248: {  	[tilespmem:$0x167B0] =	vst v0  }
0x249: {  	_ =	swait.ge [sflag:s28], $0x1A00  }
0x24a: {  	[sflag:s28] =	ssyncset.done $0x0  }
0x24b: {  	[sflag:s28] =	ssyncadd.s32 $0xFFFFE600  }
0x24c: {  	_ =	swait.ge [sflag:s28], $0x1800  }
0x24d: {  	[sflag:s28] =	ssyncset.done $0x0  }
0x24e: {  	s0 =	simm.s32 $0x0;
	[sflag:s28] =	ssyncadd.s32 $0xFFFFE800  }
0x24f: {  	v0 =	vld [tilespmem:s0+$0x117C0]  }
0x250: {  	v1 =	vld [tilespmem:s0+$0x117D0]  }
0x251: {  	v2 =	vld [tilespmem:s0+$0x11780]  }
0x252: {  	v3 =	vld [tilespmem:s0+$0x11790]  }
0x253: {  	v4 =	vld [tilespmem:s0+$0x11740]  }
0x254: {  	v5 =	vld [tilespmem:s0+$0x11750]  }
0x255: {  	v6 =	vld [tilespmem:s0+$0x11700]  }
0x256: {  	v7 =	vld [tilespmem:s0+$0x11710]  }
0x257: {  	v9 =	vld [tilespmem:s0+$0x116C0]  }
0x258: {  	v8 =	vld [tilespmem:s0+$0x116D0]  }
0x259: {  	v11 =	vld [tilespmem:s0+$0x11680]  }
0x25a: {  	v10 =	vld [tilespmem:s0+$0x11690]  }
0x25b: {  	v17 =	vld [tilespmem:s0+$0x11640]  }
0x25c: {  	v16 =	vld [tilespmem:s0+$0x11650]  }
0x25d: {  	v19 =	vld [tilespmem:s0+$0x11600]  }
0x25e: {  	v14 =	vimm.f32 $0.0e+00;
	v20 =	vld [tilespmem:s0+$0x11610]  }
0x25f: {  	s1 =	simm.s32 $0x800;
	v15 =	vimm.f32 $0.0e+00;
	v13 =	vimm.f32 $0.0e+00;
	v12 =	vimm.f32 $0.0e+00;
	v18 =	vld [tilespmem:s0+$0x11620]  }
.LBB2_18:
0x260: {  	p0 =	sne.s32 s1, $0xC000;
	v21 =	vld [tilespmem:s0+$0x11630]  }
0x261: {  	v22 =	vld [tilespmem:s0+$0x11660]  }
0x262: {  	v23 =	vld [tilespmem:s0+$0x11670]  }
0x263: {  	v24 =	vld [tilespmem:s0+$0x116A0]  }
0x264: {  	v12 =	vadd.f32 v19, v12;
	v15 =	vadd.f32 v20, v15;
	v19 =	vld [tilespmem:s0+$0x116B0]  }
0x265: {  	v14 =	vadd.f32 v18, v14;
	v13 =	vadd.f32 v21, v13;
	v18 =	vld [tilespmem:s0+$0x116E0]  }
0x266: {  	v12 =	vadd.f32 v17, v12;
	v15 =	vadd.f32 v16, v15;
	v16 =	vld [tilespmem:s0+$0x116F0]  }
0x267: {  	v14 =	vadd.f32 v22, v14;
	v13 =	vadd.f32 v23, v13;
	v17 =	vld [tilespmem:s0+$0x11720]  }
0x268: {  	v11 =	vadd.f32 v11, v12;
	v10 =	vadd.f32 v10, v15;
	v12 =	vld [tilespmem:s0+$0x11730]  }
0x269: {  	v14 =	vadd.f32 v24, v14;
	v13 =	vadd.f32 v19, v13;
	v15 =	vld [tilespmem:s0+$0x11760]  }
0x26a: {  	v9 =	vadd.f32 v9, v11;
	v8 =	vadd.f32 v8, v10;
	v10 =	vld [tilespmem:s0+$0x11770]  }
0x26b: {  	v11 =	vadd.f32 v18, v14;
	v13 =	vadd.f32 v16, v13;
	v14 =	vld [tilespmem:s0+$0x117A0]  }
0x26c: {  	v6 =	vadd.f32 v6, v9;
	v7 =	vadd.f32 v7, v8;
	v8 =	vld [tilespmem:s0+$0x117B0]  }
0x26d: {  	v9 =	vadd.f32 v17, v11;
	v11 =	vadd.f32 v12, v13;
	v13 =	vld [tilespmem:s0+$0x117E0]  }
0x26e: {  	v4 =	vadd.f32 v4, v6;
	v5 =	vadd.f32 v5, v7;
	v6 =	vld [tilespmem:s0+$0x117F0];
	s0 =	sshra.s32 s1, $0x2  }
0x26f: {  	v9 =	vadd.f32 v15, v9;
	v7 =	vld [tilespmem:s0+$0x117C0];
	v10 =	vadd.f32 v10, v11  }
0x270: {  	v4 =	vadd.f32 v2, v4;
	v5 =	vadd.f32 v3, v5;
	v11 =	vld [tilespmem:s0+$0x117D0]  }
0x271: {  	v9 =	vadd.f32 v14, v9;
	v2 =	vld [tilespmem:s0+$0x11780];
	v8 =	vadd.f32 v8, v10  }
0x272: {  	v12 =	vadd.f32 v0, v4;
	v15 =	vadd.f32 v1, v5;
	v3 =	vld [tilespmem:s0+$0x11790]  }
0x273: {  	v14 =	vadd.f32 v13, v9;
	v4 =	vld [tilespmem:s0+$0x11740];
	v13 =	vadd.f32 v6, v8  }
0x274: {  	v5 =	vld [tilespmem:s0+$0x11750];
	v0 =	vmov v7  }
0x275: {  	v6 =	vld [tilespmem:s0+$0x11700];
	v1 =	vmov v11  }
0x276: {  	v7 =	vld [tilespmem:s0+$0x11710]  }
0x277: {  	v9 =	vld [tilespmem:s0+$0x116C0]  }
0x278: {  	v8 =	vld [tilespmem:s0+$0x116D0]  }
0x279: {  	v11 =	vld [tilespmem:s0+$0x11680]  }
0x27a: {  	v10 =	vld [tilespmem:s0+$0x11690]  }
.Ltmp8:
0x27b: {  	v17 =	vld [tilespmem:s0+$0x11640];
	(pc) =	sbr.rel @p0 .LBB2_18-.Ltmp8, $4  }
0x27c: {  	v16 =	vld [tilespmem:s0+$0x11650]  }
0x27d: {  	v19 =	vld [tilespmem:s0+$0x11600]  }
0x27e: {  	v20 =	vld [tilespmem:s0+$0x11610]  }
0x27f: {  	s1 =	sadd.s32 $0x800, s1;
	v18 =	vld [tilespmem:s0+$0x11620]  }
0x280: {  	v21 =	vld [tilespmem:s0+$0x11630]  }
0x281: {  	v22 =	vld [tilespmem:s0+$0x11660]  }
0x282: {  	v23 =	vld [tilespmem:s0+$0x11670];
	v12 =	vadd.f32 v19, v12  }
0x283: {  	v43 =	vld [tilespmem:s0+$0x116A0];
	v15 =	vadd.f32 v20, v15  }
0x284: {  	v44 =	vld [tilespmem:s0+$0x116B0];
	v14 =	vadd.f32 v18, v14;
	v12 =	vadd.f32 v17, v12  }
0x285: {  	v45 =	vld [tilespmem:s0+$0x116E0];
	v13 =	vadd.f32 v21, v13;
	v15 =	vadd.f32 v16, v15  }
0x286: {  	v46 =	vld [tilespmem:s0+$0x116F0];
	v14 =	vadd.f32 v22, v14;
	v11 =	vadd.f32 v11, v12  }
0x287: {  	v48 =	vld [tilespmem:s0+$0x11720];
	v47 =	vadd.f32 v23, v13;
	v10 =	vadd.f32 v10, v15  }
0x288: {  	v49 =	vld [tilespmem:s0+$0x11730];
	v14 =	vadd.f32 v43, v14;
	v9 =	vadd.f32 v9, v11  }
0x289: {  	v51 =	vld [tilespmem:s0+$0x11760];
	v50 =	vadd.f32 v44, v47;
	v8 =	vadd.f32 v8, v10  }
0x28a: {  	v52 =	vld [tilespmem:s0+$0x11770];
	v14 =	vadd.f32 v45, v14;
	v6 =	vadd.f32 v6, v9  }
0x28b: {  	v54 =	vld [tilespmem:s0+$0x117A0];
	v53 =	vadd.f32 v46, v50;
	v7 =	vadd.f32 v7, v8  }
0x28c: {  	v55 =	vld [tilespmem:s0+$0x117B0];
	v13 =	vadd.f32 v48, v14;
	v4 =	vadd.f32 v4, v6  }
0x28d: {  	v57 =	vld [tilespmem:s0+$0x117E0];
	v56 =	vadd.f32 v49, v53;
	v5 =	vadd.f32 v5, v7  }
0x28e: {  	v58 =	vld [tilespmem:s0+$0x117F0];
	v12 =	vadd.f32 v51, v13;
	v2 =	vadd.f32 v2, v4  }
0x28f: {  	v59 =	vadd.f32 v52, v56;
	v3 =	vadd.f32 v3, v5  }
0x290: {  	v60 =	vadd.f32 v54, v12;
	v0 =	vadd.f32 v0, v2  }
0x291: {  	v61 =	vadd.f32 v55, v59;
	v1 =	vadd.f32 v1, v3  }
0x292: {  	v62 =	vadd.f32 v57, v60;
	[tilespmem:$0x167C0] =	vst v0  }
0x293: {  	s30 =	sadd.s32 $0x1, s30;
	v63 =	vadd.f32 v58, v61;
	[tilespmem:$0x167D0] =	vst v1  }
0x294: {  	p0 =	sne.s32 s30, s6;
	[tilespmem:$0x167E0] =	vst v62  }
.Ltmp9:
0x295: {  	[tilespmem:$0x167F0] =	vst v63;
	(pc) =	sbr.rel @p0 .LBB2_1-.Ltmp9, $4  }
0x296: {  	[hbm4b:s5+s2] =	stream.linear.scatter [tilespmem:s29], [sflag:$0x5], $0x2000, $0x38;
	[tilespmem:$0x16800] =	vst v63  }
0x297: {  	_ =	swait.ge [sflag:s7], $0x2000  }
0x298: {  	[sflag:s7] =	ssyncset.done $0x0  }
0x299: {  	[sflag:s7] =	ssyncadd.s32 $0xFFFFE000  }
0x29a: {  	_ =	sfence.sel $0x180000  }
0x29b: {  	[bflag:$0x0] =	sbarrier.arrive $0xFFFF  }
0x29c: {  	_ =	strace $0x90000047  }
0x29d: {  	s0 =	stileid.u32;
	[bflag:$0x2] =	sbarrier.arrive $0xFFFF  }
0x29e: {  	p0 =	sne.s32 s0, $0x0;
	s0 =	rddreg [dreg:$0x1]  }
0x29f: {  	s0 =	sadd.s32 @!p0 $0x100000, s0  }
0x2a0: {  	[sflag:s0] =	ssyncadd.tile.s32 @!p0 $0x1;
	_ =	shalt  }
.Lfunc_end2:
_tile_overlayer_lowered:
.L_overlay_start_2:
0x2a1: {  	(tag) =	ssettag $0x2  }
0x2a2: {  	s0 =	rddreg [dreg:$0x0];
	s2 =	stileid.u32  }
0x2a3: {  	s1 =	rddreg [dreg:$0x1];
	p0 =	sne.s32 s2, $0x0  }
0x2a4: {  	s3 =	rddreg [dreg:$0x2];
	[bflag:$0x3] =	sbarrier.arrive $0xFFFF;
	s2 =	simm.s32 @!p0 $0x1C05  }
0x2a5: {  	[timem:s3], [sflag:s2] =	dma.local @!p0 [hbm:s0], s1  }
0x2a6: {  	s0 =	simm.s32 @!p0 $0x5  }
0x2a7: {  	_ =	swait.ge @!p0 [sflag:s0], s1  }
0x2a8: {  	s1 =	ssub.s32 @!p0 $0x0, s1;
	[sflag:s0] =	ssyncset.done @!p0 $0x0  }
0x2a9: {  	[sflag:s0] =	ssyncadd.s32 @!p0 s1  }
0x2aa: {  	[bflag:$0x3] =	sbarrier.arrive $0xFFFF  }
0x2ab: {  	_ =	shalt  }

</sc_bundles>
